<compile_context>
chip_gen: v7x
topology: tpu7x:2x2x1
jax: 0.10.2.dev20260603
libtpu: 0.0.44.dev20260713+nightly
codegen_flags: <defaults>
</compile_context>

<pallas_src>
import functools

import jax
import jax.numpy as jnp
import numpy as np
from jax import lax
from jax.experimental import pallas as pl
from jax.experimental.pallas import tpu as pltpu
from jax.experimental.pallas import tpu_sc as plsc

B, N, D, H, W, C = 1, 6, 118, 16, 44, 80
XB = (-51.2, 51.2, 0.8)
YB = (-51.2, 51.2, 0.8)
ZB = (-10.0, 10.0, 20.0)
NX, NY, NZ = 128, 128, 1
NPRIME = B * N * D * H * W

CP = 128
P = 128
NCHUNKS = NPRIME // P
NSUB = 16
ROUNDS = -(-NCHUNKS // NSUB)

HALF = (NX * NY) // 2
GRID_ROWS = HALF + 256
ZCHUNKS = GRID_ROWS // P
VROWS_PER_TILE = HALF // NSUB
DCHUNKS = VROWS_PER_TILE // P

LANES = 16
GROUPS = P // LANES


def _f32(x):
    return np.float32(x)


def _axis_consts(bounds):
    lo, hi, dx = _f32(bounds[0]), _f32(bounds[1]), _f32(bounds[2])
    span = _f32(hi - lo)
    off = _f32(lo - _f32(_f32(0.05) * span))
    bx = _f32(lo + _f32(dx / _f32(2.0)))
    sub = _f32(bx - _f32(dx / _f32(2.0)))
    return span, off, sub, dx


def _sc_kernel_body(x_hbm, meta_hbm, zeros_hbm, out_hbm,
                    meta_v, idx_v, ramp_v, xbuf_v, xbuf2_v, sem, sem2,
                    grid_sh):
    cid_core = lax.axis_index("c")
    sid = lax.axis_index("s")

    sxc, oxc, bxc, dxc = _axis_consts(XB)
    syc, oyc, byc, dyc = _axis_consts(YB)
    szc, ozc, bzc, dzc = _axis_consts(ZB)

    iota16 = lax.iota(jnp.int32, LANES)
    row_lo = cid_core * HALF

    def build_ramp(base):
        for j in range(GROUPS):
            ramp_v[pl.ds(j * LANES, LANES)] = base + j * LANES + iota16

    pltpu.sync_copy(zeros_hbm, xbuf_v)
    for i in range(-(-ZCHUNKS // NSUB)):
        zc = i * NSUB + sid

        @pl.when(zc < ZCHUNKS)
        def _():
            build_ramp(zc * P)
            pltpu.sync_copy(xbuf_v, grid_sh.at[ramp_v])
    plsc.subcore_barrier()

    def compute_idx(cid):
        pltpu.sync_copy(meta_hbm.at[cid], meta_v)
        for j in range(GROUPS):
            sl = pl.ds(j * LANES, LANES)
            gx = meta_v[0, sl]
            gy = meta_v[1, sl]
            gz = meta_v[2, sl]
            dk = meta_v[3, sl]
            qx = ((gx * sxc) * np.float32(1.1) + oxc - bxc) / dxc
            qy = ((gy * syc) * np.float32(1.1) + oyc - byc) / dyc
            qz = ((gz * szc) * np.float32(1.1) + ozc - bzc) / dzc
            kept = ((qx >= 0.0) & (qx < np.float32(NX))
                    & (qy >= 0.0) & (qy < np.float32(NY))
                    & (qz >= 0.0) & (qz < np.float32(NZ))
                    & (dk > 0.5))
            vx = qx.astype(jnp.int32)
            vy = qy.astype(jnp.int32)
            dst = vx * NY + vy
            ldst = dst - row_lo
            mine = kept & (ldst >= 0) & (ldst < HALF)
            idx_v[sl] = jnp.where(mine, ldst, HALF + sid)

    bufs = (xbuf_v, xbuf2_v)
    sems = (sem, sem2)

    def wait_gather(par, cid):
        pltpu.make_async_copy(x_hbm.at[cid], bufs[par], sems[par]).wait()

    pltpu.async_copy(x_hbm.at[sid], bufs[0], sems[0])

    def chunk_body(k2, carry):
        for par in range(2):
            k = k2 * 2 + par
            cid = k * NSUB + sid
            nxt = (k + 1) * NSUB + sid

            @pl.when(nxt < NCHUNKS)
            def _():
                pltpu.async_copy(x_hbm.at[nxt], bufs[1 - par], sems[1 - par])

            @pl.when(cid < NCHUNKS)
            def _():
                compute_idx(cid)
                wait_gather(par, cid)
                pltpu.sync_copy(bufs[par], grid_sh.at[idx_v], add=True)
        return carry

    lax.fori_loop(0, ROUNDS // 2, chunk_body, 0)
    plsc.subcore_barrier()
    for t in range(DCHUNKS):
        rlo = sid * VROWS_PER_TILE + t * P
        build_ramp(rlo)
        pltpu.sync_copy(grid_sh.at[ramp_v], xbuf_v)
        pltpu.sync_copy(xbuf_v, out_hbm.at[cid_core, pl.ds(rlo, P)])


@functools.partial(jax.jit, static_argnames=())
def _sc_scatter(xp, meta, zeros):
    mesh = plsc.VectorSubcoreMesh(core_axis_name="c", subcore_axis_name="s")
    fn = pl.kernel(
        _sc_kernel_body,
            out_type=jax.ShapeDtypeStruct((2, HALF, CP), jnp.float32),
        mesh=mesh,
        scratch_types=[
            pltpu.VMEM((4, P), jnp.float32),
            pltpu.VMEM((P,), jnp.int32),
            pltpu.VMEM((P,), jnp.int32),
            pltpu.VMEM((P, CP), jnp.float32),
            pltpu.VMEM((P, CP), jnp.float32),
            pltpu.SemaphoreType.DMA,
            pltpu.SemaphoreType.DMA,
            pltpu.VMEM_SHARED((GRID_ROWS, CP), jnp.float32),
        ],
    )
    return fn(xp, meta, zeros)


def _tc_merge_body(p_ref, o_ref):
    t = p_ref[0]
    o_ref[...] = t[:, :C].T


def _tc_merge(partials):
    BLK = 128
    nblk = (NX * NY) // BLK
    hblk = HALF // BLK
    return pl.pallas_call(
        _tc_merge_body,
        grid=(nblk,),
        in_specs=[pl.BlockSpec((1, BLK, CP),
                               lambda i: (i // hblk, i % hblk, 0))],
        out_specs=pl.BlockSpec((C, BLK), lambda i: (0, i)),
        out_shape=jax.ShapeDtypeStruct((C, NX * NY), jnp.float32),
    )(partials)


def kernel(x, geom, depth_kept):
    xp = jnp.pad(x.reshape(NCHUNKS, P, C), ((0, 0), (0, 0), (0, CP - C)))
    geom_t = geom.reshape(NPRIME, 3).T
    dk = depth_kept.reshape(1, NPRIME).astype(jnp.float32)
    meta = jnp.concatenate([geom_t, dk], axis=0)
    meta = meta.reshape(4, NCHUNKS, P).transpose(1, 0, 2)
    zeros = jnp.zeros((P, CP), jnp.float32)
    partials = _sc_scatter(xp, meta, zeros)
    out = _tc_merge(partials)
    return out.reshape(B, NZ * C, NX, NY)

# --- scband reference (transcript-rebuilt; emitter-appended) ---
"""Pipeline reference for scband-base-transform-9921374453908 (READ-ONLY COPY).

The authoritative reference and input builder live on the scoring server;
editing this copy changes nothing except your own understanding.
"""

import jax, jax.numpy as jnp
import numpy as np

B, N, D, H, W, C = 1, 6, 118, 16, 44, 80
XB = (-51.2, 51.2, 0.8)
YB = (-51.2, 51.2, 0.8)
ZB = (-10.0, 10.0, 20.0)
NX = int(round((XB[1] - XB[0]) / XB[2]))
NY = int(round((YB[1] - YB[0]) / YB[2]))
NZ = int(round((ZB[1] - ZB[0]) / ZB[2]))


def setup_inputs(seed: int = 0) -> dict:
    key = jax.random.key(seed)
    k1, k2, k3 = jax.random.split(key, 3)
    x = jax.random.normal(k1, (B, N, D, H, W, C), dtype=jnp.float32)
    geom = jax.random.uniform(k2, (B, N, D, H, W, 3), dtype=jnp.float32)
    depth_kept = jax.random.randint(k3, (B, N, D, H, W), 0, 2).astype(bool)
    return {"x": x, "geom": geom, "depth_kept": depth_kept}


def reference(x, geom, depth_kept):
    # bev_pool (bevpoolv1 path): voxelize frustum points, drop out-of-range /
    # depth-filtered points, scatter-add features into the BEV grid.
    lo = jnp.array([XB[0], YB[0], ZB[0]], dtype=jnp.float32)
    hi = jnp.array([XB[1], YB[1], ZB[1]], dtype=jnp.float32)
    dx = jnp.array([XB[2], YB[2], ZB[2]], dtype=jnp.float32)
    # map unit-uniform geom into slightly-overshooting lidar coords so the
    # in-bounds `kept` mask is non-trivial (as in real frustum geometry)
    coords = geom * (hi - lo) * 1.1 + (lo - 0.05 * (hi - lo))
    bx = lo + dx / 2.0
    vox = jnp.floor((coords - (bx - dx / 2.0)) / dx).astype(jnp.int32)
    Nprime = B * N * D * H * W
    vox = vox.reshape(Nprime, 3)
    feats = x.reshape(Nprime, C)
    batch_ix = jnp.repeat(jnp.arange(B, dtype=jnp.int32), Nprime // B)
    kept = (vox[:, 0] >= 0) & (vox[:, 0] < NX) & \
           (vox[:, 1] >= 0) & (vox[:, 1] < NY) & \
           (vox[:, 2] >= 0) & (vox[:, 2] < NZ)
    kept = kept & depth_kept.reshape(Nprime)
    vx = jnp.clip(vox[:, 0], 0, NX - 1)
    vy = jnp.clip(vox[:, 1], 0, NY - 1)
    vz = jnp.clip(vox[:, 2], 0, NZ - 1)
    flat = ((batch_ix * NZ + vz) * NX + vx) * NY + vy
    feats_m = feats * kept[:, None].astype(feats.dtype)
    grid = jnp.zeros((B * NZ * NX * NY, C), dtype=feats.dtype).at[flat].add(feats_m)
    grid = grid.reshape(B, NZ, NX, NY, C)
    # torch: x -> [B, C, Z, X, Y]; final = cat(x.unbind(dim=2), 1) -> [B, Z*C, X, Y]
    grid = grid.transpose(0, 1, 4, 2, 3)  # [B, Z, C, X, Y]
    final = grid.reshape(B, NZ * C, NX, NY)
    return final

if __name__ == "__main__":
    import jax
    _d = setup_inputs()
    print(jax.jit(kernel)(*tuple(_d.values())))

</pallas_src>

<mosaic_0001>
#map = affine_map<(d0, d1) -> (0, 0, 0)>
#map1 = affine_map<(d0, d1) -> (0, 0)>
module attributes {stable_mosaic.version = 14 : i64} {
  func.func @_sc_kernel_body(%arg0: i32, %arg1: i32, %arg2: memref<3894x128x128xf32, #tpu.memory_space<hbm>>, %arg3: memref<3894x4x128xf32, #tpu.memory_space<hbm>>, %arg4: memref<128x128xf32, #tpu.memory_space<hbm>>, %arg5: memref<2x8192x128xf32, #tpu.memory_space<hbm>>, %arg6: memref<4x128xf32, #tpu.memory_space<vmem>>, %arg7: memref<128xi32, #tpu.memory_space<vmem>>, %arg8: memref<128xi32, #tpu.memory_space<vmem>>, %arg9: memref<128x128xf32, #tpu.memory_space<vmem>>, %arg10: memref<128x128xf32, #tpu.memory_space<vmem>>, %arg11: memref<!tpu.dma_semaphore, #tpu.memory_space<semaphore_mem>>, %arg12: memref<!tpu.dma_semaphore, #tpu.memory_space<semaphore_mem>>, %arg13: memref<8448x128xf32, #tpu.memory_space<vmem_shared>>) attributes {dimension_semantics = [#tpu.dimension_semantics<core_parallel>, #tpu.dimension_semantics<subcore_parallel>], iteration_bounds = array<i64: 2, 16>, scalar_prefetch = 0 : i64, scratch_operands = 8 : i64, tpu.core_type = #tpu.core_type<sc_vector_subcore>, window_params = [{transform_indices = #map}, {transform_indices = #map}, {transform_indices = #map1}, {transform_indices = #map}]} {
    %iota3A = tpu.iota {dimensions = array<i32: 0>} : vector<16xi32>
    %mul3A = arith.constant 8192 : i32
    %mul3A_0 = arith.muli %arg0, %mul3A : i32
    "tpu.region"() ({
      %run_scoped3A = tpu.sem_alloc : memref<!tpu.dma_semaphore, #tpu.memory_space<semaphore_mem>>
      tpu.enqueue_dma source(%arg4 : memref<128x128xf32, #tpu.memory_space<hbm>>) target(%arg9 : memref<128x128xf32, #tpu.memory_space<vmem>>) target_semaphore(%run_scoped3A : memref<!tpu.dma_semaphore, #tpu.memory_space<semaphore_mem>>)
      tpu.wait_dma2 semaphore(%run_scoped3A : memref<!tpu.dma_semaphore, #tpu.memory_space<semaphore_mem>>) src(%arg4 : memref<128x128xf32, #tpu.memory_space<hbm>>) dst(%arg9 : memref<128x128xf32, #tpu.memory_space<vmem>>)
      tpu.yield
    }) : () -> ()
    %add3A = arith.constant 0 : i32
    %add3A_1 = arith.addi %add3A, %arg1 : i32
    %lt3A = arith.constant 66 : i32
    %lt3A_2 = arith.cmpi slt, %add3A_1, %lt3A : i32
    %convert_element_type3A = arith.extui %lt3A_2 : i1 to i32
    %cond3A = arith.constant 0 : i32
    %cond3A_3 = arith.cmpi ne, %convert_element_type3A, %cond3A : i32
    scf.if %cond3A_3 {
      %mul3A_316 = arith.constant 128 : i32
      %mul3A_317 = arith.muli %add3A_1, %mul3A_316 : i32
      %add3A_318 = arith.constant 0 : i32
      %add3A_319 = arith.addi %mul3A_317, %add3A_318 : i32
      %add3A_320 = vector.broadcast %add3A_319 : i32 to vector<16xi32>
      %add3A_321 = arith.addi %add3A_320, %iota3A : vector<16xi32>
      %swap3A_322 = arith.constant 0 : index
      %swap3A_323 = tpu.vector_load %arg8[%swap3A_322] {strides = array<i32>} : memref<128xi32, #tpu.memory_space<vmem>>, vector<16xi32>,
      %swap3A_324 = vector.shape_cast %swap3A_323 : vector<16xi32> to vector<16xi32>
      %swap3A_325 = vector.shape_cast %add3A_321 : vector<16xi32> to vector<16xi32>
      tpu.vector_store %arg8[%swap3A_322], %swap3A_325 {strides = array<i32>} : memref<128xi32, #tpu.memory_space<vmem>>, vector<16xi32>,
      %add3A_326 = arith.constant 16 : i32
      %add3A_327 = arith.addi %mul3A_317, %add3A_326 : i32
      %add3A_328 = vector.broadcast %add3A_327 : i32 to vector<16xi32>
      %add3A_329 = arith.addi %add3A_328, %iota3A : vector<16xi32>
      %swap3A_330 = arith.constant 16 : index
      %swap3A_331 = tpu.vector_load %arg8[%swap3A_330] {strides = array<i32>} : memref<128xi32, #tpu.memory_space<vmem>>, vector<16xi32>,
      %swap3A_332 = vector.shape_cast %swap3A_331 : vector<16xi32> to vector<16xi32>
      %swap3A_333 = vector.shape_cast %add3A_329 : vector<16xi32> to vector<16xi32>
      tpu.vector_store %arg8[%swap3A_330], %swap3A_333 {strides = array<i32>} : memref<128xi32, #tpu.memory_space<vmem>>, vector<16xi32>,
      %add3A_334 = arith.constant 32 : i32
      %add3A_335 = arith.addi %mul3A_317, %add3A_334 : i32
      %add3A_336 = vector.broadcast %add3A_335 : i32 to vector<16xi32>
      %add3A_337 = arith.addi %add3A_336, %iota3A : vector<16xi32>
      %swap3A_338 = arith.constant 32 : index
      %swap3A_339 = tpu.vector_load %arg8[%swap3A_338] {strides = array<i32>} : memref<128xi32, #tpu.memory_space<vmem>>, vector<16xi32>,
      %swap3A_340 = vector.shape_cast %swap3A_339 : vector<16xi32> to vector<16xi32>
      %swap3A_341 = vector.shape_cast %add3A_337 : vector<16xi32> to vector<16xi32>
      tpu.vector_store %arg8[%swap3A_338], %swap3A_341 {strides = array<i32>} : memref<128xi32, #tpu.memory_space<vmem>>, vector<16xi32>,
      %add3A_342 = arith.constant 48 : i32
      %add3A_343 = arith.addi %mul3A_317, %add3A_342 : i32
      %add3A_344 = vector.broadcast %add3A_343 : i32 to vector<16xi32>
      %add3A_345 = arith.addi %add3A_344, %iota3A : vector<16xi32>
      %swap3A_346 = arith.constant 48 : index
      %swap3A_347 = tpu.vector_load %arg8[%swap3A_346] {strides = array<i32>} : memref<128xi32, #tpu.memory_space<vmem>>, vector<16xi32>,
      %swap3A_348 = vector.shape_cast %swap3A_347 : vector<16xi32> to vector<16xi32>
      %swap3A_349 = vector.shape_cast %add3A_345 : vector<16xi32> to vector<16xi32>
      tpu.vector_store %arg8[%swap3A_346], %swap3A_349 {strides = array<i32>} : memref<128xi32, #tpu.memory_space<vmem>>, vector<16xi32>,
      %add3A_350 = arith.constant 64 : i32
      %add3A_351 = arith.addi %mul3A_317, %add3A_350 : i32
      %add3A_352 = vector.broadcast %add3A_351 : i32 to vector<16xi32>
      %add3A_353 = arith.addi %add3A_352, %iota3A : vector<16xi32>
      %swap3A_354 = arith.constant 64 : index
      %swap3A_355 = tpu.vector_load %arg8[%swap3A_354] {strides = array<i32>} : memref<128xi32, #tpu.memory_space<vmem>>, vector<16xi32>,
      %swap3A_356 = vector.shape_cast %swap3A_355 : vector<16xi32> to vector<16xi32>
      %swap3A_357 = vector.shape_cast %add3A_353 : vector<16xi32> to vector<16xi32>
      tpu.vector_store %arg8[%swap3A_354], %swap3A_357 {strides = array<i32>} : memref<128xi32, #tpu.memory_space<vmem>>, vector<16xi32>,
      %add3A_358 = arith.constant 80 : i32
      %add3A_359 = arith.addi %mul3A_317, %add3A_358 : i32
      %add3A_360 = vector.broadcast %add3A_359 : i32 to vector<16xi32>
      %add3A_361 = arith.addi %add3A_360, %iota3A : vector<16xi32>
      %swap3A_362 = arith.constant 80 : index
      %swap3A_363 = tpu.vector_load %arg8[%swap3A_362] {strides = array<i32>} : memref<128xi32, #tpu.memory_space<vmem>>, vector<16xi32>,
      %swap3A_364 = vector.shape_cast %swap3A_363 : vector<16xi32> to vector<16xi32>
      %swap3A_365 = vector.shape_cast %add3A_361 : vector<16xi32> to vector<16xi32>
      tpu.vector_store %arg8[%swap3A_362], %swap3A_365 {strides = array<i32>} : memref<128xi32, #tpu.memory_space<vmem>>, vector<16xi32>,
      %add3A_366 = arith.constant 96 : i32
      %add3A_367 = arith.addi %mul3A_317, %add3A_366 : i32
      %add3A_368 = vector.broadcast %add3A_367 : i32 to vector<16xi32>
      %add3A_369 = arith.addi %add3A_368, %iota3A : vector<16xi32>
      %swap3A_370 = arith.constant 96 : index
      %swap3A_371 = tpu.vector_load %arg8[%swap3A_370] {strides = array<i32>} : memref<128xi32, #tpu.memory_space<vmem>>, vector<16xi32>,
      %swap3A_372 = vector.shape_cast %swap3A_371 : vector<16xi32> to vector<16xi32>
      %swap3A_373 = vector.shape_cast %add3A_369 : vector<16xi32> to vector<16xi32>
      tpu.vector_store %arg8[%swap3A_370], %swap3A_373 {strides = array<i32>} : memref<128xi32, #tpu.memory_space<vmem>>, vector<16xi32>,
      %add3A_374 = arith.constant 112 : i32
      %add3A_375 = arith.addi %mul3A_317, %add3A_374 : i32
      %add3A_376 = vector.broadcast %add3A_375 : i32 to vector<16xi32>
      %add3A_377 = arith.addi %add3A_376, %iota3A : vector<16xi32>
      %swap3A_378 = arith.constant 112 : index
      %swap3A_379 = tpu.vector_load %arg8[%swap3A_378] {strides = array<i32>} : memref<128xi32, #tpu.memory_space<vmem>>, vector<16xi32>,
      %swap3A_380 = vector.shape_cast %swap3A_379 : vector<16xi32> to vector<16xi32>
      %swap3A_381 = vector.shape_cast %add3A_377 : vector<16xi32> to vector<16xi32>
      tpu.vector_store %arg8[%swap3A_378], %swap3A_381 {strides = array<i32>} : memref<128xi32, #tpu.memory_space<vmem>>, vector<16xi32>,
      "tpu.region"() ({
        %run_scoped3A = tpu.sem_alloc : memref<!tpu.dma_semaphore, #tpu.memory_space<semaphore_mem>>
        %dma_start3A_382 = arith.constant 0 : i32
        %dma_start3A_383 = arith.constant 0 : i32
        %dma_start3A_384 = tpu.memref_slice %arg13[%dma_start3A_382, %dma_start3A_383] : memref<8448x128xf32, #tpu.memory_space<vmem_shared>> -> memref<8448x128xf32, #tpu.memory_space<vmem_shared>>
        tpu.enqueue_indirect_dma source(%arg9 : memref<128x128xf32, #tpu.memory_space<vmem>>) target(%dma_start3A_384 : memref<8448x128xf32, #tpu.memory_space<vmem_shared>>) offsets(%arg8 : memref<128xi32, #tpu.memory_space<vmem>>) semaphore(%run_scoped3A : memref<!tpu.dma_semaphore, #tpu.memory_space<semaphore_mem>>)
        %dma_wait3A = arith.constant 0 : i32
        %dma_wait3A_385 = arith.constant 0 : i32
        %dma_wait3A_386 = tpu.memref_slice %arg13[%dma_wait3A, %dma_wait3A_385] : memref<8448x128xf32, #tpu.memory_space<vmem_shared>> -> memref<8448x128xf32, #tpu.memory_space<vmem_shared>>
        tpu.wait_indirect_dma semaphore(%run_scoped3A : memref<!tpu.dma_semaphore, #tpu.memory_space<semaphore_mem>>) src(%arg9 : memref<128x128xf32, #tpu.memory_space<vmem>>) dst(%dma_wait3A_386 : memref<8448x128xf32, #tpu.memory_space<vmem_shared>>)
        tpu.yield
      }) : () -> ()
    } else {
    }
    %add3A_4 = arith.constant 16 : i32
    %add3A_5 = arith.addi %add3A_4, %arg1 : i32
    %lt3A_6 = arith.constant 66 : i32
    %lt3A_7 = arith.cmpi slt, %add3A_5, %lt3A_6 : i32
    %convert_element_type3A_8 = arith.extui %lt3A_7 : i1 to i32
    %cond3A_9 = arith.constant 0 : i32
    %cond3A_10 = arith.cmpi ne, %convert_element_type3A_8, %cond3A_9 : i32
    scf.if %cond3A_10 {
      %mul3A_316 = arith.constant 128 : i32
      %mul3A_317 = arith.muli %add3A_5, %mul3A_316 : i32
      %add3A_318 = arith.constant 0 : i32
      %add3A_319 = arith.addi %mul3A_317, %add3A_318 : i32
      %add3A_320 = vector.broadcast %add3A_319 : i32 to vector<16xi32>
      %add3A_321 = arith.addi %add3A_320, %iota3A : vector<16xi32>
      %swap3A_322 = arith.constant 0 : index
      %swap3A_323 = tpu.vector_load %arg8[%swap3A_322] {strides = array<i32>} : memref<128xi32, #tpu.memory_space<vmem>>, vector<16xi32>,
      %swap3A_324 = vector.shape_cast %swap3A_323 : vector<16xi32> to vector<16xi32>
      %swap3A_325 = vector.shape_cast %add3A_321 : vector<16xi32> to vector<16xi32>
      tpu.vector_store %arg8[%swap3A_322], %swap3A_325 {strides = array<i32>} : memref<128xi32, #tpu.memory_space<vmem>>, vector<16xi32>,
      %add3A_326 = arith.constant 16 : i32
      %add3A_327 = arith.addi %mul3A_317, %add3A_326 : i32
      %add3A_328 = vector.broadcast %add3A_327 : i32 to vector<16xi32>
      %add3A_329 = arith.addi %add3A_328, %iota3A : vector<16xi32>
      %swap3A_330 = arith.constant 16 : index
      %swap3A_331 = tpu.vector_load %arg8[%swap3A_330] {strides = array<i32>} : memref<128xi32, #tpu.memory_space<vmem>>, vector<16xi32>,
      %swap3A_332 = vector.shape_cast %swap3A_331 : vector<16xi32> to vector<16xi32>
      %swap3A_333 = vector.shape_cast %add3A_329 : vector<16xi32> to vector<16xi32>
      tpu.vector_store %arg8[%swap3A_330], %swap3A_333 {strides = array<i32>} : memref<128xi32, #tpu.memory_space<vmem>>, vector<16xi32>,
      %add3A_334 = arith.constant 32 : i32
      %add3A_335 = arith.addi %mul3A_317, %add3A_334 : i32
      %add3A_336 = vector.broadcast %add3A_335 : i32 to vector<16xi32>
      %add3A_337 = arith.addi %add3A_336, %iota3A : vector<16xi32>
      %swap3A_338 = arith.constant 32 : index
      %swap3A_339 = tpu.vector_load %arg8[%swap3A_338] {strides = array<i32>} : memref<128xi32, #tpu.memory_space<vmem>>, vector<16xi32>,
      %swap3A_340 = vector.shape_cast %swap3A_339 : vector<16xi32> to vector<16xi32>
      %swap3A_341 = vector.shape_cast %add3A_337 : vector<16xi32> to vector<16xi32>
      tpu.vector_store %arg8[%swap3A_338], %swap3A_341 {strides = array<i32>} : memref<128xi32, #tpu.memory_space<vmem>>, vector<16xi32>,
      %add3A_342 = arith.constant 48 : i32
      %add3A_343 = arith.addi %mul3A_317, %add3A_342 : i32
      %add3A_344 = vector.broadcast %add3A_343 : i32 to vector<16xi32>
      %add3A_345 = arith.addi %add3A_344, %iota3A : vector<16xi32>
      %swap3A_346 = arith.constant 48 : index
      %swap3A_347 = tpu.vector_load %arg8[%swap3A_346] {strides = array<i32>} : memref<128xi32, #tpu.memory_space<vmem>>, vector<16xi32>,
      %swap3A_348 = vector.shape_cast %swap3A_347 : vector<16xi32> to vector<16xi32>
      %swap3A_349 = vector.shape_cast %add3A_345 : vector<16xi32> to vector<16xi32>
      tpu.vector_store %arg8[%swap3A_346], %swap3A_349 {strides = array<i32>} : memref<128xi32, #tpu.memory_space<vmem>>, vector<16xi32>,
      %add3A_350 = arith.constant 64 : i32
      %add3A_351 = arith.addi %mul3A_317, %add3A_350 : i32
      %add3A_352 = vector.broadcast %add3A_351 : i32 to vector<16xi32>
      %add3A_353 = arith.addi %add3A_352, %iota3A : vector<16xi32>
      %swap3A_354 = arith.constant 64 : index
      %swap3A_355 = tpu.vector_load %arg8[%swap3A_354] {strides = array<i32>} : memref<128xi32, #tpu.memory_space<vmem>>, vector<16xi32>,
      %swap3A_356 = vector.shape_cast %swap3A_355 : vector<16xi32> to vector<16xi32>
      %swap3A_357 = vector.shape_cast %add3A_353 : vector<16xi32> to vector<16xi32>
      tpu.vector_store %arg8[%swap3A_354], %swap3A_357 {strides = array<i32>} : memref<128xi32, #tpu.memory_space<vmem>>, vector<16xi32>,
      %add3A_358 = arith.constant 80 : i32
      %add3A_359 = arith.addi %mul3A_317, %add3A_358 : i32
      %add3A_360 = vector.broadcast %add3A_359 : i32 to vector<16xi32>
      %add3A_361 = arith.addi %add3A_360, %iota3A : vector<16xi32>
      %swap3A_362 = arith.constant 80 : index
      %swap3A_363 = tpu.vector_load %arg8[%swap3A_362] {strides = array<i32>} : memref<128xi32, #tpu.memory_space<vmem>>, vector<16xi32>,
      %swap3A_364 = vector.shape_cast %swap3A_363 : vector<16xi32> to vector<16xi32>
      %swap3A_365 = vector.shape_cast %add3A_361 : vector<16xi32> to vector<16xi32>
      tpu.vector_store %arg8[%swap3A_362], %swap3A_365 {strides = array<i32>} : memref<128xi32, #tpu.memory_space<vmem>>, vector<16xi32>,
      %add3A_366 = arith.constant 96 : i32
      %add3A_367 = arith.addi %mul3A_317, %add3A_366 : i32
      %add3A_368 = vector.broadcast %add3A_367 : i32 to vector<16xi32>
      %add3A_369 = arith.addi %add3A_368, %iota3A : vector<16xi32>
      %swap3A_370 = arith.constant 96 : index
      %swap3A_371 = tpu.vector_load %arg8[%swap3A_370] {strides = array<i32>} : memref<128xi32, #tpu.memory_space<vmem>>, vector<16xi32>,
      %swap3A_372 = vector.shape_cast %swap3A_371 : vector<16xi32> to vector<16xi32>
      %swap3A_373 = vector.shape_cast %add3A_369 : vector<16xi32> to vector<16xi32>
      tpu.vector_store %arg8[%swap3A_370], %swap3A_373 {strides = array<i32>} : memref<128xi32, #tpu.memory_space<vmem>>, vector<16xi32>,
      %add3A_374 = arith.constant 112 : i32
      %add3A_375 = arith.addi %mul3A_317, %add3A_374 : i32
      %add3A_376 = vector.broadcast %add3A_375 : i32 to vector<16xi32>
      %add3A_377 = arith.addi %add3A_376, %iota3A : vector<16xi32>
      %swap3A_378 = arith.constant 112 : index
      %swap3A_379 = tpu.vector_load %arg8[%swap3A_378] {strides = array<i32>} : memref<128xi32, #tpu.memory_space<vmem>>, vector<16xi32>,
      %swap3A_380 = vector.shape_cast %swap3A_379 : vector<16xi32> to vector<16xi32>
      %swap3A_381 = vector.shape_cast %add3A_377 : vector<16xi32> to vector<16xi32>
      tpu.vector_store %arg8[%swap3A_378], %swap3A_381 {strides = array<i32>} : memref<128xi32, #tpu.memory_space<vmem>>, vector<16xi32>,
      "tpu.region"() ({
        %run_scoped3A = tpu.sem_alloc : memref<!tpu.dma_semaphore, #tpu.memory_space<semaphore_mem>>
        %dma_start3A_382 = arith.constant 0 : i32
        %dma_start3A_383 = arith.constant 0 : i32
        %dma_start3A_384 = tpu.memref_slice %arg13[%dma_start3A_382, %dma_start3A_383] : memref<8448x128xf32, #tpu.memory_space<vmem_shared>> -> memref<8448x128xf32, #tpu.memory_space<vmem_shared>>
        tpu.enqueue_indirect_dma source(%arg9 : memref<128x128xf32, #tpu.memory_space<vmem>>) target(%dma_start3A_384 : memref<8448x128xf32, #tpu.memory_space<vmem_shared>>) offsets(%arg8 : memref<128xi32, #tpu.memory_space<vmem>>) semaphore(%run_scoped3A : memref<!tpu.dma_semaphore, #tpu.memory_space<semaphore_mem>>)
        %dma_wait3A = arith.constant 0 : i32
        %dma_wait3A_385 = arith.constant 0 : i32
        %dma_wait3A_386 = tpu.memref_slice %arg13[%dma_wait3A, %dma_wait3A_385] : memref<8448x128xf32, #tpu.memory_space<vmem_shared>> -> memref<8448x128xf32, #tpu.memory_space<vmem_shared>>
        tpu.wait_indirect_dma semaphore(%run_scoped3A : memref<!tpu.dma_semaphore, #tpu.memory_space<semaphore_mem>>) src(%arg9 : memref<128x128xf32, #tpu.memory_space<vmem>>) dst(%dma_wait3A_386 : memref<8448x128xf32, #tpu.memory_space<vmem_shared>>)
        tpu.yield
      }) : () -> ()
    } else {
    }
    %add3A_11 = arith.constant 32 : i32
    %add3A_12 = arith.addi %add3A_11, %arg1 : i32
    %lt3A_13 = arith.constant 66 : i32
    %lt3A_14 = arith.cmpi slt, %add3A_12, %lt3A_13 : i32
    %convert_element_type3A_15 = arith.extui %lt3A_14 : i1 to i32
    %cond3A_16 = arith.constant 0 : i32
    %cond3A_17 = arith.cmpi ne, %convert_element_type3A_15, %cond3A_16 : i32
    scf.if %cond3A_17 {
      %mul3A_316 = arith.constant 128 : i32
      %mul3A_317 = arith.muli %add3A_12, %mul3A_316 : i32
      %add3A_318 = arith.constant 0 : i32
      %add3A_319 = arith.addi %mul3A_317, %add3A_318 : i32
      %add3A_320 = vector.broadcast %add3A_319 : i32 to vector<16xi32>
      %add3A_321 = arith.addi %add3A_320, %iota3A : vector<16xi32>
      %swap3A_322 = arith.constant 0 : index
      %swap3A_323 = tpu.vector_load %arg8[%swap3A_322] {strides = array<i32>} : memref<128xi32, #tpu.memory_space<vmem>>, vector<16xi32>,
      %swap3A_324 = vector.shape_cast %swap3A_323 : vector<16xi32> to vector<16xi32>
      %swap3A_325 = vector.shape_cast %add3A_321 : vector<16xi32> to vector<16xi32>
      tpu.vector_store %arg8[%swap3A_322], %swap3A_325 {strides = array<i32>} : memref<128xi32, #tpu.memory_space<vmem>>, vector<16xi32>,
      %add3A_326 = arith.constant 16 : i32
      %add3A_327 = arith.addi %mul3A_317, %add3A_326 : i32
      %add3A_328 = vector.broadcast %add3A_327 : i32 to vector<16xi32>
      %add3A_329 = arith.addi %add3A_328, %iota3A : vector<16xi32>
      %swap3A_330 = arith.constant 16 : index
      %swap3A_331 = tpu.vector_load %arg8[%swap3A_330] {strides = array<i32>} : memref<128xi32, #tpu.memory_space<vmem>>, vector<16xi32>,
      %swap3A_332 = vector.shape_cast %swap3A_331 : vector<16xi32> to vector<16xi32>
      %swap3A_333 = vector.shape_cast %add3A_329 : vector<16xi32> to vector<16xi32>
      tpu.vector_store %arg8[%swap3A_330], %swap3A_333 {strides = array<i32>} : memref<128xi32, #tpu.memory_space<vmem>>, vector<16xi32>,
      %add3A_334 = arith.constant 32 : i32
      %add3A_335 = arith.addi %mul3A_317, %add3A_334 : i32
      %add3A_336 = vector.broadcast %add3A_335 : i32 to vector<16xi32>
      %add3A_337 = arith.addi %add3A_336, %iota3A : vector<16xi32>
      %swap3A_338 = arith.constant 32 : index
      %swap3A_339 = tpu.vector_load %arg8[%swap3A_338] {strides = array<i32>} : memref<128xi32, #tpu.memory_space<vmem>>, vector<16xi32>,
      %swap3A_340 = vector.shape_cast %swap3A_339 : vector<16xi32> to vector<16xi32>
      %swap3A_341 = vector.shape_cast %add3A_337 : vector<16xi32> to vector<16xi32>
      tpu.vector_store %arg8[%swap3A_338], %swap3A_341 {strides = array<i32>} : memref<128xi32, #tpu.memory_space<vmem>>, vector<16xi32>,
      %add3A_342 = arith.constant 48 : i32
      %add3A_343 = arith.addi %mul3A_317, %add3A_342 : i32
      %add3A_344 = vector.broadcast %add3A_343 : i32 to vector<16xi32>
      %add3A_345 = arith.addi %add3A_344, %iota3A : vector<16xi32>
      %swap3A_346 = arith.constant 48 : index
      %swap3A_347 = tpu.vector_load %arg8[%swap3A_346] {strides = array<i32>} : memref<128xi32, #tpu.memory_space<vmem>>, vector<16xi32>,
      %swap3A_348 = vector.shape_cast %swap3A_347 : vector<16xi32> to vector<16xi32>
      %swap3A_349 = vector.shape_cast %add3A_345 : vector<16xi32> to vector<16xi32>
      tpu.vector_store %arg8[%swap3A_346], %swap3A_349 {strides = array<i32>} : memref<128xi32, #tpu.memory_space<vmem>>, vector<16xi32>,
      %add3A_350 = arith.constant 64 : i32
      %add3A_351 = arith.addi %mul3A_317, %add3A_350 : i32
      %add3A_352 = vector.broadcast %add3A_351 : i32 to vector<16xi32>
      %add3A_353 = arith.addi %add3A_352, %iota3A : vector<16xi32>
      %swap3A_354 = arith.constant 64 : index
      %swap3A_355 = tpu.vector_load %arg8[%swap3A_354] {strides = array<i32>} : memref<128xi32, #tpu.memory_space<vmem>>, vector<16xi32>,
      %swap3A_356 = vector.shape_cast %swap3A_355 : vector<16xi32> to vector<16xi32>
      %swap3A_357 = vector.shape_cast %add3A_353 : vector<16xi32> to vector<16xi32>
      tpu.vector_store %arg8[%swap3A_354], %swap3A_357 {strides = array<i32>} : memref<128xi32, #tpu.memory_space<vmem>>, vector<16xi32>,
      %add3A_358 = arith.constant 80 : i32
      %add3A_359 = arith.addi %mul3A_317, %add3A_358 : i32
      %add3A_360 = vector.broadcast %add3A_359 : i32 to vector<16xi32>
      %add3A_361 = arith.addi %add3A_360, %iota3A : vector<16xi32>
      %swap3A_362 = arith.constant 80 : index
      %swap3A_363 = tpu.vector_load %arg8[%swap3A_362] {strides = array<i32>} : memref<128xi32, #tpu.memory_space<vmem>>, vector<16xi32>,
      %swap3A_364 = vector.shape_cast %swap3A_363 : vector<16xi32> to vector<16xi32>
      %swap3A_365 = vector.shape_cast %add3A_361 : vector<16xi32> to vector<16xi32>
      tpu.vector_store %arg8[%swap3A_362], %swap3A_365 {strides = array<i32>} : memref<128xi32, #tpu.memory_space<vmem>>, vector<16xi32>,
      %add3A_366 = arith.constant 96 : i32
      %add3A_367 = arith.addi %mul3A_317, %add3A_366 : i32
      %add3A_368 = vector.broadcast %add3A_367 : i32 to vector<16xi32>
      %add3A_369 = arith.addi %add3A_368, %iota3A : vector<16xi32>
      %swap3A_370 = arith.constant 96 : index
      %swap3A_371 = tpu.vector_load %arg8[%swap3A_370] {strides = array<i32>} : memref<128xi32, #tpu.memory_space<vmem>>, vector<16xi32>,
      %swap3A_372 = vector.shape_cast %swap3A_371 : vector<16xi32> to vector<16xi32>
      %swap3A_373 = vector.shape_cast %add3A_369 : vector<16xi32> to vector<16xi32>
      tpu.vector_store %arg8[%swap3A_370], %swap3A_373 {strides = array<i32>} : memref<128xi32, #tpu.memory_space<vmem>>, vector<16xi32>,
      %add3A_374 = arith.constant 112 : i32
      %add3A_375 = arith.addi %mul3A_317, %add3A_374 : i32
      %add3A_376 = vector.broadcast %add3A_375 : i32 to vector<16xi32>
      %add3A_377 = arith.addi %add3A_376, %iota3A : vector<16xi32>
      %swap3A_378 = arith.constant 112 : index
      %swap3A_379 = tpu.vector_load %arg8[%swap3A_378] {strides = array<i32>} : memref<128xi32, #tpu.memory_space<vmem>>, vector<16xi32>,
      %swap3A_380 = vector.shape_cast %swap3A_379 : vector<16xi32> to vector<16xi32>
      %swap3A_381 = vector.shape_cast %add3A_377 : vector<16xi32> to vector<16xi32>
      tpu.vector_store %arg8[%swap3A_378], %swap3A_381 {strides = array<i32>} : memref<128xi32, #tpu.memory_space<vmem>>, vector<16xi32>,
      "tpu.region"() ({
        %run_scoped3A = tpu.sem_alloc : memref<!tpu.dma_semaphore, #tpu.memory_space<semaphore_mem>>
        %dma_start3A_382 = arith.constant 0 : i32
        %dma_start3A_383 = arith.constant 0 : i32
        %dma_start3A_384 = tpu.memref_slice %arg13[%dma_start3A_382, %dma_start3A_383] : memref<8448x128xf32, #tpu.memory_space<vmem_shared>> -> memref<8448x128xf32, #tpu.memory_space<vmem_shared>>
        tpu.enqueue_indirect_dma source(%arg9 : memref<128x128xf32, #tpu.memory_space<vmem>>) target(%dma_start3A_384 : memref<8448x128xf32, #tpu.memory_space<vmem_shared>>) offsets(%arg8 : memref<128xi32, #tpu.memory_space<vmem>>) semaphore(%run_scoped3A : memref<!tpu.dma_semaphore, #tpu.memory_space<semaphore_mem>>)
        %dma_wait3A = arith.constant 0 : i32
        %dma_wait3A_385 = arith.constant 0 : i32
        %dma_wait3A_386 = tpu.memref_slice %arg13[%dma_wait3A, %dma_wait3A_385] : memref<8448x128xf32, #tpu.memory_space<vmem_shared>> -> memref<8448x128xf32, #tpu.memory_space<vmem_shared>>
        tpu.wait_indirect_dma semaphore(%run_scoped3A : memref<!tpu.dma_semaphore, #tpu.memory_space<semaphore_mem>>) src(%arg9 : memref<128x128xf32, #tpu.memory_space<vmem>>) dst(%dma_wait3A_386 : memref<8448x128xf32, #tpu.memory_space<vmem_shared>>)
        tpu.yield
      }) : () -> ()
    } else {
    }
    %add3A_18 = arith.constant 48 : i32
    %add3A_19 = arith.addi %add3A_18, %arg1 : i32
    %lt3A_20 = arith.constant 66 : i32
    %lt3A_21 = arith.cmpi slt, %add3A_19, %lt3A_20 : i32
    %convert_element_type3A_22 = arith.extui %lt3A_21 : i1 to i32
    %cond3A_23 = arith.constant 0 : i32
    %cond3A_24 = arith.cmpi ne, %convert_element_type3A_22, %cond3A_23 : i32
    scf.if %cond3A_24 {
      %mul3A_316 = arith.constant 128 : i32
      %mul3A_317 = arith.muli %add3A_19, %mul3A_316 : i32
      %add3A_318 = arith.constant 0 : i32
      %add3A_319 = arith.addi %mul3A_317, %add3A_318 : i32
      %add3A_320 = vector.broadcast %add3A_319 : i32 to vector<16xi32>
      %add3A_321 = arith.addi %add3A_320, %iota3A : vector<16xi32>
      %swap3A_322 = arith.constant 0 : index
      %swap3A_323 = tpu.vector_load %arg8[%swap3A_322] {strides = array<i32>} : memref<128xi32, #tpu.memory_space<vmem>>, vector<16xi32>,
      %swap3A_324 = vector.shape_cast %swap3A_323 : vector<16xi32> to vector<16xi32>
      %swap3A_325 = vector.shape_cast %add3A_321 : vector<16xi32> to vector<16xi32>
      tpu.vector_store %arg8[%swap3A_322], %swap3A_325 {strides = array<i32>} : memref<128xi32, #tpu.memory_space<vmem>>, vector<16xi32>,
      %add3A_326 = arith.constant 16 : i32
      %add3A_327 = arith.addi %mul3A_317, %add3A_326 : i32
      %add3A_328 = vector.broadcast %add3A_327 : i32 to vector<16xi32>
      %add3A_329 = arith.addi %add3A_328, %iota3A : vector<16xi32>
      %swap3A_330 = arith.constant 16 : index
      %swap3A_331 = tpu.vector_load %arg8[%swap3A_330] {strides = array<i32>} : memref<128xi32, #tpu.memory_space<vmem>>, vector<16xi32>,
      %swap3A_332 = vector.shape_cast %swap3A_331 : vector<16xi32> to vector<16xi32>
      %swap3A_333 = vector.shape_cast %add3A_329 : vector<16xi32> to vector<16xi32>
      tpu.vector_store %arg8[%swap3A_330], %swap3A_333 {strides = array<i32>} : memref<128xi32, #tpu.memory_space<vmem>>, vector<16xi32>,
      %add3A_334 = arith.constant 32 : i32
      %add3A_335 = arith.addi %mul3A_317, %add3A_334 : i32
      %add3A_336 = vector.broadcast %add3A_335 : i32 to vector<16xi32>
      %add3A_337 = arith.addi %add3A_336, %iota3A : vector<16xi32>
      %swap3A_338 = arith.constant 32 : index
      %swap3A_339 = tpu.vector_load %arg8[%swap3A_338] {strides = array<i32>} : memref<128xi32, #tpu.memory_space<vmem>>, vector<16xi32>,
      %swap3A_340 = vector.shape_cast %swap3A_339 : vector<16xi32> to vector<16xi32>
      %swap3A_341 = vector.shape_cast %add3A_337 : vector<16xi32> to vector<16xi32>
      tpu.vector_store %arg8[%swap3A_338], %swap3A_341 {strides = array<i32>} : memref<128xi32, #tpu.memory_space<vmem>>, vector<16xi32>,
      %add3A_342 = arith.constant 48 : i32
      %add3A_343 = arith.addi %mul3A_317, %add3A_342 : i32
      %add3A_344 = vector.broadcast %add3A_343 : i32 to vector<16xi32>
      %add3A_345 = arith.addi %add3A_344, %iota3A : vector<16xi32>
      %swap3A_346 = arith.constant 48 : index
      %swap3A_347 = tpu.vector_load %arg8[%swap3A_346] {strides = array<i32>} : memref<128xi32, #tpu.memory_space<vmem>>, vector<16xi32>,
      %swap3A_348 = vector.shape_cast %swap3A_347 : vector<16xi32> to vector<16xi32>
      %swap3A_349 = vector.shape_cast %add3A_345 : vector<16xi32> to vector<16xi32>
      tpu.vector_store %arg8[%swap3A_346], %swap3A_349 {strides = array<i32>} : memref<128xi32, #tpu.memory_space<vmem>>, vector<16xi32>,
      %add3A_350 = arith.constant 64 : i32
      %add3A_351 = arith.addi %mul3A_317, %add3A_350 : i32
      %add3A_352 = vector.broadcast %add3A_351 : i32 to vector<16xi32>
      %add3A_353 = arith.addi %add3A_352, %iota3A : vector<16xi32>
      %swap3A_354 = arith.constant 64 : index
      %swap3A_355 = tpu.vector_load %arg8[%swap3A_354] {strides = array<i32>} : memref<128xi32, #tpu.memory_space<vmem>>, vector<16xi32>,
      %swap3A_356 = vector.shape_cast %swap3A_355 : vector<16xi32> to vector<16xi32>
      %swap3A_357 = vector.shape_cast %add3A_353 : vector<16xi32> to vector<16xi32>
      tpu.vector_store %arg8[%swap3A_354], %swap3A_357 {strides = array<i32>} : memref<128xi32, #tpu.memory_space<vmem>>, vector<16xi32>,
      %add3A_358 = arith.constant 80 : i32
      %add3A_359 = arith.addi %mul3A_317, %add3A_358 : i32
      %add3A_360 = vector.broadcast %add3A_359 : i32 to vector<16xi32>
      %add3A_361 = arith.addi %add3A_360, %iota3A : vector<16xi32>
      %swap3A_362 = arith.constant 80 : index
      %swap3A_363 = tpu.vector_load %arg8[%swap3A_362] {strides = array<i32>} : memref<128xi32, #tpu.memory_space<vmem>>, vector<16xi32>,
      %swap3A_364 = vector.shape_cast %swap3A_363 : vector<16xi32> to vector<16xi32>
      %swap3A_365 = vector.shape_cast %add3A_361 : vector<16xi32> to vector<16xi32>
      tpu.vector_store %arg8[%swap3A_362], %swap3A_365 {strides = array<i32>} : memref<128xi32, #tpu.memory_space<vmem>>, vector<16xi32>,
      %add3A_366 = arith.constant 96 : i32
      %add3A_367 = arith.addi %mul3A_317, %add3A_366 : i32
      %add3A_368 = vector.broadcast %add3A_367 : i32 to vector<16xi32>
      %add3A_369 = arith.addi %add3A_368, %iota3A : vector<16xi32>
      %swap3A_370 = arith.constant 96 : index
      %swap3A_371 = tpu.vector_load %arg8[%swap3A_370] {strides = array<i32>} : memref<128xi32, #tpu.memory_space<vmem>>, vector<16xi32>,
      %swap3A_372 = vector.shape_cast %swap3A_371 : vector<16xi32> to vector<16xi32>
      %swap3A_373 = vector.shape_cast %add3A_369 : vector<16xi32> to vector<16xi32>
      tpu.vector_store %arg8[%swap3A_370], %swap3A_373 {strides = array<i32>} : memref<128xi32, #tpu.memory_space<vmem>>, vector<16xi32>,
      %add3A_374 = arith.constant 112 : i32
      %add3A_375 = arith.addi %mul3A_317, %add3A_374 : i32
      %add3A_376 = vector.broadcast %add3A_375 : i32 to vector<16xi32>
      %add3A_377 = arith.addi %add3A_376, %iota3A : vector<16xi32>
      %swap3A_378 = arith.constant 112 : index
      %swap3A_379 = tpu.vector_load %arg8[%swap3A_378] {strides = array<i32>} : memref<128xi32, #tpu.memory_space<vmem>>, vector<16xi32>,
      %swap3A_380 = vector.shape_cast %swap3A_379 : vector<16xi32> to vector<16xi32>
      %swap3A_381 = vector.shape_cast %add3A_377 : vector<16xi32> to vector<16xi32>
      tpu.vector_store %arg8[%swap3A_378], %swap3A_381 {strides = array<i32>} : memref<128xi32, #tpu.memory_space<vmem>>, vector<16xi32>,
      "tpu.region"() ({
        %run_scoped3A = tpu.sem_alloc : memref<!tpu.dma_semaphore, #tpu.memory_space<semaphore_mem>>
        %dma_start3A_382 = arith.constant 0 : i32
        %dma_start3A_383 = arith.constant 0 : i32
        %dma_start3A_384 = tpu.memref_slice %arg13[%dma_start3A_382, %dma_start3A_383] : memref<8448x128xf32, #tpu.memory_space<vmem_shared>> -> memref<8448x128xf32, #tpu.memory_space<vmem_shared>>
        tpu.enqueue_indirect_dma source(%arg9 : memref<128x128xf32, #tpu.memory_space<vmem>>) target(%dma_start3A_384 : memref<8448x128xf32, #tpu.memory_space<vmem_shared>>) offsets(%arg8 : memref<128xi32, #tpu.memory_space<vmem>>) semaphore(%run_scoped3A : memref<!tpu.dma_semaphore, #tpu.memory_space<semaphore_mem>>)
        %dma_wait3A = arith.constant 0 : i32
        %dma_wait3A_385 = arith.constant 0 : i32
        %dma_wait3A_386 = tpu.memref_slice %arg13[%dma_wait3A, %dma_wait3A_385] : memref<8448x128xf32, #tpu.memory_space<vmem_shared>> -> memref<8448x128xf32, #tpu.memory_space<vmem_shared>>
        tpu.wait_indirect_dma semaphore(%run_scoped3A : memref<!tpu.dma_semaphore, #tpu.memory_space<semaphore_mem>>) src(%arg9 : memref<128x128xf32, #tpu.memory_space<vmem>>) dst(%dma_wait3A_386 : memref<8448x128xf32, #tpu.memory_space<vmem_shared>>)
        tpu.yield
      }) : () -> ()
    } else {
    }
    %add3A_25 = arith.constant 64 : i32
    %add3A_26 = arith.addi %add3A_25, %arg1 : i32
    %lt3A_27 = arith.constant 66 : i32
    %lt3A_28 = arith.cmpi slt, %add3A_26, %lt3A_27 : i32
    %convert_element_type3A_29 = arith.extui %lt3A_28 : i1 to i32
    %cond3A_30 = arith.constant 0 : i32
    %cond3A_31 = arith.cmpi ne, %convert_element_type3A_29, %cond3A_30 : i32
    scf.if %cond3A_31 {
      %mul3A_316 = arith.constant 128 : i32
      %mul3A_317 = arith.muli %add3A_26, %mul3A_316 : i32
      %add3A_318 = arith.constant 0 : i32
      %add3A_319 = arith.addi %mul3A_317, %add3A_318 : i32
      %add3A_320 = vector.broadcast %add3A_319 : i32 to vector<16xi32>
      %add3A_321 = arith.addi %add3A_320, %iota3A : vector<16xi32>
      %swap3A_322 = arith.constant 0 : index
      %swap3A_323 = tpu.vector_load %arg8[%swap3A_322] {strides = array<i32>} : memref<128xi32, #tpu.memory_space<vmem>>, vector<16xi32>,
      %swap3A_324 = vector.shape_cast %swap3A_323 : vector<16xi32> to vector<16xi32>
      %swap3A_325 = vector.shape_cast %add3A_321 : vector<16xi32> to vector<16xi32>
      tpu.vector_store %arg8[%swap3A_322], %swap3A_325 {strides = array<i32>} : memref<128xi32, #tpu.memory_space<vmem>>, vector<16xi32>,
      %add3A_326 = arith.constant 16 : i32
      %add3A_327 = arith.addi %mul3A_317, %add3A_326 : i32
      %add3A_328 = vector.broadcast %add3A_327 : i32 to vector<16xi32>
      %add3A_329 = arith.addi %add3A_328, %iota3A : vector<16xi32>
      %swap3A_330 = arith.constant 16 : index
      %swap3A_331 = tpu.vector_load %arg8[%swap3A_330] {strides = array<i32>} : memref<128xi32, #tpu.memory_space<vmem>>, vector<16xi32>,
      %swap3A_332 = vector.shape_cast %swap3A_331 : vector<16xi32> to vector<16xi32>
      %swap3A_333 = vector.shape_cast %add3A_329 : vector<16xi32> to vector<16xi32>
      tpu.vector_store %arg8[%swap3A_330], %swap3A_333 {strides = array<i32>} : memref<128xi32, #tpu.memory_space<vmem>>, vector<16xi32>,
      %add3A_334 = arith.constant 32 : i32
      %add3A_335 = arith.addi %mul3A_317, %add3A_334 : i32
      %add3A_336 = vector.broadcast %add3A_335 : i32 to vector<16xi32>
      %add3A_337 = arith.addi %add3A_336, %iota3A : vector<16xi32>
      %swap3A_338 = arith.constant 32 : index
      %swap3A_339 = tpu.vector_load %arg8[%swap3A_338] {strides = array<i32>} : memref<128xi32, #tpu.memory_space<vmem>>, vector<16xi32>,
      %swap3A_340 = vector.shape_cast %swap3A_339 : vector<16xi32> to vector<16xi32>
      %swap3A_341 = vector.shape_cast %add3A_337 : vector<16xi32> to vector<16xi32>
      tpu.vector_store %arg8[%swap3A_338], %swap3A_341 {strides = array<i32>} : memref<128xi32, #tpu.memory_space<vmem>>, vector<16xi32>,
      %add3A_342 = arith.constant 48 : i32
      %add3A_343 = arith.addi %mul3A_317, %add3A_342 : i32
      %add3A_344 = vector.broadcast %add3A_343 : i32 to vector<16xi32>
      %add3A_345 = arith.addi %add3A_344, %iota3A : vector<16xi32>
      %swap3A_346 = arith.constant 48 : index
      %swap3A_347 = tpu.vector_load %arg8[%swap3A_346] {strides = array<i32>} : memref<128xi32, #tpu.memory_space<vmem>>, vector<16xi32>,
      %swap3A_348 = vector.shape_cast %swap3A_347 : vector<16xi32> to vector<16xi32>
      %swap3A_349 = vector.shape_cast %add3A_345 : vector<16xi32> to vector<16xi32>
      tpu.vector_store %arg8[%swap3A_346], %swap3A_349 {strides = array<i32>} : memref<128xi32, #tpu.memory_space<vmem>>, vector<16xi32>,
      %add3A_350 = arith.constant 64 : i32
      %add3A_351 = arith.addi %mul3A_317, %add3A_350 : i32
      %add3A_352 = vector.broadcast %add3A_351 : i32 to vector<16xi32>
      %add3A_353 = arith.addi %add3A_352, %iota3A : vector<16xi32>
      %swap3A_354 = arith.constant 64 : index
      %swap3A_355 = tpu.vector_load %arg8[%swap3A_354] {strides = array<i32>} : memref<128xi32, #tpu.memory_space<vmem>>, vector<16xi32>,
      %swap3A_356 = vector.shape_cast %swap3A_355 : vector<16xi32> to vector<16xi32>
      %swap3A_357 = vector.shape_cast %add3A_353 : vector<16xi32> to vector<16xi32>
      tpu.vector_store %arg8[%swap3A_354], %swap3A_357 {strides = array<i32>} : memref<128xi32, #tpu.memory_space<vmem>>, vector<16xi32>,
      %add3A_358 = arith.constant 80 : i32
      %add3A_359 = arith.addi %mul3A_317, %add3A_358 : i32
      %add3A_360 = vector.broadcast %add3A_359 : i32 to vector<16xi32>
      %add3A_361 = arith.addi %add3A_360, %iota3A : vector<16xi32>
      %swap3A_362 = arith.constant 80 : index
      %swap3A_363 = tpu.vector_load %arg8[%swap3A_362] {strides = array<i32>} : memref<128xi32, #tpu.memory_space<vmem>>, vector<16xi32>,
      %swap3A_364 = vector.shape_cast %swap3A_363 : vector<16xi32> to vector<16xi32>
      %swap3A_365 = vector.shape_cast %add3A_361 : vector<16xi32> to vector<16xi32>
      tpu.vector_store %arg8[%swap3A_362], %swap3A_365 {strides = array<i32>} : memref<128xi32, #tpu.memory_space<vmem>>, vector<16xi32>,
      %add3A_366 = arith.constant 96 : i32
      %add3A_367 = arith.addi %mul3A_317, %add3A_366 : i32
      %add3A_368 = vector.broadcast %add3A_367 : i32 to vector<16xi32>
      %add3A_369 = arith.addi %add3A_368, %iota3A : vector<16xi32>
      %swap3A_370 = arith.constant 96 : index
      %swap3A_371 = tpu.vector_load %arg8[%swap3A_370] {strides = array<i32>} : memref<128xi32, #tpu.memory_space<vmem>>, vector<16xi32>,
      %swap3A_372 = vector.shape_cast %swap3A_371 : vector<16xi32> to vector<16xi32>
      %swap3A_373 = vector.shape_cast %add3A_369 : vector<16xi32> to vector<16xi32>
      tpu.vector_store %arg8[%swap3A_370], %swap3A_373 {strides = array<i32>} : memref<128xi32, #tpu.memory_space<vmem>>, vector<16xi32>,
      %add3A_374 = arith.constant 112 : i32
      %add3A_375 = arith.addi %mul3A_317, %add3A_374 : i32
      %add3A_376 = vector.broadcast %add3A_375 : i32 to vector<16xi32>
      %add3A_377 = arith.addi %add3A_376, %iota3A : vector<16xi32>
      %swap3A_378 = arith.constant 112 : index
      %swap3A_379 = tpu.vector_load %arg8[%swap3A_378] {strides = array<i32>} : memref<128xi32, #tpu.memory_space<vmem>>, vector<16xi32>,
      %swap3A_380 = vector.shape_cast %swap3A_379 : vector<16xi32> to vector<16xi32>
      %swap3A_381 = vector.shape_cast %add3A_377 : vector<16xi32> to vector<16xi32>
      tpu.vector_store %arg8[%swap3A_378], %swap3A_381 {strides = array<i32>} : memref<128xi32, #tpu.memory_space<vmem>>, vector<16xi32>,
      "tpu.region"() ({
        %run_scoped3A = tpu.sem_alloc : memref<!tpu.dma_semaphore, #tpu.memory_space<semaphore_mem>>
        %dma_start3A_382 = arith.constant 0 : i32
        %dma_start3A_383 = arith.constant 0 : i32
        %dma_start3A_384 = tpu.memref_slice %arg13[%dma_start3A_382, %dma_start3A_383] : memref<8448x128xf32, #tpu.memory_space<vmem_shared>> -> memref<8448x128xf32, #tpu.memory_space<vmem_shared>>
        tpu.enqueue_indirect_dma source(%arg9 : memref<128x128xf32, #tpu.memory_space<vmem>>) target(%dma_start3A_384 : memref<8448x128xf32, #tpu.memory_space<vmem_shared>>) offsets(%arg8 : memref<128xi32, #tpu.memory_space<vmem>>) semaphore(%run_scoped3A : memref<!tpu.dma_semaphore, #tpu.memory_space<semaphore_mem>>)
        %dma_wait3A = arith.constant 0 : i32
        %dma_wait3A_385 = arith.constant 0 : i32
        %dma_wait3A_386 = tpu.memref_slice %arg13[%dma_wait3A, %dma_wait3A_385] : memref<8448x128xf32, #tpu.memory_space<vmem_shared>> -> memref<8448x128xf32, #tpu.memory_space<vmem_shared>>
        tpu.wait_indirect_dma semaphore(%run_scoped3A : memref<!tpu.dma_semaphore, #tpu.memory_space<semaphore_mem>>) src(%arg9 : memref<128x128xf32, #tpu.memory_space<vmem>>) dst(%dma_wait3A_386 : memref<8448x128xf32, #tpu.memory_space<vmem_shared>>)
        tpu.yield
      }) : () -> ()
    } else {
    }
    %barrier3A = arith.constant 0 : index
    tpu.barrier barrier_id(%barrier3A)
    %dma_start3A = arith.constant 0 : i32
    %dma_start3A_32 = arith.constant 0 : i32
    %dma_start3A_33 = tpu.memref_slice %arg2[%arg1, %dma_start3A, %dma_start3A_32] : memref<3894x128x128xf32, #tpu.memory_space<hbm>> -> memref<1x128x128xf32, #tpu.memory_space<hbm>>
    %dma_start3A_34 = tpu.memref_squeeze %dma_start3A_33 : memref<1x128x128xf32, #tpu.memory_space<hbm>> -> memref<128x128xf32, #tpu.memory_space<hbm>>
    %dma_start3A_35 = arith.constant 0 : i32
    %dma_start3A_36 = arith.constant 0 : i32
    %dma_start3A_37 = tpu.memref_slice %arg2[%arg1, %dma_start3A_35, %dma_start3A_36] : memref<3894x128x128xf32, #tpu.memory_space<hbm>> -> memref<1x128x128xf32, #tpu.memory_space<hbm>>
    %dma_start3A_38 = tpu.memref_squeeze %dma_start3A_37 : memref<1x128x128xf32, #tpu.memory_space<hbm>> -> memref<128x128xf32, #tpu.memory_space<hbm>>
    tpu.enqueue_dma source(%dma_start3A_38 : memref<128x128xf32, #tpu.memory_space<hbm>>) target(%arg9 : memref<128x128xf32, #tpu.memory_space<vmem>>) target_semaphore(%arg11 : memref<!tpu.dma_semaphore, #tpu.memory_space<semaphore_mem>>)
    %scan3A = arith.constant 0 : i32
    %scan3A_39 = arith.constant 0 : i32
    %scan3A_40 = arith.constant 122 : i32
    %scan3A_41 = arith.addi %scan3A_39, %scan3A_40 : i32
    %scan3A_42 = arith.constant 1 : i32
    scf.for %scan3A_316 = %scan3A_39 to %scan3A_41 step %scan3A_42  : i32 {
      %mul3A_317 = arith.constant 2 : i32
      %mul3A_318 = arith.muli %scan3A_316, %mul3A_317 : i32
      %add3A_319 = arith.constant 0 : i32
      %add3A_320 = arith.addi %mul3A_318, %add3A_319 : i32
      %mul3A_321 = arith.constant 16 : i32
      %mul3A_322 = arith.muli %add3A_320, %mul3A_321 : i32
      %add3A_323 = arith.addi %mul3A_322, %arg1 : i32
      %add3A_324 = arith.constant 1 : i32
      %add3A_325 = arith.addi %add3A_320, %add3A_324 : i32
      %mul3A_326 = arith.constant 16 : i32
      %mul3A_327 = arith.muli %add3A_325, %mul3A_326 : i32
      %add3A_328 = arith.addi %mul3A_327, %arg1 : i32
      %lt3A_329 = arith.constant 3894 : i32
      %lt3A_330 = arith.cmpi slt, %add3A_328, %lt3A_329 : i32
      %convert_element_type3A_331 = arith.extui %lt3A_330 : i1 to i32
      %cond3A_332 = arith.constant 0 : i32
      %cond3A_333 = arith.cmpi ne, %convert_element_type3A_331, %cond3A_332 : i32
      scf.if %cond3A_333 {
        %dma_start3A_361 = arith.constant 0 : i32
        %dma_start3A_362 = arith.constant 0 : i32
        %dma_start3A_363 = tpu.memref_slice %arg2[%add3A_328, %dma_start3A_361, %dma_start3A_362] : memref<3894x128x128xf32, #tpu.memory_space<hbm>> -> memref<1x128x128xf32, #tpu.memory_space<hbm>>
        %dma_start3A_364 = tpu.memref_squeeze %dma_start3A_363 : memref<1x128x128xf32, #tpu.memory_space<hbm>> -> memref<128x128xf32, #tpu.memory_space<hbm>>
        %dma_start3A_365 = arith.constant 0 : i32
        %dma_start3A_366 = arith.constant 0 : i32
        %dma_start3A_367 = tpu.memref_slice %arg2[%add3A_328, %dma_start3A_365, %dma_start3A_366] : memref<3894x128x128xf32, #tpu.memory_space<hbm>> -> memref<1x128x128xf32, #tpu.memory_space<hbm>>
        %dma_start3A_368 = tpu.memref_squeeze %dma_start3A_367 : memref<1x128x128xf32, #tpu.memory_space<hbm>> -> memref<128x128xf32, #tpu.memory_space<hbm>>
        tpu.enqueue_dma source(%dma_start3A_368 : memref<128x128xf32, #tpu.memory_space<hbm>>) target(%arg10 : memref<128x128xf32, #tpu.memory_space<vmem>>) target_semaphore(%arg12 : memref<!tpu.dma_semaphore, #tpu.memory_space<semaphore_mem>>)
      } else {
      }
      %lt3A_334 = arith.constant 3894 : i32
      %lt3A_335 = arith.cmpi slt, %add3A_323, %lt3A_334 : i32
      %convert_element_type3A_336 = arith.extui %lt3A_335 : i1 to i32
      %cond3A_337 = arith.constant 0 : i32
      %cond3A_338 = arith.cmpi ne, %convert_element_type3A_336, %cond3A_337 : i32
      scf.if %cond3A_338 {
        "tpu.region"() ({
          %run_scoped3A = tpu.sem_alloc : memref<!tpu.dma_semaphore, #tpu.memory_space<semaphore_mem>>
          %dma_start3A_1288 = arith.constant 0 : i32
          %dma_start3A_1289 = arith.constant 0 : i32
          %dma_start3A_1290 = tpu.memref_slice %arg3[%add3A_323, %dma_start3A_1288, %dma_start3A_1289] : memref<3894x4x128xf32, #tpu.memory_space<hbm>> -> memref<1x4x128xf32, #tpu.memory_space<hbm>>
          %dma_start3A_1291 = tpu.memref_squeeze %dma_start3A_1290 : memref<1x4x128xf32, #tpu.memory_space<hbm>> -> memref<4x128xf32, #tpu.memory_space<hbm>>
          %dma_start3A_1292 = arith.constant 0 : i32
          %dma_start3A_1293 = arith.constant 0 : i32
          %dma_start3A_1294 = tpu.memref_slice %arg3[%add3A_323, %dma_start3A_1292, %dma_start3A_1293] : memref<3894x4x128xf32, #tpu.memory_space<hbm>> -> memref<1x4x128xf32, #tpu.memory_space<hbm>>
          %dma_start3A_1295 = tpu.memref_squeeze %dma_start3A_1294 : memref<1x4x128xf32, #tpu.memory_space<hbm>> -> memref<4x128xf32, #tpu.memory_space<hbm>>
          tpu.enqueue_dma source(%dma_start3A_1295 : memref<4x128xf32, #tpu.memory_space<hbm>>) target(%arg6 : memref<4x128xf32, #tpu.memory_space<vmem>>) target_semaphore(%run_scoped3A : memref<!tpu.dma_semaphore, #tpu.memory_space<semaphore_mem>>)
          %dma_wait3A_1296 = arith.constant 0 : i32
          %dma_wait3A_1297 = arith.constant 0 : i32
          %dma_wait3A_1298 = tpu.memref_slice %arg3[%add3A_323, %dma_wait3A_1296, %dma_wait3A_1297] : memref<3894x4x128xf32, #tpu.memory_space<hbm>> -> memref<1x4x128xf32, #tpu.memory_space<hbm>>
          %dma_wait3A_1299 = tpu.memref_squeeze %dma_wait3A_1298 : memref<1x4x128xf32, #tpu.memory_space<hbm>> -> memref<4x128xf32, #tpu.memory_space<hbm>>
          %dma_wait3A_1300 = arith.constant 0 : i32
          %dma_wait3A_1301 = arith.constant 0 : i32
          %dma_wait3A_1302 = tpu.memref_slice %arg3[%add3A_323, %dma_wait3A_1300, %dma_wait3A_1301] : memref<3894x4x128xf32, #tpu.memory_space<hbm>> -> memref<1x4x128xf32, #tpu.memory_space<hbm>>
          %dma_wait3A_1303 = tpu.memref_squeeze %dma_wait3A_1302 : memref<1x4x128xf32, #tpu.memory_space<hbm>> -> memref<4x128xf32, #tpu.memory_space<hbm>>
          tpu.wait_dma2 semaphore(%run_scoped3A : memref<!tpu.dma_semaphore, #tpu.memory_space<semaphore_mem>>) src(%dma_wait3A_1303 : memref<4x128xf32, #tpu.memory_space<hbm>>) dst(%arg6 : memref<4x128xf32, #tpu.memory_space<vmem>>)
          tpu.yield
        }) : () -> ()
        %get3A = arith.constant 0 : i32
        %get3A_361 = arith.index_cast %get3A : i32 to index
        %get3A_362 = arith.constant 0 : index
        %get3A_363 = tpu.vector_load %arg6[%get3A_361, %get3A_362] {strides = array<i32>} : memref<4x128xf32, #tpu.memory_space<vmem>>, vector<1x16xf32>,
        %get3A_364 = vector.shape_cast %get3A_363 : vector<1x16xf32> to vector<16xf32>
        %get3A_365 = arith.constant 1 : i32
        %get3A_366 = arith.index_cast %get3A_365 : i32 to index
        %get3A_367 = arith.constant 0 : index
        %get3A_368 = tpu.vector_load %arg6[%get3A_366, %get3A_367] {strides = array<i32>} : memref<4x128xf32, #tpu.memory_space<vmem>>, vector<1x16xf32>,
        %get3A_369 = vector.shape_cast %get3A_368 : vector<1x16xf32> to vector<16xf32>
        %get3A_370 = arith.constant 2 : i32
        %get3A_371 = arith.index_cast %get3A_370 : i32 to index
        %get3A_372 = arith.constant 0 : index
        %get3A_373 = tpu.vector_load %arg6[%get3A_371, %get3A_372] {strides = array<i32>} : memref<4x128xf32, #tpu.memory_space<vmem>>, vector<1x16xf32>,
        %get3A_374 = vector.shape_cast %get3A_373 : vector<1x16xf32> to vector<16xf32>
        %get3A_375 = arith.constant 3 : i32
        %get3A_376 = arith.index_cast %get3A_375 : i32 to index
        %get3A_377 = arith.constant 0 : index
        %get3A_378 = tpu.vector_load %arg6[%get3A_376, %get3A_377] {strides = array<i32>} : memref<4x128xf32, #tpu.memory_space<vmem>>, vector<1x16xf32>,
        %get3A_379 = vector.shape_cast %get3A_378 : vector<1x16xf32> to vector<16xf32>
        %mul3A_380 = arith.constant 1.024000e+02 : f32
        %mul3A_381 = vector.broadcast %mul3A_380 : f32 to vector<16xf32>
        %mul3A_382 = arith.mulf %get3A_364, %mul3A_381 : vector<16xf32>
        %mul3A_383 = arith.constant 1.100000e+00 : f32
        %mul3A_384 = vector.broadcast %mul3A_383 : f32 to vector<16xf32>
        %mul3A_385 = arith.mulf %mul3A_382, %mul3A_384 : vector<16xf32>
        %add3A_386 = arith.constant -5.632000e+01 : f32
        %add3A_387 = vector.broadcast %add3A_386 : f32 to vector<16xf32>
        %add3A_388 = arith.addf %mul3A_385, %add3A_387 : vector<16xf32>
        %sub3A = arith.constant -5.120000e+01 : f32
        %sub3A_389 = vector.broadcast %sub3A : f32 to vector<16xf32>
        %sub3A_390 = arith.subf %add3A_388, %sub3A_389 : vector<16xf32>
        %div3A = arith.constant 8.000000e-01 : f32
        %div3A_391 = vector.broadcast %div3A : f32 to vector<16xf32>
        %div3A_392 = arith.divf %sub3A_390, %div3A_391 : vector<16xf32>
        %mul3A_393 = arith.constant 1.024000e+02 : f32
        %mul3A_394 = vector.broadcast %mul3A_393 : f32 to vector<16xf32>
        %mul3A_395 = arith.mulf %get3A_369, %mul3A_394 : vector<16xf32>
        %mul3A_396 = arith.constant 1.100000e+00 : f32
        %mul3A_397 = vector.broadcast %mul3A_396 : f32 to vector<16xf32>
        %mul3A_398 = arith.mulf %mul3A_395, %mul3A_397 : vector<16xf32>
        %add3A_399 = arith.constant -5.632000e+01 : f32
        %add3A_400 = vector.broadcast %add3A_399 : f32 to vector<16xf32>
        %add3A_401 = arith.addf %mul3A_398, %add3A_400 : vector<16xf32>
        %sub3A_402 = arith.constant -5.120000e+01 : f32
        %sub3A_403 = vector.broadcast %sub3A_402 : f32 to vector<16xf32>
        %sub3A_404 = arith.subf %add3A_401, %sub3A_403 : vector<16xf32>
        %div3A_405 = arith.constant 8.000000e-01 : f32
        %div3A_406 = vector.broadcast %div3A_405 : f32 to vector<16xf32>
        %div3A_407 = arith.divf %sub3A_404, %div3A_406 : vector<16xf32>
        %mul3A_408 = arith.constant 2.000000e+01 : f32
        %mul3A_409 = vector.broadcast %mul3A_408 : f32 to vector<16xf32>
        %mul3A_410 = arith.mulf %get3A_374, %mul3A_409 : vector<16xf32>
        %mul3A_411 = arith.constant 1.100000e+00 : f32
        %mul3A_412 = vector.broadcast %mul3A_411 : f32 to vector<16xf32>
        %mul3A_413 = arith.mulf %mul3A_410, %mul3A_412 : vector<16xf32>
        %add3A_414 = arith.constant -1.100000e+01 : f32
        %add3A_415 = vector.broadcast %add3A_414 : f32 to vector<16xf32>
        %add3A_416 = arith.addf %mul3A_413, %add3A_415 : vector<16xf32>
        %sub3A_417 = arith.constant -1.000000e+01 : f32
        %sub3A_418 = vector.broadcast %sub3A_417 : f32 to vector<16xf32>
        %sub3A_419 = arith.subf %add3A_416, %sub3A_418 : vector<16xf32>
        %div3A_420 = arith.constant 2.000000e+01 : f32
        %div3A_421 = vector.broadcast %div3A_420 : f32 to vector<16xf32>
        %div3A_422 = arith.divf %sub3A_419, %div3A_421 : vector<16xf32>
        %ge3A = arith.constant 0.000000e+00 : f32
        %ge3A_423 = vector.broadcast %ge3A : f32 to vector<16xf32>
        %ge3A_424 = arith.cmpf oge, %div3A_392, %ge3A_423 : vector<16xf32>
        %lt3A_425 = arith.constant 1.280000e+02 : f32
        %lt3A_426 = vector.broadcast %lt3A_425 : f32 to vector<16xf32>
        %lt3A_427 = arith.cmpf olt, %div3A_392, %lt3A_426 : vector<16xf32>
        %and3A = arith.andi %ge3A_424, %lt3A_427 : vector<16xi1>
        %ge3A_428 = arith.constant 0.000000e+00 : f32
        %ge3A_429 = vector.broadcast %ge3A_428 : f32 to vector<16xf32>
        %ge3A_430 = arith.cmpf oge, %div3A_407, %ge3A_429 : vector<16xf32>
        %and3A_431 = arith.andi %and3A, %ge3A_430 : vector<16xi1>
        %lt3A_432 = arith.constant 1.280000e+02 : f32
        %lt3A_433 = vector.broadcast %lt3A_432 : f32 to vector<16xf32>
        %lt3A_434 = arith.cmpf olt, %div3A_407, %lt3A_433 : vector<16xf32>
        %and3A_435 = arith.andi %and3A_431, %lt3A_434 : vector<16xi1>
        %ge3A_436 = arith.constant 0.000000e+00 : f32
        %ge3A_437 = vector.broadcast %ge3A_436 : f32 to vector<16xf32>
        %ge3A_438 = arith.cmpf oge, %div3A_422, %ge3A_437 : vector<16xf32>
        %and3A_439 = arith.andi %and3A_435, %ge3A_438 : vector<16xi1>
        %lt3A_440 = arith.constant 1.000000e+00 : f32
        %lt3A_441 = vector.broadcast %lt3A_440 : f32 to vector<16xf32>
        %lt3A_442 = arith.cmpf olt, %div3A_422, %lt3A_441 : vector<16xf32>
        %and3A_443 = arith.andi %and3A_439, %lt3A_442 : vector<16xi1>
        %gt3A = arith.constant 5.000000e-01 : f32
        %gt3A_444 = vector.broadcast %gt3A : f32 to vector<16xf32>
        %gt3A_445 = arith.cmpf ogt, %get3A_379, %gt3A_444 : vector<16xf32>
        %and3A_446 = arith.andi %and3A_443, %gt3A_445 : vector<16xi1>
        %convert_element_type3A_447 = arith.fptosi %div3A_392 : vector<16xf32> to vector<16xi32>
        %convert_element_type3A_448 = arith.fptosi %div3A_407 : vector<16xf32> to vector<16xi32>
        %mul3A_449 = arith.constant 128 : i32
        %mul3A_450 = vector.broadcast %mul3A_449 : i32 to vector<16xi32>
        %mul3A_451 = arith.muli %convert_element_type3A_447, %mul3A_450 : vector<16xi32>
        %add3A_452 = arith.addi %mul3A_451, %convert_element_type3A_448 : vector<16xi32>
        %sub3A_453 = vector.broadcast %mul3A_0 : i32 to vector<16xi32>
        %sub3A_454 = arith.subi %add3A_452, %sub3A_453 : vector<16xi32>
        %ge3A_455 = arith.constant 0 : i32
        %ge3A_456 = vector.broadcast %ge3A_455 : i32 to vector<16xi32>
        %ge3A_457 = arith.cmpi sge, %sub3A_454, %ge3A_456 : vector<16xi32>
        %and3A_458 = arith.andi %and3A_446, %ge3A_457 : vector<16xi1>
        %lt3A_459 = arith.constant 8192 : i32
        %lt3A_460 = vector.broadcast %lt3A_459 : i32 to vector<16xi32>
        %lt3A_461 = arith.cmpi slt, %sub3A_454, %lt3A_460 : vector<16xi32>
        %and3A_462 = arith.andi %and3A_458, %lt3A_461 : vector<16xi1>
        %add3A_463 = arith.constant 8192 : i32
        %add3A_464 = arith.addi %add3A_463, %arg1 : i32
        %broadcast_in_dim3A = vector.broadcast %add3A_464 : i32 to vector<16xi32>
        %select_n3A = arith.select %and3A_462, %sub3A_454, %broadcast_in_dim3A : vector<16xi1>, vector<16xi32>
        %swap3A_465 = arith.constant 0 : index
        %swap3A_466 = tpu.vector_load %arg7[%swap3A_465] {strides = array<i32>} : memref<128xi32, #tpu.memory_space<vmem>>, vector<16xi32>,
        %swap3A_467 = vector.shape_cast %swap3A_466 : vector<16xi32> to vector<16xi32>
        %swap3A_468 = vector.shape_cast %select_n3A : vector<16xi32> to vector<16xi32>
        tpu.vector_store %arg7[%swap3A_465], %swap3A_468 {strides = array<i32>} : memref<128xi32, #tpu.memory_space<vmem>>, vector<16xi32>,
        %get3A_469 = arith.constant 0 : i32
        %get3A_470 = arith.index_cast %get3A_469 : i32 to index
        %get3A_471 = arith.constant 16 : index
        %get3A_472 = tpu.vector_load %arg6[%get3A_470, %get3A_471] {strides = array<i32>} : memref<4x128xf32, #tpu.memory_space<vmem>>, vector<1x16xf32>,
        %get3A_473 = vector.shape_cast %get3A_472 : vector<1x16xf32> to vector<16xf32>
        %get3A_474 = arith.constant 1 : i32
        %get3A_475 = arith.index_cast %get3A_474 : i32 to index
        %get3A_476 = arith.constant 16 : index
        %get3A_477 = tpu.vector_load %arg6[%get3A_475, %get3A_476] {strides = array<i32>} : memref<4x128xf32, #tpu.memory_space<vmem>>, vector<1x16xf32>,
        %get3A_478 = vector.shape_cast %get3A_477 : vector<1x16xf32> to vector<16xf32>
        %get3A_479 = arith.constant 2 : i32
        %get3A_480 = arith.index_cast %get3A_479 : i32 to index
        %get3A_481 = arith.constant 16 : index
        %get3A_482 = tpu.vector_load %arg6[%get3A_480, %get3A_481] {strides = array<i32>} : memref<4x128xf32, #tpu.memory_space<vmem>>, vector<1x16xf32>,
        %get3A_483 = vector.shape_cast %get3A_482 : vector<1x16xf32> to vector<16xf32>
        %get3A_484 = arith.constant 3 : i32
        %get3A_485 = arith.index_cast %get3A_484 : i32 to index
        %get3A_486 = arith.constant 16 : index
        %get3A_487 = tpu.vector_load %arg6[%get3A_485, %get3A_486] {strides = array<i32>} : memref<4x128xf32, #tpu.memory_space<vmem>>, vector<1x16xf32>,
        %get3A_488 = vector.shape_cast %get3A_487 : vector<1x16xf32> to vector<16xf32>
        %mul3A_489 = arith.constant 1.024000e+02 : f32
        %mul3A_490 = vector.broadcast %mul3A_489 : f32 to vector<16xf32>
        %mul3A_491 = arith.mulf %get3A_473, %mul3A_490 : vector<16xf32>
        %mul3A_492 = arith.constant 1.100000e+00 : f32
        %mul3A_493 = vector.broadcast %mul3A_492 : f32 to vector<16xf32>
        %mul3A_494 = arith.mulf %mul3A_491, %mul3A_493 : vector<16xf32>
        %add3A_495 = arith.constant -5.632000e+01 : f32
        %add3A_496 = vector.broadcast %add3A_495 : f32 to vector<16xf32>
        %add3A_497 = arith.addf %mul3A_494, %add3A_496 : vector<16xf32>
        %sub3A_498 = arith.constant -5.120000e+01 : f32
        %sub3A_499 = vector.broadcast %sub3A_498 : f32 to vector<16xf32>
        %sub3A_500 = arith.subf %add3A_497, %sub3A_499 : vector<16xf32>
        %div3A_501 = arith.constant 8.000000e-01 : f32
        %div3A_502 = vector.broadcast %div3A_501 : f32 to vector<16xf32>
        %div3A_503 = arith.divf %sub3A_500, %div3A_502 : vector<16xf32>
        %mul3A_504 = arith.constant 1.024000e+02 : f32
        %mul3A_505 = vector.broadcast %mul3A_504 : f32 to vector<16xf32>
        %mul3A_506 = arith.mulf %get3A_478, %mul3A_505 : vector<16xf32>
        %mul3A_507 = arith.constant 1.100000e+00 : f32
        %mul3A_508 = vector.broadcast %mul3A_507 : f32 to vector<16xf32>
        %mul3A_509 = arith.mulf %mul3A_506, %mul3A_508 : vector<16xf32>
        %add3A_510 = arith.constant -5.632000e+01 : f32
        %add3A_511 = vector.broadcast %add3A_510 : f32 to vector<16xf32>
        %add3A_512 = arith.addf %mul3A_509, %add3A_511 : vector<16xf32>
        %sub3A_513 = arith.constant -5.120000e+01 : f32
        %sub3A_514 = vector.broadcast %sub3A_513 : f32 to vector<16xf32>
        %sub3A_515 = arith.subf %add3A_512, %sub3A_514 : vector<16xf32>
        %div3A_516 = arith.constant 8.000000e-01 : f32
        %div3A_517 = vector.broadcast %div3A_516 : f32 to vector<16xf32>
        %div3A_518 = arith.divf %sub3A_515, %div3A_517 : vector<16xf32>
        %mul3A_519 = arith.constant 2.000000e+01 : f32
        %mul3A_520 = vector.broadcast %mul3A_519 : f32 to vector<16xf32>
        %mul3A_521 = arith.mulf %get3A_483, %mul3A_520 : vector<16xf32>
        %mul3A_522 = arith.constant 1.100000e+00 : f32
        %mul3A_523 = vector.broadcast %mul3A_522 : f32 to vector<16xf32>
        %mul3A_524 = arith.mulf %mul3A_521, %mul3A_523 : vector<16xf32>
        %add3A_525 = arith.constant -1.100000e+01 : f32
        %add3A_526 = vector.broadcast %add3A_525 : f32 to vector<16xf32>
        %add3A_527 = arith.addf %mul3A_524, %add3A_526 : vector<16xf32>
        %sub3A_528 = arith.constant -1.000000e+01 : f32
        %sub3A_529 = vector.broadcast %sub3A_528 : f32 to vector<16xf32>
        %sub3A_530 = arith.subf %add3A_527, %sub3A_529 : vector<16xf32>
        %div3A_531 = arith.constant 2.000000e+01 : f32
        %div3A_532 = vector.broadcast %div3A_531 : f32 to vector<16xf32>
        %div3A_533 = arith.divf %sub3A_530, %div3A_532 : vector<16xf32>
        %ge3A_534 = arith.constant 0.000000e+00 : f32
        %ge3A_535 = vector.broadcast %ge3A_534 : f32 to vector<16xf32>
        %ge3A_536 = arith.cmpf oge, %div3A_503, %ge3A_535 : vector<16xf32>
        %lt3A_537 = arith.constant 1.280000e+02 : f32
        %lt3A_538 = vector.broadcast %lt3A_537 : f32 to vector<16xf32>
        %lt3A_539 = arith.cmpf olt, %div3A_503, %lt3A_538 : vector<16xf32>
        %and3A_540 = arith.andi %ge3A_536, %lt3A_539 : vector<16xi1>
        %ge3A_541 = arith.constant 0.000000e+00 : f32
        %ge3A_542 = vector.broadcast %ge3A_541 : f32 to vector<16xf32>
        %ge3A_543 = arith.cmpf oge, %div3A_518, %ge3A_542 : vector<16xf32>
        %and3A_544 = arith.andi %and3A_540, %ge3A_543 : vector<16xi1>
        %lt3A_545 = arith.constant 1.280000e+02 : f32
        %lt3A_546 = vector.broadcast %lt3A_545 : f32 to vector<16xf32>
        %lt3A_547 = arith.cmpf olt, %div3A_518, %lt3A_546 : vector<16xf32>
        %and3A_548 = arith.andi %and3A_544, %lt3A_547 : vector<16xi1>
        %ge3A_549 = arith.constant 0.000000e+00 : f32
        %ge3A_550 = vector.broadcast %ge3A_549 : f32 to vector<16xf32>
        %ge3A_551 = arith.cmpf oge, %div3A_533, %ge3A_550 : vector<16xf32>
        %and3A_552 = arith.andi %and3A_548, %ge3A_551 : vector<16xi1>
        %lt3A_553 = arith.constant 1.000000e+00 : f32
        %lt3A_554 = vector.broadcast %lt3A_553 : f32 to vector<16xf32>
        %lt3A_555 = arith.cmpf olt, %div3A_533, %lt3A_554 : vector<16xf32>
        %and3A_556 = arith.andi %and3A_552, %lt3A_555 : vector<16xi1>
        %gt3A_557 = arith.constant 5.000000e-01 : f32
        %gt3A_558 = vector.broadcast %gt3A_557 : f32 to vector<16xf32>
        %gt3A_559 = arith.cmpf ogt, %get3A_488, %gt3A_558 : vector<16xf32>
        %and3A_560 = arith.andi %and3A_556, %gt3A_559 : vector<16xi1>
        %convert_element_type3A_561 = arith.fptosi %div3A_503 : vector<16xf32> to vector<16xi32>
        %convert_element_type3A_562 = arith.fptosi %div3A_518 : vector<16xf32> to vector<16xi32>
        %mul3A_563 = arith.constant 128 : i32
        %mul3A_564 = vector.broadcast %mul3A_563 : i32 to vector<16xi32>
        %mul3A_565 = arith.muli %convert_element_type3A_561, %mul3A_564 : vector<16xi32>
        %add3A_566 = arith.addi %mul3A_565, %convert_element_type3A_562 : vector<16xi32>
        %sub3A_567 = vector.broadcast %mul3A_0 : i32 to vector<16xi32>
        %sub3A_568 = arith.subi %add3A_566, %sub3A_567 : vector<16xi32>
        %ge3A_569 = arith.constant 0 : i32
        %ge3A_570 = vector.broadcast %ge3A_569 : i32 to vector<16xi32>
        %ge3A_571 = arith.cmpi sge, %sub3A_568, %ge3A_570 : vector<16xi32>
        %and3A_572 = arith.andi %and3A_560, %ge3A_571 : vector<16xi1>
        %lt3A_573 = arith.constant 8192 : i32
        %lt3A_574 = vector.broadcast %lt3A_573 : i32 to vector<16xi32>
        %lt3A_575 = arith.cmpi slt, %sub3A_568, %lt3A_574 : vector<16xi32>
        %and3A_576 = arith.andi %and3A_572, %lt3A_575 : vector<16xi1>
        %add3A_577 = arith.constant 8192 : i32
        %add3A_578 = arith.addi %add3A_577, %arg1 : i32
        %broadcast_in_dim3A_579 = vector.broadcast %add3A_578 : i32 to vector<16xi32>
        %select_n3A_580 = arith.select %and3A_576, %sub3A_568, %broadcast_in_dim3A_579 : vector<16xi1>, vector<16xi32>
        %swap3A_581 = arith.constant 16 : index
        %swap3A_582 = tpu.vector_load %arg7[%swap3A_581] {strides = array<i32>} : memref<128xi32, #tpu.memory_space<vmem>>, vector<16xi32>,
        %swap3A_583 = vector.shape_cast %swap3A_582 : vector<16xi32> to vector<16xi32>
        %swap3A_584 = vector.shape_cast %select_n3A_580 : vector<16xi32> to vector<16xi32>
        tpu.vector_store %arg7[%swap3A_581], %swap3A_584 {strides = array<i32>} : memref<128xi32, #tpu.memory_space<vmem>>, vector<16xi32>,
        %get3A_585 = arith.constant 0 : i32
        %get3A_586 = arith.index_cast %get3A_585 : i32 to index
        %get3A_587 = arith.constant 32 : index
        %get3A_588 = tpu.vector_load %arg6[%get3A_586, %get3A_587] {strides = array<i32>} : memref<4x128xf32, #tpu.memory_space<vmem>>, vector<1x16xf32>,
        %get3A_589 = vector.shape_cast %get3A_588 : vector<1x16xf32> to vector<16xf32>
        %get3A_590 = arith.constant 1 : i32
        %get3A_591 = arith.index_cast %get3A_590 : i32 to index
        %get3A_592 = arith.constant 32 : index
        %get3A_593 = tpu.vector_load %arg6[%get3A_591, %get3A_592] {strides = array<i32>} : memref<4x128xf32, #tpu.memory_space<vmem>>, vector<1x16xf32>,
        %get3A_594 = vector.shape_cast %get3A_593 : vector<1x16xf32> to vector<16xf32>
        %get3A_595 = arith.constant 2 : i32
        %get3A_596 = arith.index_cast %get3A_595 : i32 to index
        %get3A_597 = arith.constant 32 : index
        %get3A_598 = tpu.vector_load %arg6[%get3A_596, %get3A_597] {strides = array<i32>} : memref<4x128xf32, #tpu.memory_space<vmem>>, vector<1x16xf32>,
        %get3A_599 = vector.shape_cast %get3A_598 : vector<1x16xf32> to vector<16xf32>
        %get3A_600 = arith.constant 3 : i32
        %get3A_601 = arith.index_cast %get3A_600 : i32 to index
        %get3A_602 = arith.constant 32 : index
        %get3A_603 = tpu.vector_load %arg6[%get3A_601, %get3A_602] {strides = array<i32>} : memref<4x128xf32, #tpu.memory_space<vmem>>, vector<1x16xf32>,
        %get3A_604 = vector.shape_cast %get3A_603 : vector<1x16xf32> to vector<16xf32>
        %mul3A_605 = arith.constant 1.024000e+02 : f32
        %mul3A_606 = vector.broadcast %mul3A_605 : f32 to vector<16xf32>
        %mul3A_607 = arith.mulf %get3A_589, %mul3A_606 : vector<16xf32>
        %mul3A_608 = arith.constant 1.100000e+00 : f32
        %mul3A_609 = vector.broadcast %mul3A_608 : f32 to vector<16xf32>
        %mul3A_610 = arith.mulf %mul3A_607, %mul3A_609 : vector<16xf32>
        %add3A_611 = arith.constant -5.632000e+01 : f32
        %add3A_612 = vector.broadcast %add3A_611 : f32 to vector<16xf32>
        %add3A_613 = arith.addf %mul3A_610, %add3A_612 : vector<16xf32>
        %sub3A_614 = arith.constant -5.120000e+01 : f32
        %sub3A_615 = vector.broadcast %sub3A_614 : f32 to vector<16xf32>
        %sub3A_616 = arith.subf %add3A_613, %sub3A_615 : vector<16xf32>
        %div3A_617 = arith.constant 8.000000e-01 : f32
        %div3A_618 = vector.broadcast %div3A_617 : f32 to vector<16xf32>
        %div3A_619 = arith.divf %sub3A_616, %div3A_618 : vector<16xf32>
        %mul3A_620 = arith.constant 1.024000e+02 : f32
        %mul3A_621 = vector.broadcast %mul3A_620 : f32 to vector<16xf32>
        %mul3A_622 = arith.mulf %get3A_594, %mul3A_621 : vector<16xf32>
        %mul3A_623 = arith.constant 1.100000e+00 : f32
        %mul3A_624 = vector.broadcast %mul3A_623 : f32 to vector<16xf32>
        %mul3A_625 = arith.mulf %mul3A_622, %mul3A_624 : vector<16xf32>
        %add3A_626 = arith.constant -5.632000e+01 : f32
        %add3A_627 = vector.broadcast %add3A_626 : f32 to vector<16xf32>
        %add3A_628 = arith.addf %mul3A_625, %add3A_627 : vector<16xf32>
        %sub3A_629 = arith.constant -5.120000e+01 : f32
        %sub3A_630 = vector.broadcast %sub3A_629 : f32 to vector<16xf32>
        %sub3A_631 = arith.subf %add3A_628, %sub3A_630 : vector<16xf32>
        %div3A_632 = arith.constant 8.000000e-01 : f32
        %div3A_633 = vector.broadcast %div3A_632 : f32 to vector<16xf32>
        %div3A_634 = arith.divf %sub3A_631, %div3A_633 : vector<16xf32>
        %mul3A_635 = arith.constant 2.000000e+01 : f32
        %mul3A_636 = vector.broadcast %mul3A_635 : f32 to vector<16xf32>
        %mul3A_637 = arith.mulf %get3A_599, %mul3A_636 : vector<16xf32>
        %mul3A_638 = arith.constant 1.100000e+00 : f32
        %mul3A_639 = vector.broadcast %mul3A_638 : f32 to vector<16xf32>
        %mul3A_640 = arith.mulf %mul3A_637, %mul3A_639 : vector<16xf32>
        %add3A_641 = arith.constant -1.100000e+01 : f32
        %add3A_642 = vector.broadcast %add3A_641 : f32 to vector<16xf32>
        %add3A_643 = arith.addf %mul3A_640, %add3A_642 : vector<16xf32>
        %sub3A_644 = arith.constant -1.000000e+01 : f32
        %sub3A_645 = vector.broadcast %sub3A_644 : f32 to vector<16xf32>
        %sub3A_646 = arith.subf %add3A_643, %sub3A_645 : vector<16xf32>
        %div3A_647 = arith.constant 2.000000e+01 : f32
        %div3A_648 = vector.broadcast %div3A_647 : f32 to vector<16xf32>
        %div3A_649 = arith.divf %sub3A_646, %div3A_648 : vector<16xf32>
        %ge3A_650 = arith.constant 0.000000e+00 : f32
        %ge3A_651 = vector.broadcast %ge3A_650 : f32 to vector<16xf32>
        %ge3A_652 = arith.cmpf oge, %div3A_619, %ge3A_651 : vector<16xf32>
        %lt3A_653 = arith.constant 1.280000e+02 : f32
        %lt3A_654 = vector.broadcast %lt3A_653 : f32 to vector<16xf32>
        %lt3A_655 = arith.cmpf olt, %div3A_619, %lt3A_654 : vector<16xf32>
        %and3A_656 = arith.andi %ge3A_652, %lt3A_655 : vector<16xi1>
        %ge3A_657 = arith.constant 0.000000e+00 : f32
        %ge3A_658 = vector.broadcast %ge3A_657 : f32 to vector<16xf32>
        %ge3A_659 = arith.cmpf oge, %div3A_634, %ge3A_658 : vector<16xf32>
        %and3A_660 = arith.andi %and3A_656, %ge3A_659 : vector<16xi1>
        %lt3A_661 = arith.constant 1.280000e+02 : f32
        %lt3A_662 = vector.broadcast %lt3A_661 : f32 to vector<16xf32>
        %lt3A_663 = arith.cmpf olt, %div3A_634, %lt3A_662 : vector<16xf32>
        %and3A_664 = arith.andi %and3A_660, %lt3A_663 : vector<16xi1>
        %ge3A_665 = arith.constant 0.000000e+00 : f32
        %ge3A_666 = vector.broadcast %ge3A_665 : f32 to vector<16xf32>
        %ge3A_667 = arith.cmpf oge, %div3A_649, %ge3A_666 : vector<16xf32>
        %and3A_668 = arith.andi %and3A_664, %ge3A_667 : vector<16xi1>
        %lt3A_669 = arith.constant 1.000000e+00 : f32
        %lt3A_670 = vector.broadcast %lt3A_669 : f32 to vector<16xf32>
        %lt3A_671 = arith.cmpf olt, %div3A_649, %lt3A_670 : vector<16xf32>
        %and3A_672 = arith.andi %and3A_668, %lt3A_671 : vector<16xi1>
        %gt3A_673 = arith.constant 5.000000e-01 : f32
        %gt3A_674 = vector.broadcast %gt3A_673 : f32 to vector<16xf32>
        %gt3A_675 = arith.cmpf ogt, %get3A_604, %gt3A_674 : vector<16xf32>
        %and3A_676 = arith.andi %and3A_672, %gt3A_675 : vector<16xi1>
        %convert_element_type3A_677 = arith.fptosi %div3A_619 : vector<16xf32> to vector<16xi32>
        %convert_element_type3A_678 = arith.fptosi %div3A_634 : vector<16xf32> to vector<16xi32>
        %mul3A_679 = arith.constant 128 : i32
        %mul3A_680 = vector.broadcast %mul3A_679 : i32 to vector<16xi32>
        %mul3A_681 = arith.muli %convert_element_type3A_677, %mul3A_680 : vector<16xi32>
        %add3A_682 = arith.addi %mul3A_681, %convert_element_type3A_678 : vector<16xi32>
        %sub3A_683 = vector.broadcast %mul3A_0 : i32 to vector<16xi32>
        %sub3A_684 = arith.subi %add3A_682, %sub3A_683 : vector<16xi32>
        %ge3A_685 = arith.constant 0 : i32
        %ge3A_686 = vector.broadcast %ge3A_685 : i32 to vector<16xi32>
        %ge3A_687 = arith.cmpi sge, %sub3A_684, %ge3A_686 : vector<16xi32>
        %and3A_688 = arith.andi %and3A_676, %ge3A_687 : vector<16xi1>
        %lt3A_689 = arith.constant 8192 : i32
        %lt3A_690 = vector.broadcast %lt3A_689 : i32 to vector<16xi32>
        %lt3A_691 = arith.cmpi slt, %sub3A_684, %lt3A_690 : vector<16xi32>
        %and3A_692 = arith.andi %and3A_688, %lt3A_691 : vector<16xi1>
        %add3A_693 = arith.constant 8192 : i32
        %add3A_694 = arith.addi %add3A_693, %arg1 : i32
        %broadcast_in_dim3A_695 = vector.broadcast %add3A_694 : i32 to vector<16xi32>
        %select_n3A_696 = arith.select %and3A_692, %sub3A_684, %broadcast_in_dim3A_695 : vector<16xi1>, vector<16xi32>
        %swap3A_697 = arith.constant 32 : index
        %swap3A_698 = tpu.vector_load %arg7[%swap3A_697] {strides = array<i32>} : memref<128xi32, #tpu.memory_space<vmem>>, vector<16xi32>,
        %swap3A_699 = vector.shape_cast %swap3A_698 : vector<16xi32> to vector<16xi32>
        %swap3A_700 = vector.shape_cast %select_n3A_696 : vector<16xi32> to vector<16xi32>
        tpu.vector_store %arg7[%swap3A_697], %swap3A_700 {strides = array<i32>} : memref<128xi32, #tpu.memory_space<vmem>>, vector<16xi32>,
        %get3A_701 = arith.constant 0 : i32
        %get3A_702 = arith.index_cast %get3A_701 : i32 to index
        %get3A_703 = arith.constant 48 : index
        %get3A_704 = tpu.vector_load %arg6[%get3A_702, %get3A_703] {strides = array<i32>} : memref<4x128xf32, #tpu.memory_space<vmem>>, vector<1x16xf32>,
        %get3A_705 = vector.shape_cast %get3A_704 : vector<1x16xf32> to vector<16xf32>
        %get3A_706 = arith.constant 1 : i32
        %get3A_707 = arith.index_cast %get3A_706 : i32 to index
        %get3A_708 = arith.constant 48 : index
        %get3A_709 = tpu.vector_load %arg6[%get3A_707, %get3A_708] {strides = array<i32>} : memref<4x128xf32, #tpu.memory_space<vmem>>, vector<1x16xf32>,
        %get3A_710 = vector.shape_cast %get3A_709 : vector<1x16xf32> to vector<16xf32>
        %get3A_711 = arith.constant 2 : i32
        %get3A_712 = arith.index_cast %get3A_711 : i32 to index
        %get3A_713 = arith.constant 48 : index
        %get3A_714 = tpu.vector_load %arg6[%get3A_712, %get3A_713] {strides = array<i32>} : memref<4x128xf32, #tpu.memory_space<vmem>>, vector<1x16xf32>,
        %get3A_715 = vector.shape_cast %get3A_714 : vector<1x16xf32> to vector<16xf32>
        %get3A_716 = arith.constant 3 : i32
        %get3A_717 = arith.index_cast %get3A_716 : i32 to index
        %get3A_718 = arith.constant 48 : index
        %get3A_719 = tpu.vector_load %arg6[%get3A_717, %get3A_718] {strides = array<i32>} : memref<4x128xf32, #tpu.memory_space<vmem>>, vector<1x16xf32>,
        %get3A_720 = vector.shape_cast %get3A_719 : vector<1x16xf32> to vector<16xf32>
        %mul3A_721 = arith.constant 1.024000e+02 : f32
        %mul3A_722 = vector.broadcast %mul3A_721 : f32 to vector<16xf32>
        %mul3A_723 = arith.mulf %get3A_705, %mul3A_722 : vector<16xf32>
        %mul3A_724 = arith.constant 1.100000e+00 : f32
        %mul3A_725 = vector.broadcast %mul3A_724 : f32 to vector<16xf32>
        %mul3A_726 = arith.mulf %mul3A_723, %mul3A_725 : vector<16xf32>
        %add3A_727 = arith.constant -5.632000e+01 : f32
        %add3A_728 = vector.broadcast %add3A_727 : f32 to vector<16xf32>
        %add3A_729 = arith.addf %mul3A_726, %add3A_728 : vector<16xf32>
        %sub3A_730 = arith.constant -5.120000e+01 : f32
        %sub3A_731 = vector.broadcast %sub3A_730 : f32 to vector<16xf32>
        %sub3A_732 = arith.subf %add3A_729, %sub3A_731 : vector<16xf32>
        %div3A_733 = arith.constant 8.000000e-01 : f32
        %div3A_734 = vector.broadcast %div3A_733 : f32 to vector<16xf32>
        %div3A_735 = arith.divf %sub3A_732, %div3A_734 : vector<16xf32>
        %mul3A_736 = arith.constant 1.024000e+02 : f32
        %mul3A_737 = vector.broadcast %mul3A_736 : f32 to vector<16xf32>
        %mul3A_738 = arith.mulf %get3A_710, %mul3A_737 : vector<16xf32>
        %mul3A_739 = arith.constant 1.100000e+00 : f32
        %mul3A_740 = vector.broadcast %mul3A_739 : f32 to vector<16xf32>
        %mul3A_741 = arith.mulf %mul3A_738, %mul3A_740 : vector<16xf32>
        %add3A_742 = arith.constant -5.632000e+01 : f32
        %add3A_743 = vector.broadcast %add3A_742 : f32 to vector<16xf32>
        %add3A_744 = arith.addf %mul3A_741, %add3A_743 : vector<16xf32>
        %sub3A_745 = arith.constant -5.120000e+01 : f32
        %sub3A_746 = vector.broadcast %sub3A_745 : f32 to vector<16xf32>
        %sub3A_747 = arith.subf %add3A_744, %sub3A_746 : vector<16xf32>
        %div3A_748 = arith.constant 8.000000e-01 : f32
        %div3A_749 = vector.broadcast %div3A_748 : f32 to vector<16xf32>
        %div3A_750 = arith.divf %sub3A_747, %div3A_749 : vector<16xf32>
        %mul3A_751 = arith.constant 2.000000e+01 : f32
        %mul3A_752 = vector.broadcast %mul3A_751 : f32 to vector<16xf32>
        %mul3A_753 = arith.mulf %get3A_715, %mul3A_752 : vector<16xf32>
        %mul3A_754 = arith.constant 1.100000e+00 : f32
        %mul3A_755 = vector.broadcast %mul3A_754 : f32 to vector<16xf32>
        %mul3A_756 = arith.mulf %mul3A_753, %mul3A_755 : vector<16xf32>
        %add3A_757 = arith.constant -1.100000e+01 : f32
        %add3A_758 = vector.broadcast %add3A_757 : f32 to vector<16xf32>
        %add3A_759 = arith.addf %mul3A_756, %add3A_758 : vector<16xf32>
        %sub3A_760 = arith.constant -1.000000e+01 : f32
        %sub3A_761 = vector.broadcast %sub3A_760 : f32 to vector<16xf32>
        %sub3A_762 = arith.subf %add3A_759, %sub3A_761 : vector<16xf32>
        %div3A_763 = arith.constant 2.000000e+01 : f32
        %div3A_764 = vector.broadcast %div3A_763 : f32 to vector<16xf32>
        %div3A_765 = arith.divf %sub3A_762, %div3A_764 : vector<16xf32>
        %ge3A_766 = arith.constant 0.000000e+00 : f32
        %ge3A_767 = vector.broadcast %ge3A_766 : f32 to vector<16xf32>
        %ge3A_768 = arith.cmpf oge, %div3A_735, %ge3A_767 : vector<16xf32>
        %lt3A_769 = arith.constant 1.280000e+02 : f32
        %lt3A_770 = vector.broadcast %lt3A_769 : f32 to vector<16xf32>
        %lt3A_771 = arith.cmpf olt, %div3A_735, %lt3A_770 : vector<16xf32>
        %and3A_772 = arith.andi %ge3A_768, %lt3A_771 : vector<16xi1>
        %ge3A_773 = arith.constant 0.000000e+00 : f32
        %ge3A_774 = vector.broadcast %ge3A_773 : f32 to vector<16xf32>
        %ge3A_775 = arith.cmpf oge, %div3A_750, %ge3A_774 : vector<16xf32>
        %and3A_776 = arith.andi %and3A_772, %ge3A_775 : vector<16xi1>
        %lt3A_777 = arith.constant 1.280000e+02 : f32
        %lt3A_778 = vector.broadcast %lt3A_777 : f32 to vector<16xf32>
        %lt3A_779 = arith.cmpf olt, %div3A_750, %lt3A_778 : vector<16xf32>
        %and3A_780 = arith.andi %and3A_776, %lt3A_779 : vector<16xi1>
        %ge3A_781 = arith.constant 0.000000e+00 : f32
        %ge3A_782 = vector.broadcast %ge3A_781 : f32 to vector<16xf32>
        %ge3A_783 = arith.cmpf oge, %div3A_765, %ge3A_782 : vector<16xf32>
        %and3A_784 = arith.andi %and3A_780, %ge3A_783 : vector<16xi1>
        %lt3A_785 = arith.constant 1.000000e+00 : f32
        %lt3A_786 = vector.broadcast %lt3A_785 : f32 to vector<16xf32>
        %lt3A_787 = arith.cmpf olt, %div3A_765, %lt3A_786 : vector<16xf32>
        %and3A_788 = arith.andi %and3A_784, %lt3A_787 : vector<16xi1>
        %gt3A_789 = arith.constant 5.000000e-01 : f32
        %gt3A_790 = vector.broadcast %gt3A_789 : f32 to vector<16xf32>
        %gt3A_791 = arith.cmpf ogt, %get3A_720, %gt3A_790 : vector<16xf32>
        %and3A_792 = arith.andi %and3A_788, %gt3A_791 : vector<16xi1>
        %convert_element_type3A_793 = arith.fptosi %div3A_735 : vector<16xf32> to vector<16xi32>
        %convert_element_type3A_794 = arith.fptosi %div3A_750 : vector<16xf32> to vector<16xi32>
        %mul3A_795 = arith.constant 128 : i32
        %mul3A_796 = vector.broadcast %mul3A_795 : i32 to vector<16xi32>
        %mul3A_797 = arith.muli %convert_element_type3A_793, %mul3A_796 : vector<16xi32>
        %add3A_798 = arith.addi %mul3A_797, %convert_element_type3A_794 : vector<16xi32>
        %sub3A_799 = vector.broadcast %mul3A_0 : i32 to vector<16xi32>
        %sub3A_800 = arith.subi %add3A_798, %sub3A_799 : vector<16xi32>
        %ge3A_801 = arith.constant 0 : i32
        %ge3A_802 = vector.broadcast %ge3A_801 : i32 to vector<16xi32>
        %ge3A_803 = arith.cmpi sge, %sub3A_800, %ge3A_802 : vector<16xi32>
        %and3A_804 = arith.andi %and3A_792, %ge3A_803 : vector<16xi1>
        %lt3A_805 = arith.constant 8192 : i32
        %lt3A_806 = vector.broadcast %lt3A_805 : i32 to vector<16xi32>
        %lt3A_807 = arith.cmpi slt, %sub3A_800, %lt3A_806 : vector<16xi32>
        %and3A_808 = arith.andi %and3A_804, %lt3A_807 : vector<16xi1>
        %add3A_809 = arith.constant 8192 : i32
        %add3A_810 = arith.addi %add3A_809, %arg1 : i32
        %broadcast_in_dim3A_811 = vector.broadcast %add3A_810 : i32 to vector<16xi32>
        %select_n3A_812 = arith.select %and3A_808, %sub3A_800, %broadcast_in_dim3A_811 : vector<16xi1>, vector<16xi32>
        %swap3A_813 = arith.constant 48 : index
        %swap3A_814 = tpu.vector_load %arg7[%swap3A_813] {strides = array<i32>} : memref<128xi32, #tpu.memory_space<vmem>>, vector<16xi32>,
        %swap3A_815 = vector.shape_cast %swap3A_814 : vector<16xi32> to vector<16xi32>
        %swap3A_816 = vector.shape_cast %select_n3A_812 : vector<16xi32> to vector<16xi32>
        tpu.vector_store %arg7[%swap3A_813], %swap3A_816 {strides = array<i32>} : memref<128xi32, #tpu.memory_space<vmem>>, vector<16xi32>,
        %get3A_817 = arith.constant 0 : i32
        %get3A_818 = arith.index_cast %get3A_817 : i32 to index
        %get3A_819 = arith.constant 64 : index
        %get3A_820 = tpu.vector_load %arg6[%get3A_818, %get3A_819] {strides = array<i32>} : memref<4x128xf32, #tpu.memory_space<vmem>>, vector<1x16xf32>,
        %get3A_821 = vector.shape_cast %get3A_820 : vector<1x16xf32> to vector<16xf32>
        %get3A_822 = arith.constant 1 : i32
        %get3A_823 = arith.index_cast %get3A_822 : i32 to index
        %get3A_824 = arith.constant 64 : index
        %get3A_825 = tpu.vector_load %arg6[%get3A_823, %get3A_824] {strides = array<i32>} : memref<4x128xf32, #tpu.memory_space<vmem>>, vector<1x16xf32>,
        %get3A_826 = vector.shape_cast %get3A_825 : vector<1x16xf32> to vector<16xf32>
        %get3A_827 = arith.constant 2 : i32
        %get3A_828 = arith.index_cast %get3A_827 : i32 to index
        %get3A_829 = arith.constant 64 : index
        %get3A_830 = tpu.vector_load %arg6[%get3A_828, %get3A_829] {strides = array<i32>} : memref<4x128xf32, #tpu.memory_space<vmem>>, vector<1x16xf32>,
        %get3A_831 = vector.shape_cast %get3A_830 : vector<1x16xf32> to vector<16xf32>
        %get3A_832 = arith.constant 3 : i32
        %get3A_833 = arith.index_cast %get3A_832 : i32 to index
        %get3A_834 = arith.constant 64 : index
        %get3A_835 = tpu.vector_load %arg6[%get3A_833, %get3A_834] {strides = array<i32>} : memref<4x128xf32, #tpu.memory_space<vmem>>, vector<1x16xf32>,
        %get3A_836 = vector.shape_cast %get3A_835 : vector<1x16xf32> to vector<16xf32>
        %mul3A_837 = arith.constant 1.024000e+02 : f32
        %mul3A_838 = vector.broadcast %mul3A_837 : f32 to vector<16xf32>
        %mul3A_839 = arith.mulf %get3A_821, %mul3A_838 : vector<16xf32>
        %mul3A_840 = arith.constant 1.100000e+00 : f32
        %mul3A_841 = vector.broadcast %mul3A_840 : f32 to vector<16xf32>
        %mul3A_842 = arith.mulf %mul3A_839, %mul3A_841 : vector<16xf32>
        %add3A_843 = arith.constant -5.632000e+01 : f32
        %add3A_844 = vector.broadcast %add3A_843 : f32 to vector<16xf32>
        %add3A_845 = arith.addf %mul3A_842, %add3A_844 : vector<16xf32>
        %sub3A_846 = arith.constant -5.120000e+01 : f32
        %sub3A_847 = vector.broadcast %sub3A_846 : f32 to vector<16xf32>
        %sub3A_848 = arith.subf %add3A_845, %sub3A_847 : vector<16xf32>
        %div3A_849 = arith.constant 8.000000e-01 : f32
        %div3A_850 = vector.broadcast %div3A_849 : f32 to vector<16xf32>
        %div3A_851 = arith.divf %sub3A_848, %div3A_850 : vector<16xf32>
        %mul3A_852 = arith.constant 1.024000e+02 : f32
        %mul3A_853 = vector.broadcast %mul3A_852 : f32 to vector<16xf32>
        %mul3A_854 = arith.mulf %get3A_826, %mul3A_853 : vector<16xf32>
        %mul3A_855 = arith.constant 1.100000e+00 : f32
        %mul3A_856 = vector.broadcast %mul3A_855 : f32 to vector<16xf32>
        %mul3A_857 = arith.mulf %mul3A_854, %mul3A_856 : vector<16xf32>
        %add3A_858 = arith.constant -5.632000e+01 : f32
        %add3A_859 = vector.broadcast %add3A_858 : f32 to vector<16xf32>
        %add3A_860 = arith.addf %mul3A_857, %add3A_859 : vector<16xf32>
        %sub3A_861 = arith.constant -5.120000e+01 : f32
        %sub3A_862 = vector.broadcast %sub3A_861 : f32 to vector<16xf32>
        %sub3A_863 = arith.subf %add3A_860, %sub3A_862 : vector<16xf32>
        %div3A_864 = arith.constant 8.000000e-01 : f32
        %div3A_865 = vector.broadcast %div3A_864 : f32 to vector<16xf32>
        %div3A_866 = arith.divf %sub3A_863, %div3A_865 : vector<16xf32>
        %mul3A_867 = arith.constant 2.000000e+01 : f32
        %mul3A_868 = vector.broadcast %mul3A_867 : f32 to vector<16xf32>
        %mul3A_869 = arith.mulf %get3A_831, %mul3A_868 : vector<16xf32>
        %mul3A_870 = arith.constant 1.100000e+00 : f32
        %mul3A_871 = vector.broadcast %mul3A_870 : f32 to vector<16xf32>
        %mul3A_872 = arith.mulf %mul3A_869, %mul3A_871 : vector<16xf32>
        %add3A_873 = arith.constant -1.100000e+01 : f32
        %add3A_874 = vector.broadcast %add3A_873 : f32 to vector<16xf32>
        %add3A_875 = arith.addf %mul3A_872, %add3A_874 : vector<16xf32>
        %sub3A_876 = arith.constant -1.000000e+01 : f32
        %sub3A_877 = vector.broadcast %sub3A_876 : f32 to vector<16xf32>
        %sub3A_878 = arith.subf %add3A_875, %sub3A_877 : vector<16xf32>
        %div3A_879 = arith.constant 2.000000e+01 : f32
        %div3A_880 = vector.broadcast %div3A_879 : f32 to vector<16xf32>
        %div3A_881 = arith.divf %sub3A_878, %div3A_880 : vector<16xf32>
        %ge3A_882 = arith.constant 0.000000e+00 : f32
        %ge3A_883 = vector.broadcast %ge3A_882 : f32 to vector<16xf32>
        %ge3A_884 = arith.cmpf oge, %div3A_851, %ge3A_883 : vector<16xf32>
        %lt3A_885 = arith.constant 1.280000e+02 : f32
        %lt3A_886 = vector.broadcast %lt3A_885 : f32 to vector<16xf32>
        %lt3A_887 = arith.cmpf olt, %div3A_851, %lt3A_886 : vector<16xf32>
        %and3A_888 = arith.andi %ge3A_884, %lt3A_887 : vector<16xi1>
        %ge3A_889 = arith.constant 0.000000e+00 : f32
        %ge3A_890 = vector.broadcast %ge3A_889 : f32 to vector<16xf32>
        %ge3A_891 = arith.cmpf oge, %div3A_866, %ge3A_890 : vector<16xf32>
        %and3A_892 = arith.andi %and3A_888, %ge3A_891 : vector<16xi1>
        %lt3A_893 = arith.constant 1.280000e+02 : f32
        %lt3A_894 = vector.broadcast %lt3A_893 : f32 to vector<16xf32>
        %lt3A_895 = arith.cmpf olt, %div3A_866, %lt3A_894 : vector<16xf32>
        %and3A_896 = arith.andi %and3A_892, %lt3A_895 : vector<16xi1>
        %ge3A_897 = arith.constant 0.000000e+00 : f32
        %ge3A_898 = vector.broadcast %ge3A_897 : f32 to vector<16xf32>
        %ge3A_899 = arith.cmpf oge, %div3A_881, %ge3A_898 : vector<16xf32>
        %and3A_900 = arith.andi %and3A_896, %ge3A_899 : vector<16xi1>
        %lt3A_901 = arith.constant 1.000000e+00 : f32
        %lt3A_902 = vector.broadcast %lt3A_901 : f32 to vector<16xf32>
        %lt3A_903 = arith.cmpf olt, %div3A_881, %lt3A_902 : vector<16xf32>
        %and3A_904 = arith.andi %and3A_900, %lt3A_903 : vector<16xi1>
        %gt3A_905 = arith.constant 5.000000e-01 : f32
        %gt3A_906 = vector.broadcast %gt3A_905 : f32 to vector<16xf32>
        %gt3A_907 = arith.cmpf ogt, %get3A_836, %gt3A_906 : vector<16xf32>
        %and3A_908 = arith.andi %and3A_904, %gt3A_907 : vector<16xi1>
        %convert_element_type3A_909 = arith.fptosi %div3A_851 : vector<16xf32> to vector<16xi32>
        %convert_element_type3A_910 = arith.fptosi %div3A_866 : vector<16xf32> to vector<16xi32>
        %mul3A_911 = arith.constant 128 : i32
        %mul3A_912 = vector.broadcast %mul3A_911 : i32 to vector<16xi32>
        %mul3A_913 = arith.muli %convert_element_type3A_909, %mul3A_912 : vector<16xi32>
        %add3A_914 = arith.addi %mul3A_913, %convert_element_type3A_910 : vector<16xi32>
        %sub3A_915 = vector.broadcast %mul3A_0 : i32 to vector<16xi32>
        %sub3A_916 = arith.subi %add3A_914, %sub3A_915 : vector<16xi32>
        %ge3A_917 = arith.constant 0 : i32
        %ge3A_918 = vector.broadcast %ge3A_917 : i32 to vector<16xi32>
        %ge3A_919 = arith.cmpi sge, %sub3A_916, %ge3A_918 : vector<16xi32>
        %and3A_920 = arith.andi %and3A_908, %ge3A_919 : vector<16xi1>
        %lt3A_921 = arith.constant 8192 : i32
        %lt3A_922 = vector.broadcast %lt3A_921 : i32 to vector<16xi32>
        %lt3A_923 = arith.cmpi slt, %sub3A_916, %lt3A_922 : vector<16xi32>
        %and3A_924 = arith.andi %and3A_920, %lt3A_923 : vector<16xi1>
        %add3A_925 = arith.constant 8192 : i32
        %add3A_926 = arith.addi %add3A_925, %arg1 : i32
        %broadcast_in_dim3A_927 = vector.broadcast %add3A_926 : i32 to vector<16xi32>
        %select_n3A_928 = arith.select %and3A_924, %sub3A_916, %broadcast_in_dim3A_927 : vector<16xi1>, vector<16xi32>
        %swap3A_929 = arith.constant 64 : index
        %swap3A_930 = tpu.vector_load %arg7[%swap3A_929] {strides = array<i32>} : memref<128xi32, #tpu.memory_space<vmem>>, vector<16xi32>,
        %swap3A_931 = vector.shape_cast %swap3A_930 : vector<16xi32> to vector<16xi32>
        %swap3A_932 = vector.shape_cast %select_n3A_928 : vector<16xi32> to vector<16xi32>
        tpu.vector_store %arg7[%swap3A_929], %swap3A_932 {strides = array<i32>} : memref<128xi32, #tpu.memory_space<vmem>>, vector<16xi32>,
        %get3A_933 = arith.constant 0 : i32
        %get3A_934 = arith.index_cast %get3A_933 : i32 to index
        %get3A_935 = arith.constant 80 : index
        %get3A_936 = tpu.vector_load %arg6[%get3A_934, %get3A_935] {strides = array<i32>} : memref<4x128xf32, #tpu.memory_space<vmem>>, vector<1x16xf32>,
        %get3A_937 = vector.shape_cast %get3A_936 : vector<1x16xf32> to vector<16xf32>
        %get3A_938 = arith.constant 1 : i32
        %get3A_939 = arith.index_cast %get3A_938 : i32 to index
        %get3A_940 = arith.constant 80 : index
        %get3A_941 = tpu.vector_load %arg6[%get3A_939, %get3A_940] {strides = array<i32>} : memref<4x128xf32, #tpu.memory_space<vmem>>, vector<1x16xf32>,
        %get3A_942 = vector.shape_cast %get3A_941 : vector<1x16xf32> to vector<16xf32>
        %get3A_943 = arith.constant 2 : i32
        %get3A_944 = arith.index_cast %get3A_943 : i32 to index
        %get3A_945 = arith.constant 80 : index
        %get3A_946 = tpu.vector_load %arg6[%get3A_944, %get3A_945] {strides = array<i32>} : memref<4x128xf32, #tpu.memory_space<vmem>>, vector<1x16xf32>,
        %get3A_947 = vector.shape_cast %get3A_946 : vector<1x16xf32> to vector<16xf32>
        %get3A_948 = arith.constant 3 : i32
        %get3A_949 = arith.index_cast %get3A_948 : i32 to index
        %get3A_950 = arith.constant 80 : index
        %get3A_951 = tpu.vector_load %arg6[%get3A_949, %get3A_950] {strides = array<i32>} : memref<4x128xf32, #tpu.memory_space<vmem>>, vector<1x16xf32>,
        %get3A_952 = vector.shape_cast %get3A_951 : vector<1x16xf32> to vector<16xf32>
        %mul3A_953 = arith.constant 1.024000e+02 : f32
        %mul3A_954 = vector.broadcast %mul3A_953 : f32 to vector<16xf32>
        %mul3A_955 = arith.mulf %get3A_937, %mul3A_954 : vector<16xf32>
        %mul3A_956 = arith.constant 1.100000e+00 : f32
        %mul3A_957 = vector.broadcast %mul3A_956 : f32 to vector<16xf32>
        %mul3A_958 = arith.mulf %mul3A_955, %mul3A_957 : vector<16xf32>
        %add3A_959 = arith.constant -5.632000e+01 : f32
        %add3A_960 = vector.broadcast %add3A_959 : f32 to vector<16xf32>
        %add3A_961 = arith.addf %mul3A_958, %add3A_960 : vector<16xf32>
        %sub3A_962 = arith.constant -5.120000e+01 : f32
        %sub3A_963 = vector.broadcast %sub3A_962 : f32 to vector<16xf32>
        %sub3A_964 = arith.subf %add3A_961, %sub3A_963 : vector<16xf32>
        %div3A_965 = arith.constant 8.000000e-01 : f32
        %div3A_966 = vector.broadcast %div3A_965 : f32 to vector<16xf32>
        %div3A_967 = arith.divf %sub3A_964, %div3A_966 : vector<16xf32>
        %mul3A_968 = arith.constant 1.024000e+02 : f32
        %mul3A_969 = vector.broadcast %mul3A_968 : f32 to vector<16xf32>
        %mul3A_970 = arith.mulf %get3A_942, %mul3A_969 : vector<16xf32>
        %mul3A_971 = arith.constant 1.100000e+00 : f32
        %mul3A_972 = vector.broadcast %mul3A_971 : f32 to vector<16xf32>
        %mul3A_973 = arith.mulf %mul3A_970, %mul3A_972 : vector<16xf32>
        %add3A_974 = arith.constant -5.632000e+01 : f32
        %add3A_975 = vector.broadcast %add3A_974 : f32 to vector<16xf32>
        %add3A_976 = arith.addf %mul3A_973, %add3A_975 : vector<16xf32>
        %sub3A_977 = arith.constant -5.120000e+01 : f32
        %sub3A_978 = vector.broadcast %sub3A_977 : f32 to vector<16xf32>
        %sub3A_979 = arith.subf %add3A_976, %sub3A_978 : vector<16xf32>
        %div3A_980 = arith.constant 8.000000e-01 : f32
        %div3A_981 = vector.broadcast %div3A_980 : f32 to vector<16xf32>
        %div3A_982 = arith.divf %sub3A_979, %div3A_981 : vector<16xf32>
        %mul3A_983 = arith.constant 2.000000e+01 : f32
        %mul3A_984 = vector.broadcast %mul3A_983 : f32 to vector<16xf32>
        %mul3A_985 = arith.mulf %get3A_947, %mul3A_984 : vector<16xf32>
        %mul3A_986 = arith.constant 1.100000e+00 : f32
        %mul3A_987 = vector.broadcast %mul3A_986 : f32 to vector<16xf32>
        %mul3A_988 = arith.mulf %mul3A_985, %mul3A_987 : vector<16xf32>
        %add3A_989 = arith.constant -1.100000e+01 : f32
        %add3A_990 = vector.broadcast %add3A_989 : f32 to vector<16xf32>
        %add3A_991 = arith.addf %mul3A_988, %add3A_990 : vector<16xf32>
        %sub3A_992 = arith.constant -1.000000e+01 : f32
        %sub3A_993 = vector.broadcast %sub3A_992 : f32 to vector<16xf32>
        %sub3A_994 = arith.subf %add3A_991, %sub3A_993 : vector<16xf32>
        %div3A_995 = arith.constant 2.000000e+01 : f32
        %div3A_996 = vector.broadcast %div3A_995 : f32 to vector<16xf32>
        %div3A_997 = arith.divf %sub3A_994, %div3A_996 : vector<16xf32>
        %ge3A_998 = arith.constant 0.000000e+00 : f32
        %ge3A_999 = vector.broadcast %ge3A_998 : f32 to vector<16xf32>
        %ge3A_1000 = arith.cmpf oge, %div3A_967, %ge3A_999 : vector<16xf32>
        %lt3A_1001 = arith.constant 1.280000e+02 : f32
        %lt3A_1002 = vector.broadcast %lt3A_1001 : f32 to vector<16xf32>
        %lt3A_1003 = arith.cmpf olt, %div3A_967, %lt3A_1002 : vector<16xf32>
        %and3A_1004 = arith.andi %ge3A_1000, %lt3A_1003 : vector<16xi1>
        %ge3A_1005 = arith.constant 0.000000e+00 : f32
        %ge3A_1006 = vector.broadcast %ge3A_1005 : f32 to vector<16xf32>
        %ge3A_1007 = arith.cmpf oge, %div3A_982, %ge3A_1006 : vector<16xf32>
        %and3A_1008 = arith.andi %and3A_1004, %ge3A_1007 : vector<16xi1>
        %lt3A_1009 = arith.constant 1.280000e+02 : f32
        %lt3A_1010 = vector.broadcast %lt3A_1009 : f32 to vector<16xf32>
        %lt3A_1011 = arith.cmpf olt, %div3A_982, %lt3A_1010 : vector<16xf32>
        %and3A_1012 = arith.andi %and3A_1008, %lt3A_1011 : vector<16xi1>
        %ge3A_1013 = arith.constant 0.000000e+00 : f32
        %ge3A_1014 = vector.broadcast %ge3A_1013 : f32 to vector<16xf32>
        %ge3A_1015 = arith.cmpf oge, %div3A_997, %ge3A_1014 : vector<16xf32>
        %and3A_1016 = arith.andi %and3A_1012, %ge3A_1015 : vector<16xi1>
        %lt3A_1017 = arith.constant 1.000000e+00 : f32
        %lt3A_1018 = vector.broadcast %lt3A_1017 : f32 to vector<16xf32>
        %lt3A_1019 = arith.cmpf olt, %div3A_997, %lt3A_1018 : vector<16xf32>
        %and3A_1020 = arith.andi %and3A_1016, %lt3A_1019 : vector<16xi1>
        %gt3A_1021 = arith.constant 5.000000e-01 : f32
        %gt3A_1022 = vector.broadcast %gt3A_1021 : f32 to vector<16xf32>
        %gt3A_1023 = arith.cmpf ogt, %get3A_952, %gt3A_1022 : vector<16xf32>
        %and3A_1024 = arith.andi %and3A_1020, %gt3A_1023 : vector<16xi1>
        %convert_element_type3A_1025 = arith.fptosi %div3A_967 : vector<16xf32> to vector<16xi32>
        %convert_element_type3A_1026 = arith.fptosi %div3A_982 : vector<16xf32> to vector<16xi32>
        %mul3A_1027 = arith.constant 128 : i32
        %mul3A_1028 = vector.broadcast %mul3A_1027 : i32 to vector<16xi32>
        %mul3A_1029 = arith.muli %convert_element_type3A_1025, %mul3A_1028 : vector<16xi32>
        %add3A_1030 = arith.addi %mul3A_1029, %convert_element_type3A_1026 : vector<16xi32>
        %sub3A_1031 = vector.broadcast %mul3A_0 : i32 to vector<16xi32>
        %sub3A_1032 = arith.subi %add3A_1030, %sub3A_1031 : vector<16xi32>
        %ge3A_1033 = arith.constant 0 : i32
        %ge3A_1034 = vector.broadcast %ge3A_1033 : i32 to vector<16xi32>
        %ge3A_1035 = arith.cmpi sge, %sub3A_1032, %ge3A_1034 : vector<16xi32>
        %and3A_1036 = arith.andi %and3A_1024, %ge3A_1035 : vector<16xi1>
        %lt3A_1037 = arith.constant 8192 : i32
        %lt3A_1038 = vector.broadcast %lt3A_1037 : i32 to vector<16xi32>
        %lt3A_1039 = arith.cmpi slt, %sub3A_1032, %lt3A_1038 : vector<16xi32>
        %and3A_1040 = arith.andi %and3A_1036, %lt3A_1039 : vector<16xi1>
        %add3A_1041 = arith.constant 8192 : i32
        %add3A_1042 = arith.addi %add3A_1041, %arg1 : i32
        %broadcast_in_dim3A_1043 = vector.broadcast %add3A_1042 : i32 to vector<16xi32>
        %select_n3A_1044 = arith.select %and3A_1040, %sub3A_1032, %broadcast_in_dim3A_1043 : vector<16xi1>, vector<16xi32>
        %swap3A_1045 = arith.constant 80 : index
        %swap3A_1046 = tpu.vector_load %arg7[%swap3A_1045] {strides = array<i32>} : memref<128xi32, #tpu.memory_space<vmem>>, vector<16xi32>,
        %swap3A_1047 = vector.shape_cast %swap3A_1046 : vector<16xi32> to vector<16xi32>
        %swap3A_1048 = vector.shape_cast %select_n3A_1044 : vector<16xi32> to vector<16xi32>
        tpu.vector_store %arg7[%swap3A_1045], %swap3A_1048 {strides = array<i32>} : memref<128xi32, #tpu.memory_space<vmem>>, vector<16xi32>,
        %get3A_1049 = arith.constant 0 : i32
        %get3A_1050 = arith.index_cast %get3A_1049 : i32 to index
        %get3A_1051 = arith.constant 96 : index
        %get3A_1052 = tpu.vector_load %arg6[%get3A_1050, %get3A_1051] {strides = array<i32>} : memref<4x128xf32, #tpu.memory_space<vmem>>, vector<1x16xf32>,
        %get3A_1053 = vector.shape_cast %get3A_1052 : vector<1x16xf32> to vector<16xf32>
        %get3A_1054 = arith.constant 1 : i32
        %get3A_1055 = arith.index_cast %get3A_1054 : i32 to index
        %get3A_1056 = arith.constant 96 : index
        %get3A_1057 = tpu.vector_load %arg6[%get3A_1055, %get3A_1056] {strides = array<i32>} : memref<4x128xf32, #tpu.memory_space<vmem>>, vector<1x16xf32>,
        %get3A_1058 = vector.shape_cast %get3A_1057 : vector<1x16xf32> to vector<16xf32>
        %get3A_1059 = arith.constant 2 : i32
        %get3A_1060 = arith.index_cast %get3A_1059 : i32 to index
        %get3A_1061 = arith.constant 96 : index
        %get3A_1062 = tpu.vector_load %arg6[%get3A_1060, %get3A_1061] {strides = array<i32>} : memref<4x128xf32, #tpu.memory_space<vmem>>, vector<1x16xf32>,
        %get3A_1063 = vector.shape_cast %get3A_1062 : vector<1x16xf32> to vector<16xf32>
        %get3A_1064 = arith.constant 3 : i32
        %get3A_1065 = arith.index_cast %get3A_1064 : i32 to index
        %get3A_1066 = arith.constant 96 : index
        %get3A_1067 = tpu.vector_load %arg6[%get3A_1065, %get3A_1066] {strides = array<i32>} : memref<4x128xf32, #tpu.memory_space<vmem>>, vector<1x16xf32>,
        %get3A_1068 = vector.shape_cast %get3A_1067 : vector<1x16xf32> to vector<16xf32>
        %mul3A_1069 = arith.constant 1.024000e+02 : f32
        %mul3A_1070 = vector.broadcast %mul3A_1069 : f32 to vector<16xf32>
        %mul3A_1071 = arith.mulf %get3A_1053, %mul3A_1070 : vector<16xf32>
        %mul3A_1072 = arith.constant 1.100000e+00 : f32
        %mul3A_1073 = vector.broadcast %mul3A_1072 : f32 to vector<16xf32>
        %mul3A_1074 = arith.mulf %mul3A_1071, %mul3A_1073 : vector<16xf32>
        %add3A_1075 = arith.constant -5.632000e+01 : f32
        %add3A_1076 = vector.broadcast %add3A_1075 : f32 to vector<16xf32>
        %add3A_1077 = arith.addf %mul3A_1074, %add3A_1076 : vector<16xf32>
        %sub3A_1078 = arith.constant -5.120000e+01 : f32
        %sub3A_1079 = vector.broadcast %sub3A_1078 : f32 to vector<16xf32>
        %sub3A_1080 = arith.subf %add3A_1077, %sub3A_1079 : vector<16xf32>
        %div3A_1081 = arith.constant 8.000000e-01 : f32
        %div3A_1082 = vector.broadcast %div3A_1081 : f32 to vector<16xf32>
        %div3A_1083 = arith.divf %sub3A_1080, %div3A_1082 : vector<16xf32>
        %mul3A_1084 = arith.constant 1.024000e+02 : f32
        %mul3A_1085 = vector.broadcast %mul3A_1084 : f32 to vector<16xf32>
        %mul3A_1086 = arith.mulf %get3A_1058, %mul3A_1085 : vector<16xf32>
        %mul3A_1087 = arith.constant 1.100000e+00 : f32
        %mul3A_1088 = vector.broadcast %mul3A_1087 : f32 to vector<16xf32>
        %mul3A_1089 = arith.mulf %mul3A_1086, %mul3A_1088 : vector<16xf32>
        %add3A_1090 = arith.constant -5.632000e+01 : f32
        %add3A_1091 = vector.broadcast %add3A_1090 : f32 to vector<16xf32>
        %add3A_1092 = arith.addf %mul3A_1089, %add3A_1091 : vector<16xf32>
        %sub3A_1093 = arith.constant -5.120000e+01 : f32
        %sub3A_1094 = vector.broadcast %sub3A_1093 : f32 to vector<16xf32>
        %sub3A_1095 = arith.subf %add3A_1092, %sub3A_1094 : vector<16xf32>
        %div3A_1096 = arith.constant 8.000000e-01 : f32
        %div3A_1097 = vector.broadcast %div3A_1096 : f32 to vector<16xf32>
        %div3A_1098 = arith.divf %sub3A_1095, %div3A_1097 : vector<16xf32>
        %mul3A_1099 = arith.constant 2.000000e+01 : f32
        %mul3A_1100 = vector.broadcast %mul3A_1099 : f32 to vector<16xf32>
        %mul3A_1101 = arith.mulf %get3A_1063, %mul3A_1100 : vector<16xf32>
        %mul3A_1102 = arith.constant 1.100000e+00 : f32
        %mul3A_1103 = vector.broadcast %mul3A_1102 : f32 to vector<16xf32>
        %mul3A_1104 = arith.mulf %mul3A_1101, %mul3A_1103 : vector<16xf32>
        %add3A_1105 = arith.constant -1.100000e+01 : f32
        %add3A_1106 = vector.broadcast %add3A_1105 : f32 to vector<16xf32>
        %add3A_1107 = arith.addf %mul3A_1104, %add3A_1106 : vector<16xf32>
        %sub3A_1108 = arith.constant -1.000000e+01 : f32
        %sub3A_1109 = vector.broadcast %sub3A_1108 : f32 to vector<16xf32>
        %sub3A_1110 = arith.subf %add3A_1107, %sub3A_1109 : vector<16xf32>
        %div3A_1111 = arith.constant 2.000000e+01 : f32
        %div3A_1112 = vector.broadcast %div3A_1111 : f32 to vector<16xf32>
        %div3A_1113 = arith.divf %sub3A_1110, %div3A_1112 : vector<16xf32>
        %ge3A_1114 = arith.constant 0.000000e+00 : f32
        %ge3A_1115 = vector.broadcast %ge3A_1114 : f32 to vector<16xf32>
        %ge3A_1116 = arith.cmpf oge, %div3A_1083, %ge3A_1115 : vector<16xf32>
        %lt3A_1117 = arith.constant 1.280000e+02 : f32
        %lt3A_1118 = vector.broadcast %lt3A_1117 : f32 to vector<16xf32>
        %lt3A_1119 = arith.cmpf olt, %div3A_1083, %lt3A_1118 : vector<16xf32>
        %and3A_1120 = arith.andi %ge3A_1116, %lt3A_1119 : vector<16xi1>
        %ge3A_1121 = arith.constant 0.000000e+00 : f32
        %ge3A_1122 = vector.broadcast %ge3A_1121 : f32 to vector<16xf32>
        %ge3A_1123 = arith.cmpf oge, %div3A_1098, %ge3A_1122 : vector<16xf32>
        %and3A_1124 = arith.andi %and3A_1120, %ge3A_1123 : vector<16xi1>
        %lt3A_1125 = arith.constant 1.280000e+02 : f32
        %lt3A_1126 = vector.broadcast %lt3A_1125 : f32 to vector<16xf32>
        %lt3A_1127 = arith.cmpf olt, %div3A_1098, %lt3A_1126 : vector<16xf32>
        %and3A_1128 = arith.andi %and3A_1124, %lt3A_1127 : vector<16xi1>
        %ge3A_1129 = arith.constant 0.000000e+00 : f32
        %ge3A_1130 = vector.broadcast %ge3A_1129 : f32 to vector<16xf32>
        %ge3A_1131 = arith.cmpf oge, %div3A_1113, %ge3A_1130 : vector<16xf32>
        %and3A_1132 = arith.andi %and3A_1128, %ge3A_1131 : vector<16xi1>
        %lt3A_1133 = arith.constant 1.000000e+00 : f32
        %lt3A_1134 = vector.broadcast %lt3A_1133 : f32 to vector<16xf32>
        %lt3A_1135 = arith.cmpf olt, %div3A_1113, %lt3A_1134 : vector<16xf32>
        %and3A_1136 = arith.andi %and3A_1132, %lt3A_1135 : vector<16xi1>
        %gt3A_1137 = arith.constant 5.000000e-01 : f32
        %gt3A_1138 = vector.broadcast %gt3A_1137 : f32 to vector<16xf32>
        %gt3A_1139 = arith.cmpf ogt, %get3A_1068, %gt3A_1138 : vector<16xf32>
        %and3A_1140 = arith.andi %and3A_1136, %gt3A_1139 : vector<16xi1>
        %convert_element_type3A_1141 = arith.fptosi %div3A_1083 : vector<16xf32> to vector<16xi32>
        %convert_element_type3A_1142 = arith.fptosi %div3A_1098 : vector<16xf32> to vector<16xi32>
        %mul3A_1143 = arith.constant 128 : i32
        %mul3A_1144 = vector.broadcast %mul3A_1143 : i32 to vector<16xi32>
        %mul3A_1145 = arith.muli %convert_element_type3A_1141, %mul3A_1144 : vector<16xi32>
        %add3A_1146 = arith.addi %mul3A_1145, %convert_element_type3A_1142 : vector<16xi32>
        %sub3A_1147 = vector.broadcast %mul3A_0 : i32 to vector<16xi32>
        %sub3A_1148 = arith.subi %add3A_1146, %sub3A_1147 : vector<16xi32>
        %ge3A_1149 = arith.constant 0 : i32
        %ge3A_1150 = vector.broadcast %ge3A_1149 : i32 to vector<16xi32>
        %ge3A_1151 = arith.cmpi sge, %sub3A_1148, %ge3A_1150 : vector<16xi32>
        %and3A_1152 = arith.andi %and3A_1140, %ge3A_1151 : vector<16xi1>
        %lt3A_1153 = arith.constant 8192 : i32
        %lt3A_1154 = vector.broadcast %lt3A_1153 : i32 to vector<16xi32>
        %lt3A_1155 = arith.cmpi slt, %sub3A_1148, %lt3A_1154 : vector<16xi32>
        %and3A_1156 = arith.andi %and3A_1152, %lt3A_1155 : vector<16xi1>
        %add3A_1157 = arith.constant 8192 : i32
        %add3A_1158 = arith.addi %add3A_1157, %arg1 : i32
        %broadcast_in_dim3A_1159 = vector.broadcast %add3A_1158 : i32 to vector<16xi32>
        %select_n3A_1160 = arith.select %and3A_1156, %sub3A_1148, %broadcast_in_dim3A_1159 : vector<16xi1>, vector<16xi32>
        %swap3A_1161 = arith.constant 96 : index
        %swap3A_1162 = tpu.vector_load %arg7[%swap3A_1161] {strides = array<i32>} : memref<128xi32, #tpu.memory_space<vmem>>, vector<16xi32>,
        %swap3A_1163 = vector.shape_cast %swap3A_1162 : vector<16xi32> to vector<16xi32>
        %swap3A_1164 = vector.shape_cast %select_n3A_1160 : vector<16xi32> to vector<16xi32>
        tpu.vector_store %arg7[%swap3A_1161], %swap3A_1164 {strides = array<i32>} : memref<128xi32, #tpu.memory_space<vmem>>, vector<16xi32>,
        %get3A_1165 = arith.constant 0 : i32
        %get3A_1166 = arith.index_cast %get3A_1165 : i32 to index
        %get3A_1167 = arith.constant 112 : index
        %get3A_1168 = tpu.vector_load %arg6[%get3A_1166, %get3A_1167] {strides = array<i32>} : memref<4x128xf32, #tpu.memory_space<vmem>>, vector<1x16xf32>,
        %get3A_1169 = vector.shape_cast %get3A_1168 : vector<1x16xf32> to vector<16xf32>
        %get3A_1170 = arith.constant 1 : i32
        %get3A_1171 = arith.index_cast %get3A_1170 : i32 to index
        %get3A_1172 = arith.constant 112 : index
        %get3A_1173 = tpu.vector_load %arg6[%get3A_1171, %get3A_1172] {strides = array<i32>} : memref<4x128xf32, #tpu.memory_space<vmem>>, vector<1x16xf32>,
        %get3A_1174 = vector.shape_cast %get3A_1173 : vector<1x16xf32> to vector<16xf32>
        %get3A_1175 = arith.constant 2 : i32
        %get3A_1176 = arith.index_cast %get3A_1175 : i32 to index
        %get3A_1177 = arith.constant 112 : index
        %get3A_1178 = tpu.vector_load %arg6[%get3A_1176, %get3A_1177] {strides = array<i32>} : memref<4x128xf32, #tpu.memory_space<vmem>>, vector<1x16xf32>,
        %get3A_1179 = vector.shape_cast %get3A_1178 : vector<1x16xf32> to vector<16xf32>
        %get3A_1180 = arith.constant 3 : i32
        %get3A_1181 = arith.index_cast %get3A_1180 : i32 to index
        %get3A_1182 = arith.constant 112 : index
        %get3A_1183 = tpu.vector_load %arg6[%get3A_1181, %get3A_1182] {strides = array<i32>} : memref<4x128xf32, #tpu.memory_space<vmem>>, vector<1x16xf32>,
        %get3A_1184 = vector.shape_cast %get3A_1183 : vector<1x16xf32> to vector<16xf32>
        %mul3A_1185 = arith.constant 1.024000e+02 : f32
        %mul3A_1186 = vector.broadcast %mul3A_1185 : f32 to vector<16xf32>
        %mul3A_1187 = arith.mulf %get3A_1169, %mul3A_1186 : vector<16xf32>
        %mul3A_1188 = arith.constant 1.100000e+00 : f32
        %mul3A_1189 = vector.broadcast %mul3A_1188 : f32 to vector<16xf32>
        %mul3A_1190 = arith.mulf %mul3A_1187, %mul3A_1189 : vector<16xf32>
        %add3A_1191 = arith.constant -5.632000e+01 : f32
        %add3A_1192 = vector.broadcast %add3A_1191 : f32 to vector<16xf32>
        %add3A_1193 = arith.addf %mul3A_1190, %add3A_1192 : vector<16xf32>
        %sub3A_1194 = arith.constant -5.120000e+01 : f32
        %sub3A_1195 = vector.broadcast %sub3A_1194 : f32 to vector<16xf32>
        %sub3A_1196 = arith.subf %add3A_1193, %sub3A_1195 : vector<16xf32>
        %div3A_1197 = arith.constant 8.000000e-01 : f32
        %div3A_1198 = vector.broadcast %div3A_1197 : f32 to vector<16xf32>
        %div3A_1199 = arith.divf %sub3A_1196, %div3A_1198 : vector<16xf32>
        %mul3A_1200 = arith.constant 1.024000e+02 : f32
        %mul3A_1201 = vector.broadcast %mul3A_1200 : f32 to vector<16xf32>
        %mul3A_1202 = arith.mulf %get3A_1174, %mul3A_1201 : vector<16xf32>
        %mul3A_1203 = arith.constant 1.100000e+00 : f32
        %mul3A_1204 = vector.broadcast %mul3A_1203 : f32 to vector<16xf32>
        %mul3A_1205 = arith.mulf %mul3A_1202, %mul3A_1204 : vector<16xf32>
        %add3A_1206 = arith.constant -5.632000e+01 : f32
        %add3A_1207 = vector.broadcast %add3A_1206 : f32 to vector<16xf32>
        %add3A_1208 = arith.addf %mul3A_1205, %add3A_1207 : vector<16xf32>
        %sub3A_1209 = arith.constant -5.120000e+01 : f32
        %sub3A_1210 = vector.broadcast %sub3A_1209 : f32 to vector<16xf32>
        %sub3A_1211 = arith.subf %add3A_1208, %sub3A_1210 : vector<16xf32>
        %div3A_1212 = arith.constant 8.000000e-01 : f32
        %div3A_1213 = vector.broadcast %div3A_1212 : f32 to vector<16xf32>
        %div3A_1214 = arith.divf %sub3A_1211, %div3A_1213 : vector<16xf32>
        %mul3A_1215 = arith.constant 2.000000e+01 : f32
        %mul3A_1216 = vector.broadcast %mul3A_1215 : f32 to vector<16xf32>
        %mul3A_1217 = arith.mulf %get3A_1179, %mul3A_1216 : vector<16xf32>
        %mul3A_1218 = arith.constant 1.100000e+00 : f32
        %mul3A_1219 = vector.broadcast %mul3A_1218 : f32 to vector<16xf32>
        %mul3A_1220 = arith.mulf %mul3A_1217, %mul3A_1219 : vector<16xf32>
        %add3A_1221 = arith.constant -1.100000e+01 : f32
        %add3A_1222 = vector.broadcast %add3A_1221 : f32 to vector<16xf32>
        %add3A_1223 = arith.addf %mul3A_1220, %add3A_1222 : vector<16xf32>
        %sub3A_1224 = arith.constant -1.000000e+01 : f32
        %sub3A_1225 = vector.broadcast %sub3A_1224 : f32 to vector<16xf32>
        %sub3A_1226 = arith.subf %add3A_1223, %sub3A_1225 : vector<16xf32>
        %div3A_1227 = arith.constant 2.000000e+01 : f32
        %div3A_1228 = vector.broadcast %div3A_1227 : f32 to vector<16xf32>
        %div3A_1229 = arith.divf %sub3A_1226, %div3A_1228 : vector<16xf32>
        %ge3A_1230 = arith.constant 0.000000e+00 : f32
        %ge3A_1231 = vector.broadcast %ge3A_1230 : f32 to vector<16xf32>
        %ge3A_1232 = arith.cmpf oge, %div3A_1199, %ge3A_1231 : vector<16xf32>
        %lt3A_1233 = arith.constant 1.280000e+02 : f32
        %lt3A_1234 = vector.broadcast %lt3A_1233 : f32 to vector<16xf32>
        %lt3A_1235 = arith.cmpf olt, %div3A_1199, %lt3A_1234 : vector<16xf32>
        %and3A_1236 = arith.andi %ge3A_1232, %lt3A_1235 : vector<16xi1>
        %ge3A_1237 = arith.constant 0.000000e+00 : f32
        %ge3A_1238 = vector.broadcast %ge3A_1237 : f32 to vector<16xf32>
        %ge3A_1239 = arith.cmpf oge, %div3A_1214, %ge3A_1238 : vector<16xf32>
        %and3A_1240 = arith.andi %and3A_1236, %ge3A_1239 : vector<16xi1>
        %lt3A_1241 = arith.constant 1.280000e+02 : f32
        %lt3A_1242 = vector.broadcast %lt3A_1241 : f32 to vector<16xf32>
        %lt3A_1243 = arith.cmpf olt, %div3A_1214, %lt3A_1242 : vector<16xf32>
        %and3A_1244 = arith.andi %and3A_1240, %lt3A_1243 : vector<16xi1>
        %ge3A_1245 = arith.constant 0.000000e+00 : f32
        %ge3A_1246 = vector.broadcast %ge3A_1245 : f32 to vector<16xf32>
        %ge3A_1247 = arith.cmpf oge, %div3A_1229, %ge3A_1246 : vector<16xf32>
        %and3A_1248 = arith.andi %and3A_1244, %ge3A_1247 : vector<16xi1>
        %lt3A_1249 = arith.constant 1.000000e+00 : f32
        %lt3A_1250 = vector.broadcast %lt3A_1249 : f32 to vector<16xf32>
        %lt3A_1251 = arith.cmpf olt, %div3A_1229, %lt3A_1250 : vector<16xf32>
        %and3A_1252 = arith.andi %and3A_1248, %lt3A_1251 : vector<16xi1>
        %gt3A_1253 = arith.constant 5.000000e-01 : f32
        %gt3A_1254 = vector.broadcast %gt3A_1253 : f32 to vector<16xf32>
        %gt3A_1255 = arith.cmpf ogt, %get3A_1184, %gt3A_1254 : vector<16xf32>
        %and3A_1256 = arith.andi %and3A_1252, %gt3A_1255 : vector<16xi1>
        %convert_element_type3A_1257 = arith.fptosi %div3A_1199 : vector<16xf32> to vector<16xi32>
        %convert_element_type3A_1258 = arith.fptosi %div3A_1214 : vector<16xf32> to vector<16xi32>
        %mul3A_1259 = arith.constant 128 : i32
        %mul3A_1260 = vector.broadcast %mul3A_1259 : i32 to vector<16xi32>
        %mul3A_1261 = arith.muli %convert_element_type3A_1257, %mul3A_1260 : vector<16xi32>
        %add3A_1262 = arith.addi %mul3A_1261, %convert_element_type3A_1258 : vector<16xi32>
        %sub3A_1263 = vector.broadcast %mul3A_0 : i32 to vector<16xi32>
        %sub3A_1264 = arith.subi %add3A_1262, %sub3A_1263 : vector<16xi32>
        %ge3A_1265 = arith.constant 0 : i32
        %ge3A_1266 = vector.broadcast %ge3A_1265 : i32 to vector<16xi32>
        %ge3A_1267 = arith.cmpi sge, %sub3A_1264, %ge3A_1266 : vector<16xi32>
        %and3A_1268 = arith.andi %and3A_1256, %ge3A_1267 : vector<16xi1>
        %lt3A_1269 = arith.constant 8192 : i32
        %lt3A_1270 = vector.broadcast %lt3A_1269 : i32 to vector<16xi32>
        %lt3A_1271 = arith.cmpi slt, %sub3A_1264, %lt3A_1270 : vector<16xi32>
        %and3A_1272 = arith.andi %and3A_1268, %lt3A_1271 : vector<16xi1>
        %add3A_1273 = arith.constant 8192 : i32
        %add3A_1274 = arith.addi %add3A_1273, %arg1 : i32
        %broadcast_in_dim3A_1275 = vector.broadcast %add3A_1274 : i32 to vector<16xi32>
        %select_n3A_1276 = arith.select %and3A_1272, %sub3A_1264, %broadcast_in_dim3A_1275 : vector<16xi1>, vector<16xi32>
        %swap3A_1277 = arith.constant 112 : index
        %swap3A_1278 = tpu.vector_load %arg7[%swap3A_1277] {strides = array<i32>} : memref<128xi32, #tpu.memory_space<vmem>>, vector<16xi32>,
        %swap3A_1279 = vector.shape_cast %swap3A_1278 : vector<16xi32> to vector<16xi32>
        %swap3A_1280 = vector.shape_cast %select_n3A_1276 : vector<16xi32> to vector<16xi32>
        tpu.vector_store %arg7[%swap3A_1277], %swap3A_1280 {strides = array<i32>} : memref<128xi32, #tpu.memory_space<vmem>>, vector<16xi32>,
        %dma_wait3A = arith.constant 0 : i32
        %dma_wait3A_1281 = arith.constant 0 : i32
        %dma_wait3A_1282 = tpu.memref_slice %arg2[%add3A_323, %dma_wait3A, %dma_wait3A_1281] : memref<3894x128x128xf32, #tpu.memory_space<hbm>> -> memref<1x128x128xf32, #tpu.memory_space<hbm>>
        %dma_wait3A_1283 = tpu.memref_squeeze %dma_wait3A_1282 : memref<1x128x128xf32, #tpu.memory_space<hbm>> -> memref<128x128xf32, #tpu.memory_space<hbm>>
        %dma_wait3A_1284 = arith.constant 0 : i32
        %dma_wait3A_1285 = arith.constant 0 : i32
        %dma_wait3A_1286 = tpu.memref_slice %arg2[%add3A_323, %dma_wait3A_1284, %dma_wait3A_1285] : memref<3894x128x128xf32, #tpu.memory_space<hbm>> -> memref<1x128x128xf32, #tpu.memory_space<hbm>>
        %dma_wait3A_1287 = tpu.memref_squeeze %dma_wait3A_1286 : memref<1x128x128xf32, #tpu.memory_space<hbm>> -> memref<128x128xf32, #tpu.memory_space<hbm>>
        tpu.wait_dma2 semaphore(%arg11 : memref<!tpu.dma_semaphore, #tpu.memory_space<semaphore_mem>>) src(%dma_wait3A_1287 : memref<128x128xf32, #tpu.memory_space<hbm>>) dst(%arg9 : memref<128x128xf32, #tpu.memory_space<vmem>>)
        "tpu.region"() ({
          %run_scoped3A = tpu.sem_alloc : memref<!tpu.dma_semaphore, #tpu.memory_space<semaphore_mem>>
          %dma_start3A_1288 = arith.constant 0 : i32
          %dma_start3A_1289 = arith.constant 0 : i32
          %dma_start3A_1290 = tpu.memref_slice %arg13[%dma_start3A_1288, %dma_start3A_1289] : memref<8448x128xf32, #tpu.memory_space<vmem_shared>> -> memref<8448x128xf32, #tpu.memory_space<vmem_shared>>
          tpu.enqueue_indirect_dma source(%arg9 : memref<128x128xf32, #tpu.memory_space<vmem>>) target(%dma_start3A_1290 : memref<8448x128xf32, #tpu.memory_space<vmem_shared>>) offsets(%arg7 : memref<128xi32, #tpu.memory_space<vmem>>) semaphore(%run_scoped3A : memref<!tpu.dma_semaphore, #tpu.memory_space<semaphore_mem>>) {add = true}
          %dma_wait3A_1291 = arith.constant 0 : i32
          %dma_wait3A_1292 = arith.constant 0 : i32
          %dma_wait3A_1293 = tpu.memref_slice %arg13[%dma_wait3A_1291, %dma_wait3A_1292] : memref<8448x128xf32, #tpu.memory_space<vmem_shared>> -> memref<8448x128xf32, #tpu.memory_space<vmem_shared>>
          tpu.wait_indirect_dma semaphore(%run_scoped3A : memref<!tpu.dma_semaphore, #tpu.memory_space<semaphore_mem>>) src(%arg9 : memref<128x128xf32, #tpu.memory_space<vmem>>) dst(%dma_wait3A_1293 : memref<8448x128xf32, #tpu.memory_space<vmem_shared>>)
          tpu.yield
        }) : () -> ()
      } else {
      }
      %mul3A_339 = arith.constant 2 : i32
      %mul3A_340 = arith.muli %scan3A_316, %mul3A_339 : i32
      %add3A_341 = arith.constant 1 : i32
      %add3A_342 = arith.addi %mul3A_340, %add3A_341 : i32
      %mul3A_343 = arith.constant 16 : i32
      %mul3A_344 = arith.muli %add3A_342, %mul3A_343 : i32
      %add3A_345 = arith.addi %mul3A_344, %arg1 : i32
      %add3A_346 = arith.constant 1 : i32
      %add3A_347 = arith.addi %add3A_342, %add3A_346 : i32
      %mul3A_348 = arith.constant 16 : i32
      %mul3A_349 = arith.muli %add3A_347, %mul3A_348 : i32
      %add3A_350 = arith.addi %mul3A_349, %arg1 : i32
      %lt3A_351 = arith.constant 3894 : i32
      %lt3A_352 = arith.cmpi slt, %add3A_350, %lt3A_351 : i32
      %convert_element_type3A_353 = arith.extui %lt3A_352 : i1 to i32
      %cond3A_354 = arith.constant 0 : i32
      %cond3A_355 = arith.cmpi ne, %convert_element_type3A_353, %cond3A_354 : i32
      scf.if %cond3A_355 {
        %dma_start3A_361 = arith.constant 0 : i32
        %dma_start3A_362 = arith.constant 0 : i32
        %dma_start3A_363 = tpu.memref_slice %arg2[%add3A_350, %dma_start3A_361, %dma_start3A_362] : memref<3894x128x128xf32, #tpu.memory_space<hbm>> -> memref<1x128x128xf32, #tpu.memory_space<hbm>>
        %dma_start3A_364 = tpu.memref_squeeze %dma_start3A_363 : memref<1x128x128xf32, #tpu.memory_space<hbm>> -> memref<128x128xf32, #tpu.memory_space<hbm>>
        %dma_start3A_365 = arith.constant 0 : i32
        %dma_start3A_366 = arith.constant 0 : i32
        %dma_start3A_367 = tpu.memref_slice %arg2[%add3A_350, %dma_start3A_365, %dma_start3A_366] : memref<3894x128x128xf32, #tpu.memory_space<hbm>> -> memref<1x128x128xf32, #tpu.memory_space<hbm>>
        %dma_start3A_368 = tpu.memref_squeeze %dma_start3A_367 : memref<1x128x128xf32, #tpu.memory_space<hbm>> -> memref<128x128xf32, #tpu.memory_space<hbm>>
        tpu.enqueue_dma source(%dma_start3A_368 : memref<128x128xf32, #tpu.memory_space<hbm>>) target(%arg9 : memref<128x128xf32, #tpu.memory_space<vmem>>) target_semaphore(%arg11 : memref<!tpu.dma_semaphore, #tpu.memory_space<semaphore_mem>>)
      } else {
      }
      %lt3A_356 = arith.constant 3894 : i32
      %lt3A_357 = arith.cmpi slt, %add3A_345, %lt3A_356 : i32
      %convert_element_type3A_358 = arith.extui %lt3A_357 : i1 to i32
      %cond3A_359 = arith.constant 0 : i32
      %cond3A_360 = arith.cmpi ne, %convert_element_type3A_358, %cond3A_359 : i32
      scf.if %cond3A_360 {
        "tpu.region"() ({
          %run_scoped3A = tpu.sem_alloc : memref<!tpu.dma_semaphore, #tpu.memory_space<semaphore_mem>>
          %dma_start3A_1288 = arith.constant 0 : i32
          %dma_start3A_1289 = arith.constant 0 : i32
          %dma_start3A_1290 = tpu.memref_slice %arg3[%add3A_345, %dma_start3A_1288, %dma_start3A_1289] : memref<3894x4x128xf32, #tpu.memory_space<hbm>> -> memref<1x4x128xf32, #tpu.memory_space<hbm>>
          %dma_start3A_1291 = tpu.memref_squeeze %dma_start3A_1290 : memref<1x4x128xf32, #tpu.memory_space<hbm>> -> memref<4x128xf32, #tpu.memory_space<hbm>>
          %dma_start3A_1292 = arith.constant 0 : i32
          %dma_start3A_1293 = arith.constant 0 : i32
          %dma_start3A_1294 = tpu.memref_slice %arg3[%add3A_345, %dma_start3A_1292, %dma_start3A_1293] : memref<3894x4x128xf32, #tpu.memory_space<hbm>> -> memref<1x4x128xf32, #tpu.memory_space<hbm>>
          %dma_start3A_1295 = tpu.memref_squeeze %dma_start3A_1294 : memref<1x4x128xf32, #tpu.memory_space<hbm>> -> memref<4x128xf32, #tpu.memory_space<hbm>>
          tpu.enqueue_dma source(%dma_start3A_1295 : memref<4x128xf32, #tpu.memory_space<hbm>>) target(%arg6 : memref<4x128xf32, #tpu.memory_space<vmem>>) target_semaphore(%run_scoped3A : memref<!tpu.dma_semaphore, #tpu.memory_space<semaphore_mem>>)
          %dma_wait3A_1296 = arith.constant 0 : i32
          %dma_wait3A_1297 = arith.constant 0 : i32
          %dma_wait3A_1298 = tpu.memref_slice %arg3[%add3A_345, %dma_wait3A_1296, %dma_wait3A_1297] : memref<3894x4x128xf32, #tpu.memory_space<hbm>> -> memref<1x4x128xf32, #tpu.memory_space<hbm>>
          %dma_wait3A_1299 = tpu.memref_squeeze %dma_wait3A_1298 : memref<1x4x128xf32, #tpu.memory_space<hbm>> -> memref<4x128xf32, #tpu.memory_space<hbm>>
          %dma_wait3A_1300 = arith.constant 0 : i32
          %dma_wait3A_1301 = arith.constant 0 : i32
          %dma_wait3A_1302 = tpu.memref_slice %arg3[%add3A_345, %dma_wait3A_1300, %dma_wait3A_1301] : memref<3894x4x128xf32, #tpu.memory_space<hbm>> -> memref<1x4x128xf32, #tpu.memory_space<hbm>>
          %dma_wait3A_1303 = tpu.memref_squeeze %dma_wait3A_1302 : memref<1x4x128xf32, #tpu.memory_space<hbm>> -> memref<4x128xf32, #tpu.memory_space<hbm>>
          tpu.wait_dma2 semaphore(%run_scoped3A : memref<!tpu.dma_semaphore, #tpu.memory_space<semaphore_mem>>) src(%dma_wait3A_1303 : memref<4x128xf32, #tpu.memory_space<hbm>>) dst(%arg6 : memref<4x128xf32, #tpu.memory_space<vmem>>)
          tpu.yield
        }) : () -> ()
        %get3A = arith.constant 0 : i32
        %get3A_361 = arith.index_cast %get3A : i32 to index
        %get3A_362 = arith.constant 0 : index
        %get3A_363 = tpu.vector_load %arg6[%get3A_361, %get3A_362] {strides = array<i32>} : memref<4x128xf32, #tpu.memory_space<vmem>>, vector<1x16xf32>,
        %get3A_364 = vector.shape_cast %get3A_363 : vector<1x16xf32> to vector<16xf32>
        %get3A_365 = arith.constant 1 : i32
        %get3A_366 = arith.index_cast %get3A_365 : i32 to index
        %get3A_367 = arith.constant 0 : index
        %get3A_368 = tpu.vector_load %arg6[%get3A_366, %get3A_367] {strides = array<i32>} : memref<4x128xf32, #tpu.memory_space<vmem>>, vector<1x16xf32>,
        %get3A_369 = vector.shape_cast %get3A_368 : vector<1x16xf32> to vector<16xf32>
        %get3A_370 = arith.constant 2 : i32
        %get3A_371 = arith.index_cast %get3A_370 : i32 to index
        %get3A_372 = arith.constant 0 : index
        %get3A_373 = tpu.vector_load %arg6[%get3A_371, %get3A_372] {strides = array<i32>} : memref<4x128xf32, #tpu.memory_space<vmem>>, vector<1x16xf32>,
        %get3A_374 = vector.shape_cast %get3A_373 : vector<1x16xf32> to vector<16xf32>
        %get3A_375 = arith.constant 3 : i32
        %get3A_376 = arith.index_cast %get3A_375 : i32 to index
        %get3A_377 = arith.constant 0 : index
        %get3A_378 = tpu.vector_load %arg6[%get3A_376, %get3A_377] {strides = array<i32>} : memref<4x128xf32, #tpu.memory_space<vmem>>, vector<1x16xf32>,
        %get3A_379 = vector.shape_cast %get3A_378 : vector<1x16xf32> to vector<16xf32>
        %mul3A_380 = arith.constant 1.024000e+02 : f32
        %mul3A_381 = vector.broadcast %mul3A_380 : f32 to vector<16xf32>
        %mul3A_382 = arith.mulf %get3A_364, %mul3A_381 : vector<16xf32>
        %mul3A_383 = arith.constant 1.100000e+00 : f32
        %mul3A_384 = vector.broadcast %mul3A_383 : f32 to vector<16xf32>
        %mul3A_385 = arith.mulf %mul3A_382, %mul3A_384 : vector<16xf32>
        %add3A_386 = arith.constant -5.632000e+01 : f32
        %add3A_387 = vector.broadcast %add3A_386 : f32 to vector<16xf32>
        %add3A_388 = arith.addf %mul3A_385, %add3A_387 : vector<16xf32>
        %sub3A = arith.constant -5.120000e+01 : f32
        %sub3A_389 = vector.broadcast %sub3A : f32 to vector<16xf32>
        %sub3A_390 = arith.subf %add3A_388, %sub3A_389 : vector<16xf32>
        %div3A = arith.constant 8.000000e-01 : f32
        %div3A_391 = vector.broadcast %div3A : f32 to vector<16xf32>
        %div3A_392 = arith.divf %sub3A_390, %div3A_391 : vector<16xf32>
        %mul3A_393 = arith.constant 1.024000e+02 : f32
        %mul3A_394 = vector.broadcast %mul3A_393 : f32 to vector<16xf32>
        %mul3A_395 = arith.mulf %get3A_369, %mul3A_394 : vector<16xf32>
        %mul3A_396 = arith.constant 1.100000e+00 : f32
        %mul3A_397 = vector.broadcast %mul3A_396 : f32 to vector<16xf32>
        %mul3A_398 = arith.mulf %mul3A_395, %mul3A_397 : vector<16xf32>
        %add3A_399 = arith.constant -5.632000e+01 : f32
        %add3A_400 = vector.broadcast %add3A_399 : f32 to vector<16xf32>
        %add3A_401 = arith.addf %mul3A_398, %add3A_400 : vector<16xf32>
        %sub3A_402 = arith.constant -5.120000e+01 : f32
        %sub3A_403 = vector.broadcast %sub3A_402 : f32 to vector<16xf32>
        %sub3A_404 = arith.subf %add3A_401, %sub3A_403 : vector<16xf32>
        %div3A_405 = arith.constant 8.000000e-01 : f32
        %div3A_406 = vector.broadcast %div3A_405 : f32 to vector<16xf32>
        %div3A_407 = arith.divf %sub3A_404, %div3A_406 : vector<16xf32>
        %mul3A_408 = arith.constant 2.000000e+01 : f32
        %mul3A_409 = vector.broadcast %mul3A_408 : f32 to vector<16xf32>
        %mul3A_410 = arith.mulf %get3A_374, %mul3A_409 : vector<16xf32>
        %mul3A_411 = arith.constant 1.100000e+00 : f32
        %mul3A_412 = vector.broadcast %mul3A_411 : f32 to vector<16xf32>
        %mul3A_413 = arith.mulf %mul3A_410, %mul3A_412 : vector<16xf32>
        %add3A_414 = arith.constant -1.100000e+01 : f32
        %add3A_415 = vector.broadcast %add3A_414 : f32 to vector<16xf32>
        %add3A_416 = arith.addf %mul3A_413, %add3A_415 : vector<16xf32>
        %sub3A_417 = arith.constant -1.000000e+01 : f32
        %sub3A_418 = vector.broadcast %sub3A_417 : f32 to vector<16xf32>
        %sub3A_419 = arith.subf %add3A_416, %sub3A_418 : vector<16xf32>
        %div3A_420 = arith.constant 2.000000e+01 : f32
        %div3A_421 = vector.broadcast %div3A_420 : f32 to vector<16xf32>
        %div3A_422 = arith.divf %sub3A_419, %div3A_421 : vector<16xf32>
        %ge3A = arith.constant 0.000000e+00 : f32
        %ge3A_423 = vector.broadcast %ge3A : f32 to vector<16xf32>
        %ge3A_424 = arith.cmpf oge, %div3A_392, %ge3A_423 : vector<16xf32>
        %lt3A_425 = arith.constant 1.280000e+02 : f32
        %lt3A_426 = vector.broadcast %lt3A_425 : f32 to vector<16xf32>
        %lt3A_427 = arith.cmpf olt, %div3A_392, %lt3A_426 : vector<16xf32>
        %and3A = arith.andi %ge3A_424, %lt3A_427 : vector<16xi1>
        %ge3A_428 = arith.constant 0.000000e+00 : f32
        %ge3A_429 = vector.broadcast %ge3A_428 : f32 to vector<16xf32>
        %ge3A_430 = arith.cmpf oge, %div3A_407, %ge3A_429 : vector<16xf32>
        %and3A_431 = arith.andi %and3A, %ge3A_430 : vector<16xi1>
        %lt3A_432 = arith.constant 1.280000e+02 : f32
        %lt3A_433 = vector.broadcast %lt3A_432 : f32 to vector<16xf32>
        %lt3A_434 = arith.cmpf olt, %div3A_407, %lt3A_433 : vector<16xf32>
        %and3A_435 = arith.andi %and3A_431, %lt3A_434 : vector<16xi1>
        %ge3A_436 = arith.constant 0.000000e+00 : f32
        %ge3A_437 = vector.broadcast %ge3A_436 : f32 to vector<16xf32>
        %ge3A_438 = arith.cmpf oge, %div3A_422, %ge3A_437 : vector<16xf32>
        %and3A_439 = arith.andi %and3A_435, %ge3A_438 : vector<16xi1>
        %lt3A_440 = arith.constant 1.000000e+00 : f32
        %lt3A_441 = vector.broadcast %lt3A_440 : f32 to vector<16xf32>
        %lt3A_442 = arith.cmpf olt, %div3A_422, %lt3A_441 : vector<16xf32>
        %and3A_443 = arith.andi %and3A_439, %lt3A_442 : vector<16xi1>
        %gt3A = arith.constant 5.000000e-01 : f32
        %gt3A_444 = vector.broadcast %gt3A : f32 to vector<16xf32>
        %gt3A_445 = arith.cmpf ogt, %get3A_379, %gt3A_444 : vector<16xf32>
        %and3A_446 = arith.andi %and3A_443, %gt3A_445 : vector<16xi1>
        %convert_element_type3A_447 = arith.fptosi %div3A_392 : vector<16xf32> to vector<16xi32>
        %convert_element_type3A_448 = arith.fptosi %div3A_407 : vector<16xf32> to vector<16xi32>
        %mul3A_449 = arith.constant 128 : i32
        %mul3A_450 = vector.broadcast %mul3A_449 : i32 to vector<16xi32>
        %mul3A_451 = arith.muli %convert_element_type3A_447, %mul3A_450 : vector<16xi32>
        %add3A_452 = arith.addi %mul3A_451, %convert_element_type3A_448 : vector<16xi32>
        %sub3A_453 = vector.broadcast %mul3A_0 : i32 to vector<16xi32>
        %sub3A_454 = arith.subi %add3A_452, %sub3A_453 : vector<16xi32>
        %ge3A_455 = arith.constant 0 : i32
        %ge3A_456 = vector.broadcast %ge3A_455 : i32 to vector<16xi32>
        %ge3A_457 = arith.cmpi sge, %sub3A_454, %ge3A_456 : vector<16xi32>
        %and3A_458 = arith.andi %and3A_446, %ge3A_457 : vector<16xi1>
        %lt3A_459 = arith.constant 8192 : i32
        %lt3A_460 = vector.broadcast %lt3A_459 : i32 to vector<16xi32>
        %lt3A_461 = arith.cmpi slt, %sub3A_454, %lt3A_460 : vector<16xi32>
        %and3A_462 = arith.andi %and3A_458, %lt3A_461 : vector<16xi1>
        %add3A_463 = arith.constant 8192 : i32
        %add3A_464 = arith.addi %add3A_463, %arg1 : i32
        %broadcast_in_dim3A = vector.broadcast %add3A_464 : i32 to vector<16xi32>
        %select_n3A = arith.select %and3A_462, %sub3A_454, %broadcast_in_dim3A : vector<16xi1>, vector<16xi32>
        %swap3A_465 = arith.constant 0 : index
        %swap3A_466 = tpu.vector_load %arg7[%swap3A_465] {strides = array<i32>} : memref<128xi32, #tpu.memory_space<vmem>>, vector<16xi32>,
        %swap3A_467 = vector.shape_cast %swap3A_466 : vector<16xi32> to vector<16xi32>
        %swap3A_468 = vector.shape_cast %select_n3A : vector<16xi32> to vector<16xi32>
        tpu.vector_store %arg7[%swap3A_465], %swap3A_468 {strides = array<i32>} : memref<128xi32, #tpu.memory_space<vmem>>, vector<16xi32>,
        %get3A_469 = arith.constant 0 : i32
        %get3A_470 = arith.index_cast %get3A_469 : i32 to index
        %get3A_471 = arith.constant 16 : index
        %get3A_472 = tpu.vector_load %arg6[%get3A_470, %get3A_471] {strides = array<i32>} : memref<4x128xf32, #tpu.memory_space<vmem>>, vector<1x16xf32>,
        %get3A_473 = vector.shape_cast %get3A_472 : vector<1x16xf32> to vector<16xf32>
        %get3A_474 = arith.constant 1 : i32
        %get3A_475 = arith.index_cast %get3A_474 : i32 to index
        %get3A_476 = arith.constant 16 : index
        %get3A_477 = tpu.vector_load %arg6[%get3A_475, %get3A_476] {strides = array<i32>} : memref<4x128xf32, #tpu.memory_space<vmem>>, vector<1x16xf32>,
        %get3A_478 = vector.shape_cast %get3A_477 : vector<1x16xf32> to vector<16xf32>
        %get3A_479 = arith.constant 2 : i32
        %get3A_480 = arith.index_cast %get3A_479 : i32 to index
        %get3A_481 = arith.constant 16 : index
        %get3A_482 = tpu.vector_load %arg6[%get3A_480, %get3A_481] {strides = array<i32>} : memref<4x128xf32, #tpu.memory_space<vmem>>, vector<1x16xf32>,
        %get3A_483 = vector.shape_cast %get3A_482 : vector<1x16xf32> to vector<16xf32>
        %get3A_484 = arith.constant 3 : i32
        %get3A_485 = arith.index_cast %get3A_484 : i32 to index
        %get3A_486 = arith.constant 16 : index
        %get3A_487 = tpu.vector_load %arg6[%get3A_485, %get3A_486] {strides = array<i32>} : memref<4x128xf32, #tpu.memory_space<vmem>>, vector<1x16xf32>,
        %get3A_488 = vector.shape_cast %get3A_487 : vector<1x16xf32> to vector<16xf32>
        %mul3A_489 = arith.constant 1.024000e+02 : f32
        %mul3A_490 = vector.broadcast %mul3A_489 : f32 to vector<16xf32>
        %mul3A_491 = arith.mulf %get3A_473, %mul3A_490 : vector<16xf32>
        %mul3A_492 = arith.constant 1.100000e+00 : f32
        %mul3A_493 = vector.broadcast %mul3A_492 : f32 to vector<16xf32>
        %mul3A_494 = arith.mulf %mul3A_491, %mul3A_493 : vector<16xf32>
        %add3A_495 = arith.constant -5.632000e+01 : f32
        %add3A_496 = vector.broadcast %add3A_495 : f32 to vector<16xf32>
        %add3A_497 = arith.addf %mul3A_494, %add3A_496 : vector<16xf32>
        %sub3A_498 = arith.constant -5.120000e+01 : f32
        %sub3A_499 = vector.broadcast %sub3A_498 : f32 to vector<16xf32>
        %sub3A_500 = arith.subf %add3A_497, %sub3A_499 : vector<16xf32>
        %div3A_501 = arith.constant 8.000000e-01 : f32
        %div3A_502 = vector.broadcast %div3A_501 : f32 to vector<16xf32>
        %div3A_503 = arith.divf %sub3A_500, %div3A_502 : vector<16xf32>
        %mul3A_504 = arith.constant 1.024000e+02 : f32
        %mul3A_505 = vector.broadcast %mul3A_504 : f32 to vector<16xf32>
        %mul3A_506 = arith.mulf %get3A_478, %mul3A_505 : vector<16xf32>
        %mul3A_507 = arith.constant 1.100000e+00 : f32
        %mul3A_508 = vector.broadcast %mul3A_507 : f32 to vector<16xf32>
        %mul3A_509 = arith.mulf %mul3A_506, %mul3A_508 : vector<16xf32>
        %add3A_510 = arith.constant -5.632000e+01 : f32
        %add3A_511 = vector.broadcast %add3A_510 : f32 to vector<16xf32>
        %add3A_512 = arith.addf %mul3A_509, %add3A_511 : vector<16xf32>
        %sub3A_513 = arith.constant -5.120000e+01 : f32
        %sub3A_514 = vector.broadcast %sub3A_513 : f32 to vector<16xf32>
        %sub3A_515 = arith.subf %add3A_512, %sub3A_514 : vector<16xf32>
        %div3A_516 = arith.constant 8.000000e-01 : f32
        %div3A_517 = vector.broadcast %div3A_516 : f32 to vector<16xf32>
        %div3A_518 = arith.divf %sub3A_515, %div3A_517 : vector<16xf32>
        %mul3A_519 = arith.constant 2.000000e+01 : f32
        %mul3A_520 = vector.broadcast %mul3A_519 : f32 to vector<16xf32>
        %mul3A_521 = arith.mulf %get3A_483, %mul3A_520 : vector<16xf32>
        %mul3A_522 = arith.constant 1.100000e+00 : f32
        %mul3A_523 = vector.broadcast %mul3A_522 : f32 to vector<16xf32>
        %mul3A_524 = arith.mulf %mul3A_521, %mul3A_523 : vector<16xf32>
        %add3A_525 = arith.constant -1.100000e+01 : f32
        %add3A_526 = vector.broadcast %add3A_525 : f32 to vector<16xf32>
        %add3A_527 = arith.addf %mul3A_524, %add3A_526 : vector<16xf32>
        %sub3A_528 = arith.constant -1.000000e+01 : f32
        %sub3A_529 = vector.broadcast %sub3A_528 : f32 to vector<16xf32>
        %sub3A_530 = arith.subf %add3A_527, %sub3A_529 : vector<16xf32>
        %div3A_531 = arith.constant 2.000000e+01 : f32
        %div3A_532 = vector.broadcast %div3A_531 : f32 to vector<16xf32>
        %div3A_533 = arith.divf %sub3A_530, %div3A_532 : vector<16xf32>
        %ge3A_534 = arith.constant 0.000000e+00 : f32
        %ge3A_535 = vector.broadcast %ge3A_534 : f32 to vector<16xf32>
        %ge3A_536 = arith.cmpf oge, %div3A_503, %ge3A_535 : vector<16xf32>
        %lt3A_537 = arith.constant 1.280000e+02 : f32
        %lt3A_538 = vector.broadcast %lt3A_537 : f32 to vector<16xf32>
        %lt3A_539 = arith.cmpf olt, %div3A_503, %lt3A_538 : vector<16xf32>
        %and3A_540 = arith.andi %ge3A_536, %lt3A_539 : vector<16xi1>
        %ge3A_541 = arith.constant 0.000000e+00 : f32
        %ge3A_542 = vector.broadcast %ge3A_541 : f32 to vector<16xf32>
        %ge3A_543 = arith.cmpf oge, %div3A_518, %ge3A_542 : vector<16xf32>
        %and3A_544 = arith.andi %and3A_540, %ge3A_543 : vector<16xi1>
        %lt3A_545 = arith.constant 1.280000e+02 : f32
        %lt3A_546 = vector.broadcast %lt3A_545 : f32 to vector<16xf32>
        %lt3A_547 = arith.cmpf olt, %div3A_518, %lt3A_546 : vector<16xf32>
        %and3A_548 = arith.andi %and3A_544, %lt3A_547 : vector<16xi1>
        %ge3A_549 = arith.constant 0.000000e+00 : f32
        %ge3A_550 = vector.broadcast %ge3A_549 : f32 to vector<16xf32>
        %ge3A_551 = arith.cmpf oge, %div3A_533, %ge3A_550 : vector<16xf32>
        %and3A_552 = arith.andi %and3A_548, %ge3A_551 : vector<16xi1>
        %lt3A_553 = arith.constant 1.000000e+00 : f32
        %lt3A_554 = vector.broadcast %lt3A_553 : f32 to vector<16xf32>
        %lt3A_555 = arith.cmpf olt, %div3A_533, %lt3A_554 : vector<16xf32>
        %and3A_556 = arith.andi %and3A_552, %lt3A_555 : vector<16xi1>
        %gt3A_557 = arith.constant 5.000000e-01 : f32
        %gt3A_558 = vector.broadcast %gt3A_557 : f32 to vector<16xf32>
        %gt3A_559 = arith.cmpf ogt, %get3A_488, %gt3A_558 : vector<16xf32>
        %and3A_560 = arith.andi %and3A_556, %gt3A_559 : vector<16xi1>
        %convert_element_type3A_561 = arith.fptosi %div3A_503 : vector<16xf32> to vector<16xi32>
        %convert_element_type3A_562 = arith.fptosi %div3A_518 : vector<16xf32> to vector<16xi32>
        %mul3A_563 = arith.constant 128 : i32
        %mul3A_564 = vector.broadcast %mul3A_563 : i32 to vector<16xi32>
        %mul3A_565 = arith.muli %convert_element_type3A_561, %mul3A_564 : vector<16xi32>
        %add3A_566 = arith.addi %mul3A_565, %convert_element_type3A_562 : vector<16xi32>
        %sub3A_567 = vector.broadcast %mul3A_0 : i32 to vector<16xi32>
        %sub3A_568 = arith.subi %add3A_566, %sub3A_567 : vector<16xi32>
        %ge3A_569 = arith.constant 0 : i32
        %ge3A_570 = vector.broadcast %ge3A_569 : i32 to vector<16xi32>
        %ge3A_571 = arith.cmpi sge, %sub3A_568, %ge3A_570 : vector<16xi32>
        %and3A_572 = arith.andi %and3A_560, %ge3A_571 : vector<16xi1>
        %lt3A_573 = arith.constant 8192 : i32
        %lt3A_574 = vector.broadcast %lt3A_573 : i32 to vector<16xi32>
        %lt3A_575 = arith.cmpi slt, %sub3A_568, %lt3A_574 : vector<16xi32>
        %and3A_576 = arith.andi %and3A_572, %lt3A_575 : vector<16xi1>
        %add3A_577 = arith.constant 8192 : i32
        %add3A_578 = arith.addi %add3A_577, %arg1 : i32
        %broadcast_in_dim3A_579 = vector.broadcast %add3A_578 : i32 to vector<16xi32>
        %select_n3A_580 = arith.select %and3A_576, %sub3A_568, %broadcast_in_dim3A_579 : vector<16xi1>, vector<16xi32>
        %swap3A_581 = arith.constant 16 : index
        %swap3A_582 = tpu.vector_load %arg7[%swap3A_581] {strides = array<i32>} : memref<128xi32, #tpu.memory_space<vmem>>, vector<16xi32>,
        %swap3A_583 = vector.shape_cast %swap3A_582 : vector<16xi32> to vector<16xi32>
        %swap3A_584 = vector.shape_cast %select_n3A_580 : vector<16xi32> to vector<16xi32>
        tpu.vector_store %arg7[%swap3A_581], %swap3A_584 {strides = array<i32>} : memref<128xi32, #tpu.memory_space<vmem>>, vector<16xi32>,
        %get3A_585 = arith.constant 0 : i32
        %get3A_586 = arith.index_cast %get3A_585 : i32 to index
        %get3A_587 = arith.constant 32 : index
        %get3A_588 = tpu.vector_load %arg6[%get3A_586, %get3A_587] {strides = array<i32>} : memref<4x128xf32, #tpu.memory_space<vmem>>, vector<1x16xf32>,
        %get3A_589 = vector.shape_cast %get3A_588 : vector<1x16xf32> to vector<16xf32>
        %get3A_590 = arith.constant 1 : i32
        %get3A_591 = arith.index_cast %get3A_590 : i32 to index
        %get3A_592 = arith.constant 32 : index
        %get3A_593 = tpu.vector_load %arg6[%get3A_591, %get3A_592] {strides = array<i32>} : memref<4x128xf32, #tpu.memory_space<vmem>>, vector<1x16xf32>,
        %get3A_594 = vector.shape_cast %get3A_593 : vector<1x16xf32> to vector<16xf32>
        %get3A_595 = arith.constant 2 : i32
        %get3A_596 = arith.index_cast %get3A_595 : i32 to index
        %get3A_597 = arith.constant 32 : index
        %get3A_598 = tpu.vector_load %arg6[%get3A_596, %get3A_597] {strides = array<i32>} : memref<4x128xf32, #tpu.memory_space<vmem>>, vector<1x16xf32>,
        %get3A_599 = vector.shape_cast %get3A_598 : vector<1x16xf32> to vector<16xf32>
        %get3A_600 = arith.constant 3 : i32
        %get3A_601 = arith.index_cast %get3A_600 : i32 to index
        %get3A_602 = arith.constant 32 : index
        %get3A_603 = tpu.vector_load %arg6[%get3A_601, %get3A_602] {strides = array<i32>} : memref<4x128xf32, #tpu.memory_space<vmem>>, vector<1x16xf32>,
        %get3A_604 = vector.shape_cast %get3A_603 : vector<1x16xf32> to vector<16xf32>
        %mul3A_605 = arith.constant 1.024000e+02 : f32
        %mul3A_606 = vector.broadcast %mul3A_605 : f32 to vector<16xf32>
        %mul3A_607 = arith.mulf %get3A_589, %mul3A_606 : vector<16xf32>
        %mul3A_608 = arith.constant 1.100000e+00 : f32
        %mul3A_609 = vector.broadcast %mul3A_608 : f32 to vector<16xf32>
        %mul3A_610 = arith.mulf %mul3A_607, %mul3A_609 : vector<16xf32>
        %add3A_611 = arith.constant -5.632000e+01 : f32
        %add3A_612 = vector.broadcast %add3A_611 : f32 to vector<16xf32>
        %add3A_613 = arith.addf %mul3A_610, %add3A_612 : vector<16xf32>
        %sub3A_614 = arith.constant -5.120000e+01 : f32
        %sub3A_615 = vector.broadcast %sub3A_614 : f32 to vector<16xf32>
        %sub3A_616 = arith.subf %add3A_613, %sub3A_615 : vector<16xf32>
        %div3A_617 = arith.constant 8.000000e-01 : f32
        %div3A_618 = vector.broadcast %div3A_617 : f32 to vector<16xf32>
        %div3A_619 = arith.divf %sub3A_616, %div3A_618 : vector<16xf32>
        %mul3A_620 = arith.constant 1.024000e+02 : f32
        %mul3A_621 = vector.broadcast %mul3A_620 : f32 to vector<16xf32>
        %mul3A_622 = arith.mulf %get3A_594, %mul3A_621 : vector<16xf32>
        %mul3A_623 = arith.constant 1.100000e+00 : f32
        %mul3A_624 = vector.broadcast %mul3A_623 : f32 to vector<16xf32>
        %mul3A_625 = arith.mulf %mul3A_622, %mul3A_624 : vector<16xf32>
        %add3A_626 = arith.constant -5.632000e+01 : f32
        %add3A_627 = vector.broadcast %add3A_626 : f32 to vector<16xf32>
        %add3A_628 = arith.addf %mul3A_625, %add3A_627 : vector<16xf32>
        %sub3A_629 = arith.constant -5.120000e+01 : f32
        %sub3A_630 = vector.broadcast %sub3A_629 : f32 to vector<16xf32>
        %sub3A_631 = arith.subf %add3A_628, %sub3A_630 : vector<16xf32>
        %div3A_632 = arith.constant 8.000000e-01 : f32
        %div3A_633 = vector.broadcast %div3A_632 : f32 to vector<16xf32>
        %div3A_634 = arith.divf %sub3A_631, %div3A_633 : vector<16xf32>
        %mul3A_635 = arith.constant 2.000000e+01 : f32
        %mul3A_636 = vector.broadcast %mul3A_635 : f32 to vector<16xf32>
        %mul3A_637 = arith.mulf %get3A_599, %mul3A_636 : vector<16xf32>
        %mul3A_638 = arith.constant 1.100000e+00 : f32
        %mul3A_639 = vector.broadcast %mul3A_638 : f32 to vector<16xf32>
        %mul3A_640 = arith.mulf %mul3A_637, %mul3A_639 : vector<16xf32>
        %add3A_641 = arith.constant -1.100000e+01 : f32
        %add3A_642 = vector.broadcast %add3A_641 : f32 to vector<16xf32>
        %add3A_643 = arith.addf %mul3A_640, %add3A_642 : vector<16xf32>
        %sub3A_644 = arith.constant -1.000000e+01 : f32
        %sub3A_645 = vector.broadcast %sub3A_644 : f32 to vector<16xf32>
        %sub3A_646 = arith.subf %add3A_643, %sub3A_645 : vector<16xf32>
        %div3A_647 = arith.constant 2.000000e+01 : f32
        %div3A_648 = vector.broadcast %div3A_647 : f32 to vector<16xf32>
        %div3A_649 = arith.divf %sub3A_646, %div3A_648 : vector<16xf32>
        %ge3A_650 = arith.constant 0.000000e+00 : f32
        %ge3A_651 = vector.broadcast %ge3A_650 : f32 to vector<16xf32>
        %ge3A_652 = arith.cmpf oge, %div3A_619, %ge3A_651 : vector<16xf32>
        %lt3A_653 = arith.constant 1.280000e+02 : f32
        %lt3A_654 = vector.broadcast %lt3A_653 : f32 to vector<16xf32>
        %lt3A_655 = arith.cmpf olt, %div3A_619, %lt3A_654 : vector<16xf32>
        %and3A_656 = arith.andi %ge3A_652, %lt3A_655 : vector<16xi1>
        %ge3A_657 = arith.constant 0.000000e+00 : f32
        %ge3A_658 = vector.broadcast %ge3A_657 : f32 to vector<16xf32>
        %ge3A_659 = arith.cmpf oge, %div3A_634, %ge3A_658 : vector<16xf32>
        %and3A_660 = arith.andi %and3A_656, %ge3A_659 : vector<16xi1>
        %lt3A_661 = arith.constant 1.280000e+02 : f32
        %lt3A_662 = vector.broadcast %lt3A_661 : f32 to vector<16xf32>
        %lt3A_663 = arith.cmpf olt, %div3A_634, %lt3A_662 : vector<16xf32>
        %and3A_664 = arith.andi %and3A_660, %lt3A_663 : vector<16xi1>
        %ge3A_665 = arith.constant 0.000000e+00 : f32
        %ge3A_666 = vector.broadcast %ge3A_665 : f32 to vector<16xf32>
        %ge3A_667 = arith.cmpf oge, %div3A_649, %ge3A_666 : vector<16xf32>
        %and3A_668 = arith.andi %and3A_664, %ge3A_667 : vector<16xi1>
        %lt3A_669 = arith.constant 1.000000e+00 : f32
        %lt3A_670 = vector.broadcast %lt3A_669 : f32 to vector<16xf32>
        %lt3A_671 = arith.cmpf olt, %div3A_649, %lt3A_670 : vector<16xf32>
        %and3A_672 = arith.andi %and3A_668, %lt3A_671 : vector<16xi1>
        %gt3A_673 = arith.constant 5.000000e-01 : f32
        %gt3A_674 = vector.broadcast %gt3A_673 : f32 to vector<16xf32>
        %gt3A_675 = arith.cmpf ogt, %get3A_604, %gt3A_674 : vector<16xf32>
        %and3A_676 = arith.andi %and3A_672, %gt3A_675 : vector<16xi1>
        %convert_element_type3A_677 = arith.fptosi %div3A_619 : vector<16xf32> to vector<16xi32>
        %convert_element_type3A_678 = arith.fptosi %div3A_634 : vector<16xf32> to vector<16xi32>
        %mul3A_679 = arith.constant 128 : i32
        %mul3A_680 = vector.broadcast %mul3A_679 : i32 to vector<16xi32>
        %mul3A_681 = arith.muli %convert_element_type3A_677, %mul3A_680 : vector<16xi32>
        %add3A_682 = arith.addi %mul3A_681, %convert_element_type3A_678 : vector<16xi32>
        %sub3A_683 = vector.broadcast %mul3A_0 : i32 to vector<16xi32>
        %sub3A_684 = arith.subi %add3A_682, %sub3A_683 : vector<16xi32>
        %ge3A_685 = arith.constant 0 : i32
        %ge3A_686 = vector.broadcast %ge3A_685 : i32 to vector<16xi32>
        %ge3A_687 = arith.cmpi sge, %sub3A_684, %ge3A_686 : vector<16xi32>
        %and3A_688 = arith.andi %and3A_676, %ge3A_687 : vector<16xi1>
        %lt3A_689 = arith.constant 8192 : i32
        %lt3A_690 = vector.broadcast %lt3A_689 : i32 to vector<16xi32>
        %lt3A_691 = arith.cmpi slt, %sub3A_684, %lt3A_690 : vector<16xi32>
        %and3A_692 = arith.andi %and3A_688, %lt3A_691 : vector<16xi1>
        %add3A_693 = arith.constant 8192 : i32
        %add3A_694 = arith.addi %add3A_693, %arg1 : i32
        %broadcast_in_dim3A_695 = vector.broadcast %add3A_694 : i32 to vector<16xi32>
        %select_n3A_696 = arith.select %and3A_692, %sub3A_684, %broadcast_in_dim3A_695 : vector<16xi1>, vector<16xi32>
        %swap3A_697 = arith.constant 32 : index
        %swap3A_698 = tpu.vector_load %arg7[%swap3A_697] {strides = array<i32>} : memref<128xi32, #tpu.memory_space<vmem>>, vector<16xi32>,
        %swap3A_699 = vector.shape_cast %swap3A_698 : vector<16xi32> to vector<16xi32>
        %swap3A_700 = vector.shape_cast %select_n3A_696 : vector<16xi32> to vector<16xi32>
        tpu.vector_store %arg7[%swap3A_697], %swap3A_700 {strides = array<i32>} : memref<128xi32, #tpu.memory_space<vmem>>, vector<16xi32>,
        %get3A_701 = arith.constant 0 : i32
        %get3A_702 = arith.index_cast %get3A_701 : i32 to index
        %get3A_703 = arith.constant 48 : index
        %get3A_704 = tpu.vector_load %arg6[%get3A_702, %get3A_703] {strides = array<i32>} : memref<4x128xf32, #tpu.memory_space<vmem>>, vector<1x16xf32>,
        %get3A_705 = vector.shape_cast %get3A_704 : vector<1x16xf32> to vector<16xf32>
        %get3A_706 = arith.constant 1 : i32
        %get3A_707 = arith.index_cast %get3A_706 : i32 to index
        %get3A_708 = arith.constant 48 : index
        %get3A_709 = tpu.vector_load %arg6[%get3A_707, %get3A_708] {strides = array<i32>} : memref<4x128xf32, #tpu.memory_space<vmem>>, vector<1x16xf32>,
        %get3A_710 = vector.shape_cast %get3A_709 : vector<1x16xf32> to vector<16xf32>
        %get3A_711 = arith.constant 2 : i32
        %get3A_712 = arith.index_cast %get3A_711 : i32 to index
        %get3A_713 = arith.constant 48 : index
        %get3A_714 = tpu.vector_load %arg6[%get3A_712, %get3A_713] {strides = array<i32>} : memref<4x128xf32, #tpu.memory_space<vmem>>, vector<1x16xf32>,
        %get3A_715 = vector.shape_cast %get3A_714 : vector<1x16xf32> to vector<16xf32>
        %get3A_716 = arith.constant 3 : i32
        %get3A_717 = arith.index_cast %get3A_716 : i32 to index
        %get3A_718 = arith.constant 48 : index
        %get3A_719 = tpu.vector_load %arg6[%get3A_717, %get3A_718] {strides = array<i32>} : memref<4x128xf32, #tpu.memory_space<vmem>>, vector<1x16xf32>,
        %get3A_720 = vector.shape_cast %get3A_719 : vector<1x16xf32> to vector<16xf32>
        %mul3A_721 = arith.constant 1.024000e+02 : f32
        %mul3A_722 = vector.broadcast %mul3A_721 : f32 to vector<16xf32>
        %mul3A_723 = arith.mulf %get3A_705, %mul3A_722 : vector<16xf32>
        %mul3A_724 = arith.constant 1.100000e+00 : f32
        %mul3A_725 = vector.broadcast %mul3A_724 : f32 to vector<16xf32>
        %mul3A_726 = arith.mulf %mul3A_723, %mul3A_725 : vector<16xf32>
        %add3A_727 = arith.constant -5.632000e+01 : f32
        %add3A_728 = vector.broadcast %add3A_727 : f32 to vector<16xf32>
        %add3A_729 = arith.addf %mul3A_726, %add3A_728 : vector<16xf32>
        %sub3A_730 = arith.constant -5.120000e+01 : f32
        %sub3A_731 = vector.broadcast %sub3A_730 : f32 to vector<16xf32>
        %sub3A_732 = arith.subf %add3A_729, %sub3A_731 : vector<16xf32>
        %div3A_733 = arith.constant 8.000000e-01 : f32
        %div3A_734 = vector.broadcast %div3A_733 : f32 to vector<16xf32>
        %div3A_735 = arith.divf %sub3A_732, %div3A_734 : vector<16xf32>
        %mul3A_736 = arith.constant 1.024000e+02 : f32
        %mul3A_737 = vector.broadcast %mul3A_736 : f32 to vector<16xf32>
        %mul3A_738 = arith.mulf %get3A_710, %mul3A_737 : vector<16xf32>
        %mul3A_739 = arith.constant 1.100000e+00 : f32
        %mul3A_740 = vector.broadcast %mul3A_739 : f32 to vector<16xf32>
        %mul3A_741 = arith.mulf %mul3A_738, %mul3A_740 : vector<16xf32>
        %add3A_742 = arith.constant -5.632000e+01 : f32
        %add3A_743 = vector.broadcast %add3A_742 : f32 to vector<16xf32>
        %add3A_744 = arith.addf %mul3A_741, %add3A_743 : vector<16xf32>
        %sub3A_745 = arith.constant -5.120000e+01 : f32
        %sub3A_746 = vector.broadcast %sub3A_745 : f32 to vector<16xf32>
        %sub3A_747 = arith.subf %add3A_744, %sub3A_746 : vector<16xf32>
        %div3A_748 = arith.constant 8.000000e-01 : f32
        %div3A_749 = vector.broadcast %div3A_748 : f32 to vector<16xf32>
        %div3A_750 = arith.divf %sub3A_747, %div3A_749 : vector<16xf32>
        %mul3A_751 = arith.constant 2.000000e+01 : f32
        %mul3A_752 = vector.broadcast %mul3A_751 : f32 to vector<16xf32>
        %mul3A_753 = arith.mulf %get3A_715, %mul3A_752 : vector<16xf32>
        %mul3A_754 = arith.constant 1.100000e+00 : f32
        %mul3A_755 = vector.broadcast %mul3A_754 : f32 to vector<16xf32>
        %mul3A_756 = arith.mulf %mul3A_753, %mul3A_755 : vector<16xf32>
        %add3A_757 = arith.constant -1.100000e+01 : f32
        %add3A_758 = vector.broadcast %add3A_757 : f32 to vector<16xf32>
        %add3A_759 = arith.addf %mul3A_756, %add3A_758 : vector<16xf32>
        %sub3A_760 = arith.constant -1.000000e+01 : f32
        %sub3A_761 = vector.broadcast %sub3A_760 : f32 to vector<16xf32>
        %sub3A_762 = arith.subf %add3A_759, %sub3A_761 : vector<16xf32>
        %div3A_763 = arith.constant 2.000000e+01 : f32
        %div3A_764 = vector.broadcast %div3A_763 : f32 to vector<16xf32>
        %div3A_765 = arith.divf %sub3A_762, %div3A_764 : vector<16xf32>
        %ge3A_766 = arith.constant 0.000000e+00 : f32
        %ge3A_767 = vector.broadcast %ge3A_766 : f32 to vector<16xf32>
        %ge3A_768 = arith.cmpf oge, %div3A_735, %ge3A_767 : vector<16xf32>
        %lt3A_769 = arith.constant 1.280000e+02 : f32
        %lt3A_770 = vector.broadcast %lt3A_769 : f32 to vector<16xf32>
        %lt3A_771 = arith.cmpf olt, %div3A_735, %lt3A_770 : vector<16xf32>
        %and3A_772 = arith.andi %ge3A_768, %lt3A_771 : vector<16xi1>
        %ge3A_773 = arith.constant 0.000000e+00 : f32
        %ge3A_774 = vector.broadcast %ge3A_773 : f32 to vector<16xf32>
        %ge3A_775 = arith.cmpf oge, %div3A_750, %ge3A_774 : vector<16xf32>
        %and3A_776 = arith.andi %and3A_772, %ge3A_775 : vector<16xi1>
        %lt3A_777 = arith.constant 1.280000e+02 : f32
        %lt3A_778 = vector.broadcast %lt3A_777 : f32 to vector<16xf32>
        %lt3A_779 = arith.cmpf olt, %div3A_750, %lt3A_778 : vector<16xf32>
        %and3A_780 = arith.andi %and3A_776, %lt3A_779 : vector<16xi1>
        %ge3A_781 = arith.constant 0.000000e+00 : f32
        %ge3A_782 = vector.broadcast %ge3A_781 : f32 to vector<16xf32>
        %ge3A_783 = arith.cmpf oge, %div3A_765, %ge3A_782 : vector<16xf32>
        %and3A_784 = arith.andi %and3A_780, %ge3A_783 : vector<16xi1>
        %lt3A_785 = arith.constant 1.000000e+00 : f32
        %lt3A_786 = vector.broadcast %lt3A_785 : f32 to vector<16xf32>
        %lt3A_787 = arith.cmpf olt, %div3A_765, %lt3A_786 : vector<16xf32>
        %and3A_788 = arith.andi %and3A_784, %lt3A_787 : vector<16xi1>
        %gt3A_789 = arith.constant 5.000000e-01 : f32
        %gt3A_790 = vector.broadcast %gt3A_789 : f32 to vector<16xf32>
        %gt3A_791 = arith.cmpf ogt, %get3A_720, %gt3A_790 : vector<16xf32>
        %and3A_792 = arith.andi %and3A_788, %gt3A_791 : vector<16xi1>
        %convert_element_type3A_793 = arith.fptosi %div3A_735 : vector<16xf32> to vector<16xi32>
        %convert_element_type3A_794 = arith.fptosi %div3A_750 : vector<16xf32> to vector<16xi32>
        %mul3A_795 = arith.constant 128 : i32
        %mul3A_796 = vector.broadcast %mul3A_795 : i32 to vector<16xi32>
        %mul3A_797 = arith.muli %convert_element_type3A_793, %mul3A_796 : vector<16xi32>
        %add3A_798 = arith.addi %mul3A_797, %convert_element_type3A_794 : vector<16xi32>
        %sub3A_799 = vector.broadcast %mul3A_0 : i32 to vector<16xi32>
        %sub3A_800 = arith.subi %add3A_798, %sub3A_799 : vector<16xi32>
        %ge3A_801 = arith.constant 0 : i32
        %ge3A_802 = vector.broadcast %ge3A_801 : i32 to vector<16xi32>
        %ge3A_803 = arith.cmpi sge, %sub3A_800, %ge3A_802 : vector<16xi32>
        %and3A_804 = arith.andi %and3A_792, %ge3A_803 : vector<16xi1>
        %lt3A_805 = arith.constant 8192 : i32
        %lt3A_806 = vector.broadcast %lt3A_805 : i32 to vector<16xi32>
        %lt3A_807 = arith.cmpi slt, %sub3A_800, %lt3A_806 : vector<16xi32>
        %and3A_808 = arith.andi %and3A_804, %lt3A_807 : vector<16xi1>
        %add3A_809 = arith.constant 8192 : i32
        %add3A_810 = arith.addi %add3A_809, %arg1 : i32
        %broadcast_in_dim3A_811 = vector.broadcast %add3A_810 : i32 to vector<16xi32>
        %select_n3A_812 = arith.select %and3A_808, %sub3A_800, %broadcast_in_dim3A_811 : vector<16xi1>, vector<16xi32>
        %swap3A_813 = arith.constant 48 : index
        %swap3A_814 = tpu.vector_load %arg7[%swap3A_813] {strides = array<i32>} : memref<128xi32, #tpu.memory_space<vmem>>, vector<16xi32>,
        %swap3A_815 = vector.shape_cast %swap3A_814 : vector<16xi32> to vector<16xi32>
        %swap3A_816 = vector.shape_cast %select_n3A_812 : vector<16xi32> to vector<16xi32>
        tpu.vector_store %arg7[%swap3A_813], %swap3A_816 {strides = array<i32>} : memref<128xi32, #tpu.memory_space<vmem>>, vector<16xi32>,
        %get3A_817 = arith.constant 0 : i32
        %get3A_818 = arith.index_cast %get3A_817 : i32 to index
        %get3A_819 = arith.constant 64 : index
        %get3A_820 = tpu.vector_load %arg6[%get3A_818, %get3A_819] {strides = array<i32>} : memref<4x128xf32, #tpu.memory_space<vmem>>, vector<1x16xf32>,
        %get3A_821 = vector.shape_cast %get3A_820 : vector<1x16xf32> to vector<16xf32>
        %get3A_822 = arith.constant 1 : i32
        %get3A_823 = arith.index_cast %get3A_822 : i32 to index
        %get3A_824 = arith.constant 64 : index
        %get3A_825 = tpu.vector_load %arg6[%get3A_823, %get3A_824] {strides = array<i32>} : memref<4x128xf32, #tpu.memory_space<vmem>>, vector<1x16xf32>,
        %get3A_826 = vector.shape_cast %get3A_825 : vector<1x16xf32> to vector<16xf32>
        %get3A_827 = arith.constant 2 : i32
        %get3A_828 = arith.index_cast %get3A_827 : i32 to index
        %get3A_829 = arith.constant 64 : index
        %get3A_830 = tpu.vector_load %arg6[%get3A_828, %get3A_829] {strides = array<i32>} : memref<4x128xf32, #tpu.memory_space<vmem>>, vector<1x16xf32>,
        %get3A_831 = vector.shape_cast %get3A_830 : vector<1x16xf32> to vector<16xf32>
        %get3A_832 = arith.constant 3 : i32
        %get3A_833 = arith.index_cast %get3A_832 : i32 to index
        %get3A_834 = arith.constant 64 : index
        %get3A_835 = tpu.vector_load %arg6[%get3A_833, %get3A_834] {strides = array<i32>} : memref<4x128xf32, #tpu.memory_space<vmem>>, vector<1x16xf32>,
        %get3A_836 = vector.shape_cast %get3A_835 : vector<1x16xf32> to vector<16xf32>
        %mul3A_837 = arith.constant 1.024000e+02 : f32
        %mul3A_838 = vector.broadcast %mul3A_837 : f32 to vector<16xf32>
        %mul3A_839 = arith.mulf %get3A_821, %mul3A_838 : vector<16xf32>
        %mul3A_840 = arith.constant 1.100000e+00 : f32
        %mul3A_841 = vector.broadcast %mul3A_840 : f32 to vector<16xf32>
        %mul3A_842 = arith.mulf %mul3A_839, %mul3A_841 : vector<16xf32>
        %add3A_843 = arith.constant -5.632000e+01 : f32
        %add3A_844 = vector.broadcast %add3A_843 : f32 to vector<16xf32>
        %add3A_845 = arith.addf %mul3A_842, %add3A_844 : vector<16xf32>
        %sub3A_846 = arith.constant -5.120000e+01 : f32
        %sub3A_847 = vector.broadcast %sub3A_846 : f32 to vector<16xf32>
        %sub3A_848 = arith.subf %add3A_845, %sub3A_847 : vector<16xf32>
        %div3A_849 = arith.constant 8.000000e-01 : f32
        %div3A_850 = vector.broadcast %div3A_849 : f32 to vector<16xf32>
        %div3A_851 = arith.divf %sub3A_848, %div3A_850 : vector<16xf32>
        %mul3A_852 = arith.constant 1.024000e+02 : f32
        %mul3A_853 = vector.broadcast %mul3A_852 : f32 to vector<16xf32>
        %mul3A_854 = arith.mulf %get3A_826, %mul3A_853 : vector<16xf32>
        %mul3A_855 = arith.constant 1.100000e+00 : f32
        %mul3A_856 = vector.broadcast %mul3A_855 : f32 to vector<16xf32>
        %mul3A_857 = arith.mulf %mul3A_854, %mul3A_856 : vector<16xf32>
        %add3A_858 = arith.constant -5.632000e+01 : f32
        %add3A_859 = vector.broadcast %add3A_858 : f32 to vector<16xf32>
        %add3A_860 = arith.addf %mul3A_857, %add3A_859 : vector<16xf32>
        %sub3A_861 = arith.constant -5.120000e+01 : f32
        %sub3A_862 = vector.broadcast %sub3A_861 : f32 to vector<16xf32>
        %sub3A_863 = arith.subf %add3A_860, %sub3A_862 : vector<16xf32>
        %div3A_864 = arith.constant 8.000000e-01 : f32
        %div3A_865 = vector.broadcast %div3A_864 : f32 to vector<16xf32>
        %div3A_866 = arith.divf %sub3A_863, %div3A_865 : vector<16xf32>
        %mul3A_867 = arith.constant 2.000000e+01 : f32
        %mul3A_868 = vector.broadcast %mul3A_867 : f32 to vector<16xf32>
        %mul3A_869 = arith.mulf %get3A_831, %mul3A_868 : vector<16xf32>
        %mul3A_870 = arith.constant 1.100000e+00 : f32
        %mul3A_871 = vector.broadcast %mul3A_870 : f32 to vector<16xf32>
        %mul3A_872 = arith.mulf %mul3A_869, %mul3A_871 : vector<16xf32>
        %add3A_873 = arith.constant -1.100000e+01 : f32
        %add3A_874 = vector.broadcast %add3A_873 : f32 to vector<16xf32>
        %add3A_875 = arith.addf %mul3A_872, %add3A_874 : vector<16xf32>
        %sub3A_876 = arith.constant -1.000000e+01 : f32
        %sub3A_877 = vector.broadcast %sub3A_876 : f32 to vector<16xf32>
        %sub3A_878 = arith.subf %add3A_875, %sub3A_877 : vector<16xf32>
        %div3A_879 = arith.constant 2.000000e+01 : f32
        %div3A_880 = vector.broadcast %div3A_879 : f32 to vector<16xf32>
        %div3A_881 = arith.divf %sub3A_878, %div3A_880 : vector<16xf32>
        %ge3A_882 = arith.constant 0.000000e+00 : f32
        %ge3A_883 = vector.broadcast %ge3A_882 : f32 to vector<16xf32>
        %ge3A_884 = arith.cmpf oge, %div3A_851, %ge3A_883 : vector<16xf32>
        %lt3A_885 = arith.constant 1.280000e+02 : f32
        %lt3A_886 = vector.broadcast %lt3A_885 : f32 to vector<16xf32>
        %lt3A_887 = arith.cmpf olt, %div3A_851, %lt3A_886 : vector<16xf32>
        %and3A_888 = arith.andi %ge3A_884, %lt3A_887 : vector<16xi1>
        %ge3A_889 = arith.constant 0.000000e+00 : f32
        %ge3A_890 = vector.broadcast %ge3A_889 : f32 to vector<16xf32>
        %ge3A_891 = arith.cmpf oge, %div3A_866, %ge3A_890 : vector<16xf32>
        %and3A_892 = arith.andi %and3A_888, %ge3A_891 : vector<16xi1>
        %lt3A_893 = arith.constant 1.280000e+02 : f32
        %lt3A_894 = vector.broadcast %lt3A_893 : f32 to vector<16xf32>
        %lt3A_895 = arith.cmpf olt, %div3A_866, %lt3A_894 : vector<16xf32>
        %and3A_896 = arith.andi %and3A_892, %lt3A_895 : vector<16xi1>
        %ge3A_897 = arith.constant 0.000000e+00 : f32
        %ge3A_898 = vector.broadcast %ge3A_897 : f32 to vector<16xf32>
        %ge3A_899 = arith.cmpf oge, %div3A_881, %ge3A_898 : vector<16xf32>
        %and3A_900 = arith.andi %and3A_896, %ge3A_899 : vector<16xi1>
        %lt3A_901 = arith.constant 1.000000e+00 : f32
        %lt3A_902 = vector.broadcast %lt3A_901 : f32 to vector<16xf32>
        %lt3A_903 = arith.cmpf olt, %div3A_881, %lt3A_902 : vector<16xf32>
        %and3A_904 = arith.andi %and3A_900, %lt3A_903 : vector<16xi1>
        %gt3A_905 = arith.constant 5.000000e-01 : f32
        %gt3A_906 = vector.broadcast %gt3A_905 : f32 to vector<16xf32>
        %gt3A_907 = arith.cmpf ogt, %get3A_836, %gt3A_906 : vector<16xf32>
        %and3A_908 = arith.andi %and3A_904, %gt3A_907 : vector<16xi1>
        %convert_element_type3A_909 = arith.fptosi %div3A_851 : vector<16xf32> to vector<16xi32>
        %convert_element_type3A_910 = arith.fptosi %div3A_866 : vector<16xf32> to vector<16xi32>
        %mul3A_911 = arith.constant 128 : i32
        %mul3A_912 = vector.broadcast %mul3A_911 : i32 to vector<16xi32>
        %mul3A_913 = arith.muli %convert_element_type3A_909, %mul3A_912 : vector<16xi32>
        %add3A_914 = arith.addi %mul3A_913, %convert_element_type3A_910 : vector<16xi32>
        %sub3A_915 = vector.broadcast %mul3A_0 : i32 to vector<16xi32>
        %sub3A_916 = arith.subi %add3A_914, %sub3A_915 : vector<16xi32>
        %ge3A_917 = arith.constant 0 : i32
        %ge3A_918 = vector.broadcast %ge3A_917 : i32 to vector<16xi32>
        %ge3A_919 = arith.cmpi sge, %sub3A_916, %ge3A_918 : vector<16xi32>
        %and3A_920 = arith.andi %and3A_908, %ge3A_919 : vector<16xi1>
        %lt3A_921 = arith.constant 8192 : i32
        %lt3A_922 = vector.broadcast %lt3A_921 : i32 to vector<16xi32>
        %lt3A_923 = arith.cmpi slt, %sub3A_916, %lt3A_922 : vector<16xi32>
        %and3A_924 = arith.andi %and3A_920, %lt3A_923 : vector<16xi1>
        %add3A_925 = arith.constant 8192 : i32
        %add3A_926 = arith.addi %add3A_925, %arg1 : i32
        %broadcast_in_dim3A_927 = vector.broadcast %add3A_926 : i32 to vector<16xi32>
        %select_n3A_928 = arith.select %and3A_924, %sub3A_916, %broadcast_in_dim3A_927 : vector<16xi1>, vector<16xi32>
        %swap3A_929 = arith.constant 64 : index
        %swap3A_930 = tpu.vector_load %arg7[%swap3A_929] {strides = array<i32>} : memref<128xi32, #tpu.memory_space<vmem>>, vector<16xi32>,
        %swap3A_931 = vector.shape_cast %swap3A_930 : vector<16xi32> to vector<16xi32>
        %swap3A_932 = vector.shape_cast %select_n3A_928 : vector<16xi32> to vector<16xi32>
        tpu.vector_store %arg7[%swap3A_929], %swap3A_932 {strides = array<i32>} : memref<128xi32, #tpu.memory_space<vmem>>, vector<16xi32>,
        %get3A_933 = arith.constant 0 : i32
        %get3A_934 = arith.index_cast %get3A_933 : i32 to index
        %get3A_935 = arith.constant 80 : index
        %get3A_936 = tpu.vector_load %arg6[%get3A_934, %get3A_935] {strides = array<i32>} : memref<4x128xf32, #tpu.memory_space<vmem>>, vector<1x16xf32>,
        %get3A_937 = vector.shape_cast %get3A_936 : vector<1x16xf32> to vector<16xf32>
        %get3A_938 = arith.constant 1 : i32
        %get3A_939 = arith.index_cast %get3A_938 : i32 to index
        %get3A_940 = arith.constant 80 : index
        %get3A_941 = tpu.vector_load %arg6[%get3A_939, %get3A_940] {strides = array<i32>} : memref<4x128xf32, #tpu.memory_space<vmem>>, vector<1x16xf32>,
        %get3A_942 = vector.shape_cast %get3A_941 : vector<1x16xf32> to vector<16xf32>
        %get3A_943 = arith.constant 2 : i32
        %get3A_944 = arith.index_cast %get3A_943 : i32 to index
        %get3A_945 = arith.constant 80 : index
        %get3A_946 = tpu.vector_load %arg6[%get3A_944, %get3A_945] {strides = array<i32>} : memref<4x128xf32, #tpu.memory_space<vmem>>, vector<1x16xf32>,
        %get3A_947 = vector.shape_cast %get3A_946 : vector<1x16xf32> to vector<16xf32>
        %get3A_948 = arith.constant 3 : i32
        %get3A_949 = arith.index_cast %get3A_948 : i32 to index
        %get3A_950 = arith.constant 80 : index
        %get3A_951 = tpu.vector_load %arg6[%get3A_949, %get3A_950] {strides = array<i32>} : memref<4x128xf32, #tpu.memory_space<vmem>>, vector<1x16xf32>,
        %get3A_952 = vector.shape_cast %get3A_951 : vector<1x16xf32> to vector<16xf32>
        %mul3A_953 = arith.constant 1.024000e+02 : f32
        %mul3A_954 = vector.broadcast %mul3A_953 : f32 to vector<16xf32>
        %mul3A_955 = arith.mulf %get3A_937, %mul3A_954 : vector<16xf32>
        %mul3A_956 = arith.constant 1.100000e+00 : f32
        %mul3A_957 = vector.broadcast %mul3A_956 : f32 to vector<16xf32>
        %mul3A_958 = arith.mulf %mul3A_955, %mul3A_957 : vector<16xf32>
        %add3A_959 = arith.constant -5.632000e+01 : f32
        %add3A_960 = vector.broadcast %add3A_959 : f32 to vector<16xf32>
        %add3A_961 = arith.addf %mul3A_958, %add3A_960 : vector<16xf32>
        %sub3A_962 = arith.constant -5.120000e+01 : f32
        %sub3A_963 = vector.broadcast %sub3A_962 : f32 to vector<16xf32>
        %sub3A_964 = arith.subf %add3A_961, %sub3A_963 : vector<16xf32>
        %div3A_965 = arith.constant 8.000000e-01 : f32
        %div3A_966 = vector.broadcast %div3A_965 : f32 to vector<16xf32>
        %div3A_967 = arith.divf %sub3A_964, %div3A_966 : vector<16xf32>
        %mul3A_968 = arith.constant 1.024000e+02 : f32
        %mul3A_969 = vector.broadcast %mul3A_968 : f32 to vector<16xf32>
        %mul3A_970 = arith.mulf %get3A_942, %mul3A_969 : vector<16xf32>
        %mul3A_971 = arith.constant 1.100000e+00 : f32
        %mul3A_972 = vector.broadcast %mul3A_971 : f32 to vector<16xf32>
        %mul3A_973 = arith.mulf %mul3A_970, %mul3A_972 : vector<16xf32>
        %add3A_974 = arith.constant -5.632000e+01 : f32
        %add3A_975 = vector.broadcast %add3A_974 : f32 to vector<16xf32>
        %add3A_976 = arith.addf %mul3A_973, %add3A_975 : vector<16xf32>
        %sub3A_977 = arith.constant -5.120000e+01 : f32
        %sub3A_978 = vector.broadcast %sub3A_977 : f32 to vector<16xf32>
        %sub3A_979 = arith.subf %add3A_976, %sub3A_978 : vector<16xf32>
        %div3A_980 = arith.constant 8.000000e-01 : f32
        %div3A_981 = vector.broadcast %div3A_980 : f32 to vector<16xf32>
        %div3A_982 = arith.divf %sub3A_979, %div3A_981 : vector<16xf32>
        %mul3A_983 = arith.constant 2.000000e+01 : f32
        %mul3A_984 = vector.broadcast %mul3A_983 : f32 to vector<16xf32>
        %mul3A_985 = arith.mulf %get3A_947, %mul3A_984 : vector<16xf32>
        %mul3A_986 = arith.constant 1.100000e+00 : f32
        %mul3A_987 = vector.broadcast %mul3A_986 : f32 to vector<16xf32>
        %mul3A_988 = arith.mulf %mul3A_985, %mul3A_987 : vector<16xf32>
        %add3A_989 = arith.constant -1.100000e+01 : f32
        %add3A_990 = vector.broadcast %add3A_989 : f32 to vector<16xf32>
        %add3A_991 = arith.addf %mul3A_988, %add3A_990 : vector<16xf32>
        %sub3A_992 = arith.constant -1.000000e+01 : f32
        %sub3A_993 = vector.broadcast %sub3A_992 : f32 to vector<16xf32>
        %sub3A_994 = arith.subf %add3A_991, %sub3A_993 : vector<16xf32>
        %div3A_995 = arith.constant 2.000000e+01 : f32
        %div3A_996 = vector.broadcast %div3A_995 : f32 to vector<16xf32>
        %div3A_997 = arith.divf %sub3A_994, %div3A_996 : vector<16xf32>
        %ge3A_998 = arith.constant 0.000000e+00 : f32
        %ge3A_999 = vector.broadcast %ge3A_998 : f32 to vector<16xf32>
        %ge3A_1000 = arith.cmpf oge, %div3A_967, %ge3A_999 : vector<16xf32>
        %lt3A_1001 = arith.constant 1.280000e+02 : f32
        %lt3A_1002 = vector.broadcast %lt3A_1001 : f32 to vector<16xf32>
        %lt3A_1003 = arith.cmpf olt, %div3A_967, %lt3A_1002 : vector<16xf32>
        %and3A_1004 = arith.andi %ge3A_1000, %lt3A_1003 : vector<16xi1>
        %ge3A_1005 = arith.constant 0.000000e+00 : f32
        %ge3A_1006 = vector.broadcast %ge3A_1005 : f32 to vector<16xf32>
        %ge3A_1007 = arith.cmpf oge, %div3A_982, %ge3A_1006 : vector<16xf32>
        %and3A_1008 = arith.andi %and3A_1004, %ge3A_1007 : vector<16xi1>
        %lt3A_1009 = arith.constant 1.280000e+02 : f32
        %lt3A_1010 = vector.broadcast %lt3A_1009 : f32 to vector<16xf32>
        %lt3A_1011 = arith.cmpf olt, %div3A_982, %lt3A_1010 : vector<16xf32>
        %and3A_1012 = arith.andi %and3A_1008, %lt3A_1011 : vector<16xi1>
        %ge3A_1013 = arith.constant 0.000000e+00 : f32
        %ge3A_1014 = vector.broadcast %ge3A_1013 : f32 to vector<16xf32>
        %ge3A_1015 = arith.cmpf oge, %div3A_997, %ge3A_1014 : vector<16xf32>
        %and3A_1016 = arith.andi %and3A_1012, %ge3A_1015 : vector<16xi1>
        %lt3A_1017 = arith.constant 1.000000e+00 : f32
        %lt3A_1018 = vector.broadcast %lt3A_1017 : f32 to vector<16xf32>
        %lt3A_1019 = arith.cmpf olt, %div3A_997, %lt3A_1018 : vector<16xf32>
        %and3A_1020 = arith.andi %and3A_1016, %lt3A_1019 : vector<16xi1>
        %gt3A_1021 = arith.constant 5.000000e-01 : f32
        %gt3A_1022 = vector.broadcast %gt3A_1021 : f32 to vector<16xf32>
        %gt3A_1023 = arith.cmpf ogt, %get3A_952, %gt3A_1022 : vector<16xf32>
        %and3A_1024 = arith.andi %and3A_1020, %gt3A_1023 : vector<16xi1>
        %convert_element_type3A_1025 = arith.fptosi %div3A_967 : vector<16xf32> to vector<16xi32>
        %convert_element_type3A_1026 = arith.fptosi %div3A_982 : vector<16xf32> to vector<16xi32>
        %mul3A_1027 = arith.constant 128 : i32
        %mul3A_1028 = vector.broadcast %mul3A_1027 : i32 to vector<16xi32>
        %mul3A_1029 = arith.muli %convert_element_type3A_1025, %mul3A_1028 : vector<16xi32>
        %add3A_1030 = arith.addi %mul3A_1029, %convert_element_type3A_1026 : vector<16xi32>
        %sub3A_1031 = vector.broadcast %mul3A_0 : i32 to vector<16xi32>
        %sub3A_1032 = arith.subi %add3A_1030, %sub3A_1031 : vector<16xi32>
        %ge3A_1033 = arith.constant 0 : i32
        %ge3A_1034 = vector.broadcast %ge3A_1033 : i32 to vector<16xi32>
        %ge3A_1035 = arith.cmpi sge, %sub3A_1032, %ge3A_1034 : vector<16xi32>
        %and3A_1036 = arith.andi %and3A_1024, %ge3A_1035 : vector<16xi1>
        %lt3A_1037 = arith.constant 8192 : i32
        %lt3A_1038 = vector.broadcast %lt3A_1037 : i32 to vector<16xi32>
        %lt3A_1039 = arith.cmpi slt, %sub3A_1032, %lt3A_1038 : vector<16xi32>
        %and3A_1040 = arith.andi %and3A_1036, %lt3A_1039 : vector<16xi1>
        %add3A_1041 = arith.constant 8192 : i32
        %add3A_1042 = arith.addi %add3A_1041, %arg1 : i32
        %broadcast_in_dim3A_1043 = vector.broadcast %add3A_1042 : i32 to vector<16xi32>
        %select_n3A_1044 = arith.select %and3A_1040, %sub3A_1032, %broadcast_in_dim3A_1043 : vector<16xi1>, vector<16xi32>
        %swap3A_1045 = arith.constant 80 : index
        %swap3A_1046 = tpu.vector_load %arg7[%swap3A_1045] {strides = array<i32>} : memref<128xi32, #tpu.memory_space<vmem>>, vector<16xi32>,
        %swap3A_1047 = vector.shape_cast %swap3A_1046 : vector<16xi32> to vector<16xi32>
        %swap3A_1048 = vector.shape_cast %select_n3A_1044 : vector<16xi32> to vector<16xi32>
        tpu.vector_store %arg7[%swap3A_1045], %swap3A_1048 {strides = array<i32>} : memref<128xi32, #tpu.memory_space<vmem>>, vector<16xi32>,
        %get3A_1049 = arith.constant 0 : i32
        %get3A_1050 = arith.index_cast %get3A_1049 : i32 to index
        %get3A_1051 = arith.constant 96 : index
        %get3A_1052 = tpu.vector_load %arg6[%get3A_1050, %get3A_1051] {strides = array<i32>} : memref<4x128xf32, #tpu.memory_space<vmem>>, vector<1x16xf32>,
        %get3A_1053 = vector.shape_cast %get3A_1052 : vector<1x16xf32> to vector<16xf32>
        %get3A_1054 = arith.constant 1 : i32
        %get3A_1055 = arith.index_cast %get3A_1054 : i32 to index
        %get3A_1056 = arith.constant 96 : index
        %get3A_1057 = tpu.vector_load %arg6[%get3A_1055, %get3A_1056] {strides = array<i32>} : memref<4x128xf32, #tpu.memory_space<vmem>>, vector<1x16xf32>,
        %get3A_1058 = vector.shape_cast %get3A_1057 : vector<1x16xf32> to vector<16xf32>
        %get3A_1059 = arith.constant 2 : i32
        %get3A_1060 = arith.index_cast %get3A_1059 : i32 to index
        %get3A_1061 = arith.constant 96 : index
        %get3A_1062 = tpu.vector_load %arg6[%get3A_1060, %get3A_1061] {strides = array<i32>} : memref<4x128xf32, #tpu.memory_space<vmem>>, vector<1x16xf32>,
        %get3A_1063 = vector.shape_cast %get3A_1062 : vector<1x16xf32> to vector<16xf32>
        %get3A_1064 = arith.constant 3 : i32
        %get3A_1065 = arith.index_cast %get3A_1064 : i32 to index
        %get3A_1066 = arith.constant 96 : index
        %get3A_1067 = tpu.vector_load %arg6[%get3A_1065, %get3A_1066] {strides = array<i32>} : memref<4x128xf32, #tpu.memory_space<vmem>>, vector<1x16xf32>,
        %get3A_1068 = vector.shape_cast %get3A_1067 : vector<1x16xf32> to vector<16xf32>
        %mul3A_1069 = arith.constant 1.024000e+02 : f32
        %mul3A_1070 = vector.broadcast %mul3A_1069 : f32 to vector<16xf32>
        %mul3A_1071 = arith.mulf %get3A_1053, %mul3A_1070 : vector<16xf32>
        %mul3A_1072 = arith.constant 1.100000e+00 : f32
        %mul3A_1073 = vector.broadcast %mul3A_1072 : f32 to vector<16xf32>
        %mul3A_1074 = arith.mulf %mul3A_1071, %mul3A_1073 : vector<16xf32>
        %add3A_1075 = arith.constant -5.632000e+01 : f32
        %add3A_1076 = vector.broadcast %add3A_1075 : f32 to vector<16xf32>
        %add3A_1077 = arith.addf %mul3A_1074, %add3A_1076 : vector<16xf32>
        %sub3A_1078 = arith.constant -5.120000e+01 : f32
        %sub3A_1079 = vector.broadcast %sub3A_1078 : f32 to vector<16xf32>
        %sub3A_1080 = arith.subf %add3A_1077, %sub3A_1079 : vector<16xf32>
        %div3A_1081 = arith.constant 8.000000e-01 : f32
        %div3A_1082 = vector.broadcast %div3A_1081 : f32 to vector<16xf32>
        %div3A_1083 = arith.divf %sub3A_1080, %div3A_1082 : vector<16xf32>
        %mul3A_1084 = arith.constant 1.024000e+02 : f32
        %mul3A_1085 = vector.broadcast %mul3A_1084 : f32 to vector<16xf32>
        %mul3A_1086 = arith.mulf %get3A_1058, %mul3A_1085 : vector<16xf32>
        %mul3A_1087 = arith.constant 1.100000e+00 : f32
        %mul3A_1088 = vector.broadcast %mul3A_1087 : f32 to vector<16xf32>
        %mul3A_1089 = arith.mulf %mul3A_1086, %mul3A_1088 : vector<16xf32>
        %add3A_1090 = arith.constant -5.632000e+01 : f32
        %add3A_1091 = vector.broadcast %add3A_1090 : f32 to vector<16xf32>
        %add3A_1092 = arith.addf %mul3A_1089, %add3A_1091 : vector<16xf32>
        %sub3A_1093 = arith.constant -5.120000e+01 : f32
        %sub3A_1094 = vector.broadcast %sub3A_1093 : f32 to vector<16xf32>
        %sub3A_1095 = arith.subf %add3A_1092, %sub3A_1094 : vector<16xf32>
        %div3A_1096 = arith.constant 8.000000e-01 : f32
        %div3A_1097 = vector.broadcast %div3A_1096 : f32 to vector<16xf32>
        %div3A_1098 = arith.divf %sub3A_1095, %div3A_1097 : vector<16xf32>
        %mul3A_1099 = arith.constant 2.000000e+01 : f32
        %mul3A_1100 = vector.broadcast %mul3A_1099 : f32 to vector<16xf32>
        %mul3A_1101 = arith.mulf %get3A_1063, %mul3A_1100 : vector<16xf32>
        %mul3A_1102 = arith.constant 1.100000e+00 : f32
        %mul3A_1103 = vector.broadcast %mul3A_1102 : f32 to vector<16xf32>
        %mul3A_1104 = arith.mulf %mul3A_1101, %mul3A_1103 : vector<16xf32>
        %add3A_1105 = arith.constant -1.100000e+01 : f32
        %add3A_1106 = vector.broadcast %add3A_1105 : f32 to vector<16xf32>
        %add3A_1107 = arith.addf %mul3A_1104, %add3A_1106 : vector<16xf32>
        %sub3A_1108 = arith.constant -1.000000e+01 : f32
        %sub3A_1109 = vector.broadcast %sub3A_1108 : f32 to vector<16xf32>
        %sub3A_1110 = arith.subf %add3A_1107, %sub3A_1109 : vector<16xf32>
        %div3A_1111 = arith.constant 2.000000e+01 : f32
        %div3A_1112 = vector.broadcast %div3A_1111 : f32 to vector<16xf32>
        %div3A_1113 = arith.divf %sub3A_1110, %div3A_1112 : vector<16xf32>
        %ge3A_1114 = arith.constant 0.000000e+00 : f32
        %ge3A_1115 = vector.broadcast %ge3A_1114 : f32 to vector<16xf32>
        %ge3A_1116 = arith.cmpf oge, %div3A_1083, %ge3A_1115 : vector<16xf32>
        %lt3A_1117 = arith.constant 1.280000e+02 : f32
        %lt3A_1118 = vector.broadcast %lt3A_1117 : f32 to vector<16xf32>
        %lt3A_1119 = arith.cmpf olt, %div3A_1083, %lt3A_1118 : vector<16xf32>
        %and3A_1120 = arith.andi %ge3A_1116, %lt3A_1119 : vector<16xi1>
        %ge3A_1121 = arith.constant 0.000000e+00 : f32
        %ge3A_1122 = vector.broadcast %ge3A_1121 : f32 to vector<16xf32>
        %ge3A_1123 = arith.cmpf oge, %div3A_1098, %ge3A_1122 : vector<16xf32>
        %and3A_1124 = arith.andi %and3A_1120, %ge3A_1123 : vector<16xi1>
        %lt3A_1125 = arith.constant 1.280000e+02 : f32
        %lt3A_1126 = vector.broadcast %lt3A_1125 : f32 to vector<16xf32>
        %lt3A_1127 = arith.cmpf olt, %div3A_1098, %lt3A_1126 : vector<16xf32>
        %and3A_1128 = arith.andi %and3A_1124, %lt3A_1127 : vector<16xi1>
        %ge3A_1129 = arith.constant 0.000000e+00 : f32
        %ge3A_1130 = vector.broadcast %ge3A_1129 : f32 to vector<16xf32>
        %ge3A_1131 = arith.cmpf oge, %div3A_1113, %ge3A_1130 : vector<16xf32>
        %and3A_1132 = arith.andi %and3A_1128, %ge3A_1131 : vector<16xi1>
        %lt3A_1133 = arith.constant 1.000000e+00 : f32
        %lt3A_1134 = vector.broadcast %lt3A_1133 : f32 to vector<16xf32>
        %lt3A_1135 = arith.cmpf olt, %div3A_1113, %lt3A_1134 : vector<16xf32>
        %and3A_1136 = arith.andi %and3A_1132, %lt3A_1135 : vector<16xi1>
        %gt3A_1137 = arith.constant 5.000000e-01 : f32
        %gt3A_1138 = vector.broadcast %gt3A_1137 : f32 to vector<16xf32>
        %gt3A_1139 = arith.cmpf ogt, %get3A_1068, %gt3A_1138 : vector<16xf32>
        %and3A_1140 = arith.andi %and3A_1136, %gt3A_1139 : vector<16xi1>
        %convert_element_type3A_1141 = arith.fptosi %div3A_1083 : vector<16xf32> to vector<16xi32>
        %convert_element_type3A_1142 = arith.fptosi %div3A_1098 : vector<16xf32> to vector<16xi32>
        %mul3A_1143 = arith.constant 128 : i32
        %mul3A_1144 = vector.broadcast %mul3A_1143 : i32 to vector<16xi32>
        %mul3A_1145 = arith.muli %convert_element_type3A_1141, %mul3A_1144 : vector<16xi32>
        %add3A_1146 = arith.addi %mul3A_1145, %convert_element_type3A_1142 : vector<16xi32>
        %sub3A_1147 = vector.broadcast %mul3A_0 : i32 to vector<16xi32>
        %sub3A_1148 = arith.subi %add3A_1146, %sub3A_1147 : vector<16xi32>
        %ge3A_1149 = arith.constant 0 : i32
        %ge3A_1150 = vector.broadcast %ge3A_1149 : i32 to vector<16xi32>
        %ge3A_1151 = arith.cmpi sge, %sub3A_1148, %ge3A_1150 : vector<16xi32>
        %and3A_1152 = arith.andi %and3A_1140, %ge3A_1151 : vector<16xi1>
        %lt3A_1153 = arith.constant 8192 : i32
        %lt3A_1154 = vector.broadcast %lt3A_1153 : i32 to vector<16xi32>
        %lt3A_1155 = arith.cmpi slt, %sub3A_1148, %lt3A_1154 : vector<16xi32>
        %and3A_1156 = arith.andi %and3A_1152, %lt3A_1155 : vector<16xi1>
        %add3A_1157 = arith.constant 8192 : i32
        %add3A_1158 = arith.addi %add3A_1157, %arg1 : i32
        %broadcast_in_dim3A_1159 = vector.broadcast %add3A_1158 : i32 to vector<16xi32>
        %select_n3A_1160 = arith.select %and3A_1156, %sub3A_1148, %broadcast_in_dim3A_1159 : vector<16xi1>, vector<16xi32>
        %swap3A_1161 = arith.constant 96 : index
        %swap3A_1162 = tpu.vector_load %arg7[%swap3A_1161] {strides = array<i32>} : memref<128xi32, #tpu.memory_space<vmem>>, vector<16xi32>,
        %swap3A_1163 = vector.shape_cast %swap3A_1162 : vector<16xi32> to vector<16xi32>
        %swap3A_1164 = vector.shape_cast %select_n3A_1160 : vector<16xi32> to vector<16xi32>
        tpu.vector_store %arg7[%swap3A_1161], %swap3A_1164 {strides = array<i32>} : memref<128xi32, #tpu.memory_space<vmem>>, vector<16xi32>,
        %get3A_1165 = arith.constant 0 : i32
        %get3A_1166 = arith.index_cast %get3A_1165 : i32 to index
        %get3A_1167 = arith.constant 112 : index
        %get3A_1168 = tpu.vector_load %arg6[%get3A_1166, %get3A_1167] {strides = array<i32>} : memref<4x128xf32, #tpu.memory_space<vmem>>, vector<1x16xf32>,
        %get3A_1169 = vector.shape_cast %get3A_1168 : vector<1x16xf32> to vector<16xf32>
        %get3A_1170 = arith.constant 1 : i32
        %get3A_1171 = arith.index_cast %get3A_1170 : i32 to index
        %get3A_1172 = arith.constant 112 : index
        %get3A_1173 = tpu.vector_load %arg6[%get3A_1171, %get3A_1172] {strides = array<i32>} : memref<4x128xf32, #tpu.memory_space<vmem>>, vector<1x16xf32>,
        %get3A_1174 = vector.shape_cast %get3A_1173 : vector<1x16xf32> to vector<16xf32>
        %get3A_1175 = arith.constant 2 : i32
        %get3A_1176 = arith.index_cast %get3A_1175 : i32 to index
        %get3A_1177 = arith.constant 112 : index
        %get3A_1178 = tpu.vector_load %arg6[%get3A_1176, %get3A_1177] {strides = array<i32>} : memref<4x128xf32, #tpu.memory_space<vmem>>, vector<1x16xf32>,
        %get3A_1179 = vector.shape_cast %get3A_1178 : vector<1x16xf32> to vector<16xf32>
        %get3A_1180 = arith.constant 3 : i32
        %get3A_1181 = arith.index_cast %get3A_1180 : i32 to index
        %get3A_1182 = arith.constant 112 : index
        %get3A_1183 = tpu.vector_load %arg6[%get3A_1181, %get3A_1182] {strides = array<i32>} : memref<4x128xf32, #tpu.memory_space<vmem>>, vector<1x16xf32>,
        %get3A_1184 = vector.shape_cast %get3A_1183 : vector<1x16xf32> to vector<16xf32>
        %mul3A_1185 = arith.constant 1.024000e+02 : f32
        %mul3A_1186 = vector.broadcast %mul3A_1185 : f32 to vector<16xf32>
        %mul3A_1187 = arith.mulf %get3A_1169, %mul3A_1186 : vector<16xf32>
        %mul3A_1188 = arith.constant 1.100000e+00 : f32
        %mul3A_1189 = vector.broadcast %mul3A_1188 : f32 to vector<16xf32>
        %mul3A_1190 = arith.mulf %mul3A_1187, %mul3A_1189 : vector<16xf32>
        %add3A_1191 = arith.constant -5.632000e+01 : f32
        %add3A_1192 = vector.broadcast %add3A_1191 : f32 to vector<16xf32>
        %add3A_1193 = arith.addf %mul3A_1190, %add3A_1192 : vector<16xf32>
        %sub3A_1194 = arith.constant -5.120000e+01 : f32
        %sub3A_1195 = vector.broadcast %sub3A_1194 : f32 to vector<16xf32>
        %sub3A_1196 = arith.subf %add3A_1193, %sub3A_1195 : vector<16xf32>
        %div3A_1197 = arith.constant 8.000000e-01 : f32
        %div3A_1198 = vector.broadcast %div3A_1197 : f32 to vector<16xf32>
        %div3A_1199 = arith.divf %sub3A_1196, %div3A_1198 : vector<16xf32>
        %mul3A_1200 = arith.constant 1.024000e+02 : f32
        %mul3A_1201 = vector.broadcast %mul3A_1200 : f32 to vector<16xf32>
        %mul3A_1202 = arith.mulf %get3A_1174, %mul3A_1201 : vector<16xf32>
        %mul3A_1203 = arith.constant 1.100000e+00 : f32
        %mul3A_1204 = vector.broadcast %mul3A_1203 : f32 to vector<16xf32>
        %mul3A_1205 = arith.mulf %mul3A_1202, %mul3A_1204 : vector<16xf32>
        %add3A_1206 = arith.constant -5.632000e+01 : f32
        %add3A_1207 = vector.broadcast %add3A_1206 : f32 to vector<16xf32>
        %add3A_1208 = arith.addf %mul3A_1205, %add3A_1207 : vector<16xf32>
        %sub3A_1209 = arith.constant -5.120000e+01 : f32
        %sub3A_1210 = vector.broadcast %sub3A_1209 : f32 to vector<16xf32>
        %sub3A_1211 = arith.subf %add3A_1208, %sub3A_1210 : vector<16xf32>
        %div3A_1212 = arith.constant 8.000000e-01 : f32
        %div3A_1213 = vector.broadcast %div3A_1212 : f32 to vector<16xf32>
        %div3A_1214 = arith.divf %sub3A_1211, %div3A_1213 : vector<16xf32>
        %mul3A_1215 = arith.constant 2.000000e+01 : f32
        %mul3A_1216 = vector.broadcast %mul3A_1215 : f32 to vector<16xf32>
        %mul3A_1217 = arith.mulf %get3A_1179, %mul3A_1216 : vector<16xf32>
        %mul3A_1218 = arith.constant 1.100000e+00 : f32
        %mul3A_1219 = vector.broadcast %mul3A_1218 : f32 to vector<16xf32>
        %mul3A_1220 = arith.mulf %mul3A_1217, %mul3A_1219 : vector<16xf32>
        %add3A_1221 = arith.constant -1.100000e+01 : f32
        %add3A_1222 = vector.broadcast %add3A_1221 : f32 to vector<16xf32>
        %add3A_1223 = arith.addf %mul3A_1220, %add3A_1222 : vector<16xf32>
        %sub3A_1224 = arith.constant -1.000000e+01 : f32
        %sub3A_1225 = vector.broadcast %sub3A_1224 : f32 to vector<16xf32>
        %sub3A_1226 = arith.subf %add3A_1223, %sub3A_1225 : vector<16xf32>
        %div3A_1227 = arith.constant 2.000000e+01 : f32
        %div3A_1228 = vector.broadcast %div3A_1227 : f32 to vector<16xf32>
        %div3A_1229 = arith.divf %sub3A_1226, %div3A_1228 : vector<16xf32>
        %ge3A_1230 = arith.constant 0.000000e+00 : f32
        %ge3A_1231 = vector.broadcast %ge3A_1230 : f32 to vector<16xf32>
        %ge3A_1232 = arith.cmpf oge, %div3A_1199, %ge3A_1231 : vector<16xf32>
        %lt3A_1233 = arith.constant 1.280000e+02 : f32
        %lt3A_1234 = vector.broadcast %lt3A_1233 : f32 to vector<16xf32>
        %lt3A_1235 = arith.cmpf olt, %div3A_1199, %lt3A_1234 : vector<16xf32>
        %and3A_1236 = arith.andi %ge3A_1232, %lt3A_1235 : vector<16xi1>
        %ge3A_1237 = arith.constant 0.000000e+00 : f32
        %ge3A_1238 = vector.broadcast %ge3A_1237 : f32 to vector<16xf32>
        %ge3A_1239 = arith.cmpf oge, %div3A_1214, %ge3A_1238 : vector<16xf32>
        %and3A_1240 = arith.andi %and3A_1236, %ge3A_1239 : vector<16xi1>
        %lt3A_1241 = arith.constant 1.280000e+02 : f32
        %lt3A_1242 = vector.broadcast %lt3A_1241 : f32 to vector<16xf32>
        %lt3A_1243 = arith.cmpf olt, %div3A_1214, %lt3A_1242 : vector<16xf32>
        %and3A_1244 = arith.andi %and3A_1240, %lt3A_1243 : vector<16xi1>
        %ge3A_1245 = arith.constant 0.000000e+00 : f32
        %ge3A_1246 = vector.broadcast %ge3A_1245 : f32 to vector<16xf32>
        %ge3A_1247 = arith.cmpf oge, %div3A_1229, %ge3A_1246 : vector<16xf32>
        %and3A_1248 = arith.andi %and3A_1244, %ge3A_1247 : vector<16xi1>
        %lt3A_1249 = arith.constant 1.000000e+00 : f32
        %lt3A_1250 = vector.broadcast %lt3A_1249 : f32 to vector<16xf32>
        %lt3A_1251 = arith.cmpf olt, %div3A_1229, %lt3A_1250 : vector<16xf32>
        %and3A_1252 = arith.andi %and3A_1248, %lt3A_1251 : vector<16xi1>
        %gt3A_1253 = arith.constant 5.000000e-01 : f32
        %gt3A_1254 = vector.broadcast %gt3A_1253 : f32 to vector<16xf32>
        %gt3A_1255 = arith.cmpf ogt, %get3A_1184, %gt3A_1254 : vector<16xf32>
        %and3A_1256 = arith.andi %and3A_1252, %gt3A_1255 : vector<16xi1>
        %convert_element_type3A_1257 = arith.fptosi %div3A_1199 : vector<16xf32> to vector<16xi32>
        %convert_element_type3A_1258 = arith.fptosi %div3A_1214 : vector<16xf32> to vector<16xi32>
        %mul3A_1259 = arith.constant 128 : i32
        %mul3A_1260 = vector.broadcast %mul3A_1259 : i32 to vector<16xi32>
        %mul3A_1261 = arith.muli %convert_element_type3A_1257, %mul3A_1260 : vector<16xi32>
        %add3A_1262 = arith.addi %mul3A_1261, %convert_element_type3A_1258 : vector<16xi32>
        %sub3A_1263 = vector.broadcast %mul3A_0 : i32 to vector<16xi32>
        %sub3A_1264 = arith.subi %add3A_1262, %sub3A_1263 : vector<16xi32>
        %ge3A_1265 = arith.constant 0 : i32
        %ge3A_1266 = vector.broadcast %ge3A_1265 : i32 to vector<16xi32>
        %ge3A_1267 = arith.cmpi sge, %sub3A_1264, %ge3A_1266 : vector<16xi32>
        %and3A_1268 = arith.andi %and3A_1256, %ge3A_1267 : vector<16xi1>
        %lt3A_1269 = arith.constant 8192 : i32
        %lt3A_1270 = vector.broadcast %lt3A_1269 : i32 to vector<16xi32>
        %lt3A_1271 = arith.cmpi slt, %sub3A_1264, %lt3A_1270 : vector<16xi32>
        %and3A_1272 = arith.andi %and3A_1268, %lt3A_1271 : vector<16xi1>
        %add3A_1273 = arith.constant 8192 : i32
        %add3A_1274 = arith.addi %add3A_1273, %arg1 : i32
        %broadcast_in_dim3A_1275 = vector.broadcast %add3A_1274 : i32 to vector<16xi32>
        %select_n3A_1276 = arith.select %and3A_1272, %sub3A_1264, %broadcast_in_dim3A_1275 : vector<16xi1>, vector<16xi32>
        %swap3A_1277 = arith.constant 112 : index
        %swap3A_1278 = tpu.vector_load %arg7[%swap3A_1277] {strides = array<i32>} : memref<128xi32, #tpu.memory_space<vmem>>, vector<16xi32>,
        %swap3A_1279 = vector.shape_cast %swap3A_1278 : vector<16xi32> to vector<16xi32>
        %swap3A_1280 = vector.shape_cast %select_n3A_1276 : vector<16xi32> to vector<16xi32>
        tpu.vector_store %arg7[%swap3A_1277], %swap3A_1280 {strides = array<i32>} : memref<128xi32, #tpu.memory_space<vmem>>, vector<16xi32>,
        %dma_wait3A = arith.constant 0 : i32
        %dma_wait3A_1281 = arith.constant 0 : i32
        %dma_wait3A_1282 = tpu.memref_slice %arg2[%add3A_345, %dma_wait3A, %dma_wait3A_1281] : memref<3894x128x128xf32, #tpu.memory_space<hbm>> -> memref<1x128x128xf32, #tpu.memory_space<hbm>>
        %dma_wait3A_1283 = tpu.memref_squeeze %dma_wait3A_1282 : memref<1x128x128xf32, #tpu.memory_space<hbm>> -> memref<128x128xf32, #tpu.memory_space<hbm>>
        %dma_wait3A_1284 = arith.constant 0 : i32
        %dma_wait3A_1285 = arith.constant 0 : i32
        %dma_wait3A_1286 = tpu.memref_slice %arg2[%add3A_345, %dma_wait3A_1284, %dma_wait3A_1285] : memref<3894x128x128xf32, #tpu.memory_space<hbm>> -> memref<1x128x128xf32, #tpu.memory_space<hbm>>
        %dma_wait3A_1287 = tpu.memref_squeeze %dma_wait3A_1286 : memref<1x128x128xf32, #tpu.memory_space<hbm>> -> memref<128x128xf32, #tpu.memory_space<hbm>>
        tpu.wait_dma2 semaphore(%arg12 : memref<!tpu.dma_semaphore, #tpu.memory_space<semaphore_mem>>) src(%dma_wait3A_1287 : memref<128x128xf32, #tpu.memory_space<hbm>>) dst(%arg10 : memref<128x128xf32, #tpu.memory_space<vmem>>)
        "tpu.region"() ({
          %run_scoped3A = tpu.sem_alloc : memref<!tpu.dma_semaphore, #tpu.memory_space<semaphore_mem>>
          %dma_start3A_1288 = arith.constant 0 : i32
          %dma_start3A_1289 = arith.constant 0 : i32
          %dma_start3A_1290 = tpu.memref_slice %arg13[%dma_start3A_1288, %dma_start3A_1289] : memref<8448x128xf32, #tpu.memory_space<vmem_shared>> -> memref<8448x128xf32, #tpu.memory_space<vmem_shared>>
          tpu.enqueue_indirect_dma source(%arg10 : memref<128x128xf32, #tpu.memory_space<vmem>>) target(%dma_start3A_1290 : memref<8448x128xf32, #tpu.memory_space<vmem_shared>>) offsets(%arg7 : memref<128xi32, #tpu.memory_space<vmem>>) semaphore(%run_scoped3A : memref<!tpu.dma_semaphore, #tpu.memory_space<semaphore_mem>>) {add = true}
          %dma_wait3A_1291 = arith.constant 0 : i32
          %dma_wait3A_1292 = arith.constant 0 : i32
          %dma_wait3A_1293 = tpu.memref_slice %arg13[%dma_wait3A_1291, %dma_wait3A_1292] : memref<8448x128xf32, #tpu.memory_space<vmem_shared>> -> memref<8448x128xf32, #tpu.memory_space<vmem_shared>>
          tpu.wait_indirect_dma semaphore(%run_scoped3A : memref<!tpu.dma_semaphore, #tpu.memory_space<semaphore_mem>>) src(%arg10 : memref<128x128xf32, #tpu.memory_space<vmem>>) dst(%dma_wait3A_1293 : memref<8448x128xf32, #tpu.memory_space<vmem_shared>>)
          tpu.yield
        }) : () -> ()
      } else {
      }
    }
    %scan3A_43 = arith.constant 122 : i32
    %barrier3A_44 = arith.constant 0 : index
    tpu.barrier barrier_id(%barrier3A_44)
    %mul3A_45 = arith.constant 512 : i32
    %mul3A_46 = arith.muli %arg1, %mul3A_45 : i32
    %add3A_47 = arith.constant 0 : i32
    %add3A_48 = arith.addi %mul3A_46, %add3A_47 : i32
    %add3A_49 = arith.constant 0 : i32
    %add3A_50 = arith.addi %add3A_48, %add3A_49 : i32
    %add3A_51 = vector.broadcast %add3A_50 : i32 to vector<16xi32>
    %add3A_52 = arith.addi %add3A_51, %iota3A : vector<16xi32>
    %swap3A = arith.constant 0 : index
    %swap3A_53 = tpu.vector_load %arg8[%swap3A] {strides = array<i32>} : memref<128xi32, #tpu.memory_space<vmem>>, vector<16xi32>,
    %swap3A_54 = vector.shape_cast %swap3A_53 : vector<16xi32> to vector<16xi32>
    %swap3A_55 = vector.shape_cast %add3A_52 : vector<16xi32> to vector<16xi32>
    tpu.vector_store %arg8[%swap3A], %swap3A_55 {strides = array<i32>} : memref<128xi32, #tpu.memory_space<vmem>>, vector<16xi32>,
    %add3A_56 = arith.constant 16 : i32
    %add3A_57 = arith.addi %add3A_48, %add3A_56 : i32
    %add3A_58 = vector.broadcast %add3A_57 : i32 to vector<16xi32>
    %add3A_59 = arith.addi %add3A_58, %iota3A : vector<16xi32>
    %swap3A_60 = arith.constant 16 : index
    %swap3A_61 = tpu.vector_load %arg8[%swap3A_60] {strides = array<i32>} : memref<128xi32, #tpu.memory_space<vmem>>, vector<16xi32>,
    %swap3A_62 = vector.shape_cast %swap3A_61 : vector<16xi32> to vector<16xi32>
    %swap3A_63 = vector.shape_cast %add3A_59 : vector<16xi32> to vector<16xi32>
    tpu.vector_store %arg8[%swap3A_60], %swap3A_63 {strides = array<i32>} : memref<128xi32, #tpu.memory_space<vmem>>, vector<16xi32>,
    %add3A_64 = arith.constant 32 : i32
    %add3A_65 = arith.addi %add3A_48, %add3A_64 : i32
    %add3A_66 = vector.broadcast %add3A_65 : i32 to vector<16xi32>
    %add3A_67 = arith.addi %add3A_66, %iota3A : vector<16xi32>
    %swap3A_68 = arith.constant 32 : index
    %swap3A_69 = tpu.vector_load %arg8[%swap3A_68] {strides = array<i32>} : memref<128xi32, #tpu.memory_space<vmem>>, vector<16xi32>,
    %swap3A_70 = vector.shape_cast %swap3A_69 : vector<16xi32> to vector<16xi32>
    %swap3A_71 = vector.shape_cast %add3A_67 : vector<16xi32> to vector<16xi32>
    tpu.vector_store %arg8[%swap3A_68], %swap3A_71 {strides = array<i32>} : memref<128xi32, #tpu.memory_space<vmem>>, vector<16xi32>,
    %add3A_72 = arith.constant 48 : i32
    %add3A_73 = arith.addi %add3A_48, %add3A_72 : i32
    %add3A_74 = vector.broadcast %add3A_73 : i32 to vector<16xi32>
    %add3A_75 = arith.addi %add3A_74, %iota3A : vector<16xi32>
    %swap3A_76 = arith.constant 48 : index
    %swap3A_77 = tpu.vector_load %arg8[%swap3A_76] {strides = array<i32>} : memref<128xi32, #tpu.memory_space<vmem>>, vector<16xi32>,
    %swap3A_78 = vector.shape_cast %swap3A_77 : vector<16xi32> to vector<16xi32>
    %swap3A_79 = vector.shape_cast %add3A_75 : vector<16xi32> to vector<16xi32>
    tpu.vector_store %arg8[%swap3A_76], %swap3A_79 {strides = array<i32>} : memref<128xi32, #tpu.memory_space<vmem>>, vector<16xi32>,
    %add3A_80 = arith.constant 64 : i32
    %add3A_81 = arith.addi %add3A_48, %add3A_80 : i32
    %add3A_82 = vector.broadcast %add3A_81 : i32 to vector<16xi32>
    %add3A_83 = arith.addi %add3A_82, %iota3A : vector<16xi32>
    %swap3A_84 = arith.constant 64 : index
    %swap3A_85 = tpu.vector_load %arg8[%swap3A_84] {strides = array<i32>} : memref<128xi32, #tpu.memory_space<vmem>>, vector<16xi32>,
    %swap3A_86 = vector.shape_cast %swap3A_85 : vector<16xi32> to vector<16xi32>
    %swap3A_87 = vector.shape_cast %add3A_83 : vector<16xi32> to vector<16xi32>
    tpu.vector_store %arg8[%swap3A_84], %swap3A_87 {strides = array<i32>} : memref<128xi32, #tpu.memory_space<vmem>>, vector<16xi32>,
    %add3A_88 = arith.constant 80 : i32
    %add3A_89 = arith.addi %add3A_48, %add3A_88 : i32
    %add3A_90 = vector.broadcast %add3A_89 : i32 to vector<16xi32>
    %add3A_91 = arith.addi %add3A_90, %iota3A : vector<16xi32>
    %swap3A_92 = arith.constant 80 : index
    %swap3A_93 = tpu.vector_load %arg8[%swap3A_92] {strides = array<i32>} : memref<128xi32, #tpu.memory_space<vmem>>, vector<16xi32>,
    %swap3A_94 = vector.shape_cast %swap3A_93 : vector<16xi32> to vector<16xi32>
    %swap3A_95 = vector.shape_cast %add3A_91 : vector<16xi32> to vector<16xi32>
    tpu.vector_store %arg8[%swap3A_92], %swap3A_95 {strides = array<i32>} : memref<128xi32, #tpu.memory_space<vmem>>, vector<16xi32>,
    %add3A_96 = arith.constant 96 : i32
    %add3A_97 = arith.addi %add3A_48, %add3A_96 : i32
    %add3A_98 = vector.broadcast %add3A_97 : i32 to vector<16xi32>
    %add3A_99 = arith.addi %add3A_98, %iota3A : vector<16xi32>
    %swap3A_100 = arith.constant 96 : index
    %swap3A_101 = tpu.vector_load %arg8[%swap3A_100] {strides = array<i32>} : memref<128xi32, #tpu.memory_space<vmem>>, vector<16xi32>,
    %swap3A_102 = vector.shape_cast %swap3A_101 : vector<16xi32> to vector<16xi32>
    %swap3A_103 = vector.shape_cast %add3A_99 : vector<16xi32> to vector<16xi32>
    tpu.vector_store %arg8[%swap3A_100], %swap3A_103 {strides = array<i32>} : memref<128xi32, #tpu.memory_space<vmem>>, vector<16xi32>,
    %add3A_104 = arith.constant 112 : i32
    %add3A_105 = arith.addi %add3A_48, %add3A_104 : i32
    %add3A_106 = vector.broadcast %add3A_105 : i32 to vector<16xi32>
    %add3A_107 = arith.addi %add3A_106, %iota3A : vector<16xi32>
    %swap3A_108 = arith.constant 112 : index
    %swap3A_109 = tpu.vector_load %arg8[%swap3A_108] {strides = array<i32>} : memref<128xi32, #tpu.memory_space<vmem>>, vector<16xi32>,
    %swap3A_110 = vector.shape_cast %swap3A_109 : vector<16xi32> to vector<16xi32>
    %swap3A_111 = vector.shape_cast %add3A_107 : vector<16xi32> to vector<16xi32>
    tpu.vector_store %arg8[%swap3A_108], %swap3A_111 {strides = array<i32>} : memref<128xi32, #tpu.memory_space<vmem>>, vector<16xi32>,
    "tpu.region"() ({
      %run_scoped3A = tpu.sem_alloc : memref<!tpu.dma_semaphore, #tpu.memory_space<semaphore_mem>>
      %dma_start3A_316 = arith.constant 0 : i32
      %dma_start3A_317 = arith.constant 0 : i32
      %dma_start3A_318 = tpu.memref_slice %arg13[%dma_start3A_316, %dma_start3A_317] : memref<8448x128xf32, #tpu.memory_space<vmem_shared>> -> memref<8448x128xf32, #tpu.memory_space<vmem_shared>>
      tpu.enqueue_indirect_dma source(%dma_start3A_318 : memref<8448x128xf32, #tpu.memory_space<vmem_shared>>) target(%arg9 : memref<128x128xf32, #tpu.memory_space<vmem>>) offsets(%arg8 : memref<128xi32, #tpu.memory_space<vmem>>) semaphore(%run_scoped3A : memref<!tpu.dma_semaphore, #tpu.memory_space<semaphore_mem>>)
      %dma_wait3A = arith.constant 0 : i32
      %dma_wait3A_319 = arith.constant 0 : i32
      %dma_wait3A_320 = tpu.memref_slice %arg13[%dma_wait3A, %dma_wait3A_319] : memref<8448x128xf32, #tpu.memory_space<vmem_shared>> -> memref<8448x128xf32, #tpu.memory_space<vmem_shared>>
      tpu.wait_indirect_dma semaphore(%run_scoped3A : memref<!tpu.dma_semaphore, #tpu.memory_space<semaphore_mem>>) src(%dma_wait3A_320 : memref<8448x128xf32, #tpu.memory_space<vmem_shared>>) dst(%arg9 : memref<128x128xf32, #tpu.memory_space<vmem>>)
      tpu.yield
    }) : () -> ()
    "tpu.region"() ({
      %run_scoped3A = tpu.sem_alloc : memref<!tpu.dma_semaphore, #tpu.memory_space<semaphore_mem>>
      %dma_start3A_316 = arith.constant 0 : i32
      %dma_start3A_317 = tpu.memref_slice %arg5[%arg0, %add3A_48, %dma_start3A_316] : memref<2x8192x128xf32, #tpu.memory_space<hbm>> -> memref<1x128x128xf32, #tpu.memory_space<hbm>>
      %dma_start3A_318 = tpu.memref_squeeze %dma_start3A_317 : memref<1x128x128xf32, #tpu.memory_space<hbm>> -> memref<128x128xf32, #tpu.memory_space<hbm>>
      %dma_start3A_319 = arith.constant 0 : i32
      %dma_start3A_320 = tpu.memref_slice %arg5[%arg0, %add3A_48, %dma_start3A_319] : memref<2x8192x128xf32, #tpu.memory_space<hbm>> -> memref<1x128x128xf32, #tpu.memory_space<hbm>>
      %dma_start3A_321 = tpu.memref_squeeze %dma_start3A_320 : memref<1x128x128xf32, #tpu.memory_space<hbm>> -> memref<128x128xf32, #tpu.memory_space<hbm>>
      tpu.enqueue_dma source(%arg9 : memref<128x128xf32, #tpu.memory_space<vmem>>) target(%dma_start3A_321 : memref<128x128xf32, #tpu.memory_space<hbm>>) target_semaphore(%run_scoped3A : memref<!tpu.dma_semaphore, #tpu.memory_space<semaphore_mem>>)
      %dma_wait3A = arith.constant 0 : i32
      %dma_wait3A_322 = tpu.memref_slice %arg5[%arg0, %add3A_48, %dma_wait3A] : memref<2x8192x128xf32, #tpu.memory_space<hbm>> -> memref<1x128x128xf32, #tpu.memory_space<hbm>>
      %dma_wait3A_323 = tpu.memref_squeeze %dma_wait3A_322 : memref<1x128x128xf32, #tpu.memory_space<hbm>> -> memref<128x128xf32, #tpu.memory_space<hbm>>
      %dma_wait3A_324 = arith.constant 0 : i32
      %dma_wait3A_325 = tpu.memref_slice %arg5[%arg0, %add3A_48, %dma_wait3A_324] : memref<2x8192x128xf32, #tpu.memory_space<hbm>> -> memref<1x128x128xf32, #tpu.memory_space<hbm>>
      %dma_wait3A_326 = tpu.memref_squeeze %dma_wait3A_325 : memref<1x128x128xf32, #tpu.memory_space<hbm>> -> memref<128x128xf32, #tpu.memory_space<hbm>>
      tpu.wait_dma2 semaphore(%run_scoped3A : memref<!tpu.dma_semaphore, #tpu.memory_space<semaphore_mem>>) src(%arg9 : memref<128x128xf32, #tpu.memory_space<vmem>>) dst(%dma_wait3A_326 : memref<128x128xf32, #tpu.memory_space<hbm>>)
      tpu.yield
    }) : () -> ()
    %mul3A_112 = arith.constant 512 : i32
    %mul3A_113 = arith.muli %arg1, %mul3A_112 : i32
    %add3A_114 = arith.constant 128 : i32
    %add3A_115 = arith.addi %mul3A_113, %add3A_114 : i32
    %add3A_116 = arith.constant 0 : i32
    %add3A_117 = arith.addi %add3A_115, %add3A_116 : i32
    %add3A_118 = vector.broadcast %add3A_117 : i32 to vector<16xi32>
    %add3A_119 = arith.addi %add3A_118, %iota3A : vector<16xi32>
    %swap3A_120 = arith.constant 0 : index
    %swap3A_121 = tpu.vector_load %arg8[%swap3A_120] {strides = array<i32>} : memref<128xi32, #tpu.memory_space<vmem>>, vector<16xi32>,
    %swap3A_122 = vector.shape_cast %swap3A_121 : vector<16xi32> to vector<16xi32>
    %swap3A_123 = vector.shape_cast %add3A_119 : vector<16xi32> to vector<16xi32>
    tpu.vector_store %arg8[%swap3A_120], %swap3A_123 {strides = array<i32>} : memref<128xi32, #tpu.memory_space<vmem>>, vector<16xi32>,
    %add3A_124 = arith.constant 16 : i32
    %add3A_125 = arith.addi %add3A_115, %add3A_124 : i32
    %add3A_126 = vector.broadcast %add3A_125 : i32 to vector<16xi32>
    %add3A_127 = arith.addi %add3A_126, %iota3A : vector<16xi32>
    %swap3A_128 = arith.constant 16 : index
    %swap3A_129 = tpu.vector_load %arg8[%swap3A_128] {strides = array<i32>} : memref<128xi32, #tpu.memory_space<vmem>>, vector<16xi32>,
    %swap3A_130 = vector.shape_cast %swap3A_129 : vector<16xi32> to vector<16xi32>
    %swap3A_131 = vector.shape_cast %add3A_127 : vector<16xi32> to vector<16xi32>
    tpu.vector_store %arg8[%swap3A_128], %swap3A_131 {strides = array<i32>} : memref<128xi32, #tpu.memory_space<vmem>>, vector<16xi32>,
    %add3A_132 = arith.constant 32 : i32
    %add3A_133 = arith.addi %add3A_115, %add3A_132 : i32
    %add3A_134 = vector.broadcast %add3A_133 : i32 to vector<16xi32>
    %add3A_135 = arith.addi %add3A_134, %iota3A : vector<16xi32>
    %swap3A_136 = arith.constant 32 : index
    %swap3A_137 = tpu.vector_load %arg8[%swap3A_136] {strides = array<i32>} : memref<128xi32, #tpu.memory_space<vmem>>, vector<16xi32>,
    %swap3A_138 = vector.shape_cast %swap3A_137 : vector<16xi32> to vector<16xi32>
    %swap3A_139 = vector.shape_cast %add3A_135 : vector<16xi32> to vector<16xi32>
    tpu.vector_store %arg8[%swap3A_136], %swap3A_139 {strides = array<i32>} : memref<128xi32, #tpu.memory_space<vmem>>, vector<16xi32>,
    %add3A_140 = arith.constant 48 : i32
    %add3A_141 = arith.addi %add3A_115, %add3A_140 : i32
    %add3A_142 = vector.broadcast %add3A_141 : i32 to vector<16xi32>
    %add3A_143 = arith.addi %add3A_142, %iota3A : vector<16xi32>
    %swap3A_144 = arith.constant 48 : index
    %swap3A_145 = tpu.vector_load %arg8[%swap3A_144] {strides = array<i32>} : memref<128xi32, #tpu.memory_space<vmem>>, vector<16xi32>,
    %swap3A_146 = vector.shape_cast %swap3A_145 : vector<16xi32> to vector<16xi32>
    %swap3A_147 = vector.shape_cast %add3A_143 : vector<16xi32> to vector<16xi32>
    tpu.vector_store %arg8[%swap3A_144], %swap3A_147 {strides = array<i32>} : memref<128xi32, #tpu.memory_space<vmem>>, vector<16xi32>,
    %add3A_148 = arith.constant 64 : i32
    %add3A_149 = arith.addi %add3A_115, %add3A_148 : i32
    %add3A_150 = vector.broadcast %add3A_149 : i32 to vector<16xi32>
    %add3A_151 = arith.addi %add3A_150, %iota3A : vector<16xi32>
    %swap3A_152 = arith.constant 64 : index
    %swap3A_153 = tpu.vector_load %arg8[%swap3A_152] {strides = array<i32>} : memref<128xi32, #tpu.memory_space<vmem>>, vector<16xi32>,
    %swap3A_154 = vector.shape_cast %swap3A_153 : vector<16xi32> to vector<16xi32>
    %swap3A_155 = vector.shape_cast %add3A_151 : vector<16xi32> to vector<16xi32>
    tpu.vector_store %arg8[%swap3A_152], %swap3A_155 {strides = array<i32>} : memref<128xi32, #tpu.memory_space<vmem>>, vector<16xi32>,
    %add3A_156 = arith.constant 80 : i32
    %add3A_157 = arith.addi %add3A_115, %add3A_156 : i32
    %add3A_158 = vector.broadcast %add3A_157 : i32 to vector<16xi32>
    %add3A_159 = arith.addi %add3A_158, %iota3A : vector<16xi32>
    %swap3A_160 = arith.constant 80 : index
    %swap3A_161 = tpu.vector_load %arg8[%swap3A_160] {strides = array<i32>} : memref<128xi32, #tpu.memory_space<vmem>>, vector<16xi32>,
    %swap3A_162 = vector.shape_cast %swap3A_161 : vector<16xi32> to vector<16xi32>
    %swap3A_163 = vector.shape_cast %add3A_159 : vector<16xi32> to vector<16xi32>
    tpu.vector_store %arg8[%swap3A_160], %swap3A_163 {strides = array<i32>} : memref<128xi32, #tpu.memory_space<vmem>>, vector<16xi32>,
    %add3A_164 = arith.constant 96 : i32
    %add3A_165 = arith.addi %add3A_115, %add3A_164 : i32
    %add3A_166 = vector.broadcast %add3A_165 : i32 to vector<16xi32>
    %add3A_167 = arith.addi %add3A_166, %iota3A : vector<16xi32>
    %swap3A_168 = arith.constant 96 : index
    %swap3A_169 = tpu.vector_load %arg8[%swap3A_168] {strides = array<i32>} : memref<128xi32, #tpu.memory_space<vmem>>, vector<16xi32>,
    %swap3A_170 = vector.shape_cast %swap3A_169 : vector<16xi32> to vector<16xi32>
    %swap3A_171 = vector.shape_cast %add3A_167 : vector<16xi32> to vector<16xi32>
    tpu.vector_store %arg8[%swap3A_168], %swap3A_171 {strides = array<i32>} : memref<128xi32, #tpu.memory_space<vmem>>, vector<16xi32>,
    %add3A_172 = arith.constant 112 : i32
    %add3A_173 = arith.addi %add3A_115, %add3A_172 : i32
    %add3A_174 = vector.broadcast %add3A_173 : i32 to vector<16xi32>
    %add3A_175 = arith.addi %add3A_174, %iota3A : vector<16xi32>
    %swap3A_176 = arith.constant 112 : index
    %swap3A_177 = tpu.vector_load %arg8[%swap3A_176] {strides = array<i32>} : memref<128xi32, #tpu.memory_space<vmem>>, vector<16xi32>,
    %swap3A_178 = vector.shape_cast %swap3A_177 : vector<16xi32> to vector<16xi32>
    %swap3A_179 = vector.shape_cast %add3A_175 : vector<16xi32> to vector<16xi32>
    tpu.vector_store %arg8[%swap3A_176], %swap3A_179 {strides = array<i32>} : memref<128xi32, #tpu.memory_space<vmem>>, vector<16xi32>,
    "tpu.region"() ({
      %run_scoped3A = tpu.sem_alloc : memref<!tpu.dma_semaphore, #tpu.memory_space<semaphore_mem>>
      %dma_start3A_316 = arith.constant 0 : i32
      %dma_start3A_317 = arith.constant 0 : i32
      %dma_start3A_318 = tpu.memref_slice %arg13[%dma_start3A_316, %dma_start3A_317] : memref<8448x128xf32, #tpu.memory_space<vmem_shared>> -> memref<8448x128xf32, #tpu.memory_space<vmem_shared>>
      tpu.enqueue_indirect_dma source(%dma_start3A_318 : memref<8448x128xf32, #tpu.memory_space<vmem_shared>>) target(%arg9 : memref<128x128xf32, #tpu.memory_space<vmem>>) offsets(%arg8 : memref<128xi32, #tpu.memory_space<vmem>>) semaphore(%run_scoped3A : memref<!tpu.dma_semaphore, #tpu.memory_space<semaphore_mem>>)
      %dma_wait3A = arith.constant 0 : i32
      %dma_wait3A_319 = arith.constant 0 : i32
      %dma_wait3A_320 = tpu.memref_slice %arg13[%dma_wait3A, %dma_wait3A_319] : memref<8448x128xf32, #tpu.memory_space<vmem_shared>> -> memref<8448x128xf32, #tpu.memory_space<vmem_shared>>
      tpu.wait_indirect_dma semaphore(%run_scoped3A : memref<!tpu.dma_semaphore, #tpu.memory_space<semaphore_mem>>) src(%dma_wait3A_320 : memref<8448x128xf32, #tpu.memory_space<vmem_shared>>) dst(%arg9 : memref<128x128xf32, #tpu.memory_space<vmem>>)
      tpu.yield
    }) : () -> ()
    "tpu.region"() ({
      %run_scoped3A = tpu.sem_alloc : memref<!tpu.dma_semaphore, #tpu.memory_space<semaphore_mem>>
      %dma_start3A_316 = arith.constant 0 : i32
      %dma_start3A_317 = tpu.memref_slice %arg5[%arg0, %add3A_115, %dma_start3A_316] : memref<2x8192x128xf32, #tpu.memory_space<hbm>> -> memref<1x128x128xf32, #tpu.memory_space<hbm>>
      %dma_start3A_318 = tpu.memref_squeeze %dma_start3A_317 : memref<1x128x128xf32, #tpu.memory_space<hbm>> -> memref<128x128xf32, #tpu.memory_space<hbm>>
      %dma_start3A_319 = arith.constant 0 : i32
      %dma_start3A_320 = tpu.memref_slice %arg5[%arg0, %add3A_115, %dma_start3A_319] : memref<2x8192x128xf32, #tpu.memory_space<hbm>> -> memref<1x128x128xf32, #tpu.memory_space<hbm>>
      %dma_start3A_321 = tpu.memref_squeeze %dma_start3A_320 : memref<1x128x128xf32, #tpu.memory_space<hbm>> -> memref<128x128xf32, #tpu.memory_space<hbm>>
      tpu.enqueue_dma source(%arg9 : memref<128x128xf32, #tpu.memory_space<vmem>>) target(%dma_start3A_321 : memref<128x128xf32, #tpu.memory_space<hbm>>) target_semaphore(%run_scoped3A : memref<!tpu.dma_semaphore, #tpu.memory_space<semaphore_mem>>)
      %dma_wait3A = arith.constant 0 : i32
      %dma_wait3A_322 = tpu.memref_slice %arg5[%arg0, %add3A_115, %dma_wait3A] : memref<2x8192x128xf32, #tpu.memory_space<hbm>> -> memref<1x128x128xf32, #tpu.memory_space<hbm>>
      %dma_wait3A_323 = tpu.memref_squeeze %dma_wait3A_322 : memref<1x128x128xf32, #tpu.memory_space<hbm>> -> memref<128x128xf32, #tpu.memory_space<hbm>>
      %dma_wait3A_324 = arith.constant 0 : i32
      %dma_wait3A_325 = tpu.memref_slice %arg5[%arg0, %add3A_115, %dma_wait3A_324] : memref<2x8192x128xf32, #tpu.memory_space<hbm>> -> memref<1x128x128xf32, #tpu.memory_space<hbm>>
      %dma_wait3A_326 = tpu.memref_squeeze %dma_wait3A_325 : memref<1x128x128xf32, #tpu.memory_space<hbm>> -> memref<128x128xf32, #tpu.memory_space<hbm>>
      tpu.wait_dma2 semaphore(%run_scoped3A : memref<!tpu.dma_semaphore, #tpu.memory_space<semaphore_mem>>) src(%arg9 : memref<128x128xf32, #tpu.memory_space<vmem>>) dst(%dma_wait3A_326 : memref<128x128xf32, #tpu.memory_space<hbm>>)
      tpu.yield
    }) : () -> ()
    %mul3A_180 = arith.constant 512 : i32
    %mul3A_181 = arith.muli %arg1, %mul3A_180 : i32
    %add3A_182 = arith.constant 256 : i32
    %add3A_183 = arith.addi %mul3A_181, %add3A_182 : i32
    %add3A_184 = arith.constant 0 : i32
    %add3A_185 = arith.addi %add3A_183, %add3A_184 : i32
    %add3A_186 = vector.broadcast %add3A_185 : i32 to vector<16xi32>
    %add3A_187 = arith.addi %add3A_186, %iota3A : vector<16xi32>
    %swap3A_188 = arith.constant 0 : index
    %swap3A_189 = tpu.vector_load %arg8[%swap3A_188] {strides = array<i32>} : memref<128xi32, #tpu.memory_space<vmem>>, vector<16xi32>,
    %swap3A_190 = vector.shape_cast %swap3A_189 : vector<16xi32> to vector<16xi32>
    %swap3A_191 = vector.shape_cast %add3A_187 : vector<16xi32> to vector<16xi32>
    tpu.vector_store %arg8[%swap3A_188], %swap3A_191 {strides = array<i32>} : memref<128xi32, #tpu.memory_space<vmem>>, vector<16xi32>,
    %add3A_192 = arith.constant 16 : i32
    %add3A_193 = arith.addi %add3A_183, %add3A_192 : i32
    %add3A_194 = vector.broadcast %add3A_193 : i32 to vector<16xi32>
    %add3A_195 = arith.addi %add3A_194, %iota3A : vector<16xi32>
    %swap3A_196 = arith.constant 16 : index
    %swap3A_197 = tpu.vector_load %arg8[%swap3A_196] {strides = array<i32>} : memref<128xi32, #tpu.memory_space<vmem>>, vector<16xi32>,
    %swap3A_198 = vector.shape_cast %swap3A_197 : vector<16xi32> to vector<16xi32>
    %swap3A_199 = vector.shape_cast %add3A_195 : vector<16xi32> to vector<16xi32>
    tpu.vector_store %arg8[%swap3A_196], %swap3A_199 {strides = array<i32>} : memref<128xi32, #tpu.memory_space<vmem>>, vector<16xi32>,
    %add3A_200 = arith.constant 32 : i32
    %add3A_201 = arith.addi %add3A_183, %add3A_200 : i32
    %add3A_202 = vector.broadcast %add3A_201 : i32 to vector<16xi32>
    %add3A_203 = arith.addi %add3A_202, %iota3A : vector<16xi32>
    %swap3A_204 = arith.constant 32 : index
    %swap3A_205 = tpu.vector_load %arg8[%swap3A_204] {strides = array<i32>} : memref<128xi32, #tpu.memory_space<vmem>>, vector<16xi32>,
    %swap3A_206 = vector.shape_cast %swap3A_205 : vector<16xi32> to vector<16xi32>
    %swap3A_207 = vector.shape_cast %add3A_203 : vector<16xi32> to vector<16xi32>
    tpu.vector_store %arg8[%swap3A_204], %swap3A_207 {strides = array<i32>} : memref<128xi32, #tpu.memory_space<vmem>>, vector<16xi32>,
    %add3A_208 = arith.constant 48 : i32
    %add3A_209 = arith.addi %add3A_183, %add3A_208 : i32
    %add3A_210 = vector.broadcast %add3A_209 : i32 to vector<16xi32>
    %add3A_211 = arith.addi %add3A_210, %iota3A : vector<16xi32>
    %swap3A_212 = arith.constant 48 : index
    %swap3A_213 = tpu.vector_load %arg8[%swap3A_212] {strides = array<i32>} : memref<128xi32, #tpu.memory_space<vmem>>, vector<16xi32>,
    %swap3A_214 = vector.shape_cast %swap3A_213 : vector<16xi32> to vector<16xi32>
    %swap3A_215 = vector.shape_cast %add3A_211 : vector<16xi32> to vector<16xi32>
    tpu.vector_store %arg8[%swap3A_212], %swap3A_215 {strides = array<i32>} : memref<128xi32, #tpu.memory_space<vmem>>, vector<16xi32>,
    %add3A_216 = arith.constant 64 : i32
    %add3A_217 = arith.addi %add3A_183, %add3A_216 : i32
    %add3A_218 = vector.broadcast %add3A_217 : i32 to vector<16xi32>
    %add3A_219 = arith.addi %add3A_218, %iota3A : vector<16xi32>
    %swap3A_220 = arith.constant 64 : index
    %swap3A_221 = tpu.vector_load %arg8[%swap3A_220] {strides = array<i32>} : memref<128xi32, #tpu.memory_space<vmem>>, vector<16xi32>,
    %swap3A_222 = vector.shape_cast %swap3A_221 : vector<16xi32> to vector<16xi32>
    %swap3A_223 = vector.shape_cast %add3A_219 : vector<16xi32> to vector<16xi32>
    tpu.vector_store %arg8[%swap3A_220], %swap3A_223 {strides = array<i32>} : memref<128xi32, #tpu.memory_space<vmem>>, vector<16xi32>,
    %add3A_224 = arith.constant 80 : i32
    %add3A_225 = arith.addi %add3A_183, %add3A_224 : i32
    %add3A_226 = vector.broadcast %add3A_225 : i32 to vector<16xi32>
    %add3A_227 = arith.addi %add3A_226, %iota3A : vector<16xi32>
    %swap3A_228 = arith.constant 80 : index
    %swap3A_229 = tpu.vector_load %arg8[%swap3A_228] {strides = array<i32>} : memref<128xi32, #tpu.memory_space<vmem>>, vector<16xi32>,
    %swap3A_230 = vector.shape_cast %swap3A_229 : vector<16xi32> to vector<16xi32>
    %swap3A_231 = vector.shape_cast %add3A_227 : vector<16xi32> to vector<16xi32>
    tpu.vector_store %arg8[%swap3A_228], %swap3A_231 {strides = array<i32>} : memref<128xi32, #tpu.memory_space<vmem>>, vector<16xi32>,
    %add3A_232 = arith.constant 96 : i32
    %add3A_233 = arith.addi %add3A_183, %add3A_232 : i32
    %add3A_234 = vector.broadcast %add3A_233 : i32 to vector<16xi32>
    %add3A_235 = arith.addi %add3A_234, %iota3A : vector<16xi32>
    %swap3A_236 = arith.constant 96 : index
    %swap3A_237 = tpu.vector_load %arg8[%swap3A_236] {strides = array<i32>} : memref<128xi32, #tpu.memory_space<vmem>>, vector<16xi32>,
    %swap3A_238 = vector.shape_cast %swap3A_237 : vector<16xi32> to vector<16xi32>
    %swap3A_239 = vector.shape_cast %add3A_235 : vector<16xi32> to vector<16xi32>
    tpu.vector_store %arg8[%swap3A_236], %swap3A_239 {strides = array<i32>} : memref<128xi32, #tpu.memory_space<vmem>>, vector<16xi32>,
    %add3A_240 = arith.constant 112 : i32
    %add3A_241 = arith.addi %add3A_183, %add3A_240 : i32
    %add3A_242 = vector.broadcast %add3A_241 : i32 to vector<16xi32>
    %add3A_243 = arith.addi %add3A_242, %iota3A : vector<16xi32>
    %swap3A_244 = arith.constant 112 : index
    %swap3A_245 = tpu.vector_load %arg8[%swap3A_244] {strides = array<i32>} : memref<128xi32, #tpu.memory_space<vmem>>, vector<16xi32>,
    %swap3A_246 = vector.shape_cast %swap3A_245 : vector<16xi32> to vector<16xi32>
    %swap3A_247 = vector.shape_cast %add3A_243 : vector<16xi32> to vector<16xi32>
    tpu.vector_store %arg8[%swap3A_244], %swap3A_247 {strides = array<i32>} : memref<128xi32, #tpu.memory_space<vmem>>, vector<16xi32>,
    "tpu.region"() ({
      %run_scoped3A = tpu.sem_alloc : memref<!tpu.dma_semaphore, #tpu.memory_space<semaphore_mem>>
      %dma_start3A_316 = arith.constant 0 : i32
      %dma_start3A_317 = arith.constant 0 : i32
      %dma_start3A_318 = tpu.memref_slice %arg13[%dma_start3A_316, %dma_start3A_317] : memref<8448x128xf32, #tpu.memory_space<vmem_shared>> -> memref<8448x128xf32, #tpu.memory_space<vmem_shared>>
      tpu.enqueue_indirect_dma source(%dma_start3A_318 : memref<8448x128xf32, #tpu.memory_space<vmem_shared>>) target(%arg9 : memref<128x128xf32, #tpu.memory_space<vmem>>) offsets(%arg8 : memref<128xi32, #tpu.memory_space<vmem>>) semaphore(%run_scoped3A : memref<!tpu.dma_semaphore, #tpu.memory_space<semaphore_mem>>)
      %dma_wait3A = arith.constant 0 : i32
      %dma_wait3A_319 = arith.constant 0 : i32
      %dma_wait3A_320 = tpu.memref_slice %arg13[%dma_wait3A, %dma_wait3A_319] : memref<8448x128xf32, #tpu.memory_space<vmem_shared>> -> memref<8448x128xf32, #tpu.memory_space<vmem_shared>>
      tpu.wait_indirect_dma semaphore(%run_scoped3A : memref<!tpu.dma_semaphore, #tpu.memory_space<semaphore_mem>>) src(%dma_wait3A_320 : memref<8448x128xf32, #tpu.memory_space<vmem_shared>>) dst(%arg9 : memref<128x128xf32, #tpu.memory_space<vmem>>)
      tpu.yield
    }) : () -> ()
    "tpu.region"() ({
      %run_scoped3A = tpu.sem_alloc : memref<!tpu.dma_semaphore, #tpu.memory_space<semaphore_mem>>
      %dma_start3A_316 = arith.constant 0 : i32
      %dma_start3A_317 = tpu.memref_slice %arg5[%arg0, %add3A_183, %dma_start3A_316] : memref<2x8192x128xf32, #tpu.memory_space<hbm>> -> memref<1x128x128xf32, #tpu.memory_space<hbm>>
      %dma_start3A_318 = tpu.memref_squeeze %dma_start3A_317 : memref<1x128x128xf32, #tpu.memory_space<hbm>> -> memref<128x128xf32, #tpu.memory_space<hbm>>
      %dma_start3A_319 = arith.constant 0 : i32
      %dma_start3A_320 = tpu.memref_slice %arg5[%arg0, %add3A_183, %dma_start3A_319] : memref<2x8192x128xf32, #tpu.memory_space<hbm>> -> memref<1x128x128xf32, #tpu.memory_space<hbm>>
      %dma_start3A_321 = tpu.memref_squeeze %dma_start3A_320 : memref<1x128x128xf32, #tpu.memory_space<hbm>> -> memref<128x128xf32, #tpu.memory_space<hbm>>
      tpu.enqueue_dma source(%arg9 : memref<128x128xf32, #tpu.memory_space<vmem>>) target(%dma_start3A_321 : memref<128x128xf32, #tpu.memory_space<hbm>>) target_semaphore(%run_scoped3A : memref<!tpu.dma_semaphore, #tpu.memory_space<semaphore_mem>>)
      %dma_wait3A = arith.constant 0 : i32
      %dma_wait3A_322 = tpu.memref_slice %arg5[%arg0, %add3A_183, %dma_wait3A] : memref<2x8192x128xf32, #tpu.memory_space<hbm>> -> memref<1x128x128xf32, #tpu.memory_space<hbm>>
      %dma_wait3A_323 = tpu.memref_squeeze %dma_wait3A_322 : memref<1x128x128xf32, #tpu.memory_space<hbm>> -> memref<128x128xf32, #tpu.memory_space<hbm>>
      %dma_wait3A_324 = arith.constant 0 : i32
      %dma_wait3A_325 = tpu.memref_slice %arg5[%arg0, %add3A_183, %dma_wait3A_324] : memref<2x8192x128xf32, #tpu.memory_space<hbm>> -> memref<1x128x128xf32, #tpu.memory_space<hbm>>
      %dma_wait3A_326 = tpu.memref_squeeze %dma_wait3A_325 : memref<1x128x128xf32, #tpu.memory_space<hbm>> -> memref<128x128xf32, #tpu.memory_space<hbm>>
      tpu.wait_dma2 semaphore(%run_scoped3A : memref<!tpu.dma_semaphore, #tpu.memory_space<semaphore_mem>>) src(%arg9 : memref<128x128xf32, #tpu.memory_space<vmem>>) dst(%dma_wait3A_326 : memref<128x128xf32, #tpu.memory_space<hbm>>)
      tpu.yield
    }) : () -> ()
    %mul3A_248 = arith.constant 512 : i32
    %mul3A_249 = arith.muli %arg1, %mul3A_248 : i32
    %add3A_250 = arith.constant 384 : i32
    %add3A_251 = arith.addi %mul3A_249, %add3A_250 : i32
    %add3A_252 = arith.constant 0 : i32
    %add3A_253 = arith.addi %add3A_251, %add3A_252 : i32
    %add3A_254 = vector.broadcast %add3A_253 : i32 to vector<16xi32>
    %add3A_255 = arith.addi %add3A_254, %iota3A : vector<16xi32>
    %swap3A_256 = arith.constant 0 : index
    %swap3A_257 = tpu.vector_load %arg8[%swap3A_256] {strides = array<i32>} : memref<128xi32, #tpu.memory_space<vmem>>, vector<16xi32>,
    %swap3A_258 = vector.shape_cast %swap3A_257 : vector<16xi32> to vector<16xi32>
    %swap3A_259 = vector.shape_cast %add3A_255 : vector<16xi32> to vector<16xi32>
    tpu.vector_store %arg8[%swap3A_256], %swap3A_259 {strides = array<i32>} : memref<128xi32, #tpu.memory_space<vmem>>, vector<16xi32>,
    %add3A_260 = arith.constant 16 : i32
    %add3A_261 = arith.addi %add3A_251, %add3A_260 : i32
    %add3A_262 = vector.broadcast %add3A_261 : i32 to vector<16xi32>
    %add3A_263 = arith.addi %add3A_262, %iota3A : vector<16xi32>
    %swap3A_264 = arith.constant 16 : index
    %swap3A_265 = tpu.vector_load %arg8[%swap3A_264] {strides = array<i32>} : memref<128xi32, #tpu.memory_space<vmem>>, vector<16xi32>,
    %swap3A_266 = vector.shape_cast %swap3A_265 : vector<16xi32> to vector<16xi32>
    %swap3A_267 = vector.shape_cast %add3A_263 : vector<16xi32> to vector<16xi32>
    tpu.vector_store %arg8[%swap3A_264], %swap3A_267 {strides = array<i32>} : memref<128xi32, #tpu.memory_space<vmem>>, vector<16xi32>,
    %add3A_268 = arith.constant 32 : i32
    %add3A_269 = arith.addi %add3A_251, %add3A_268 : i32
    %add3A_270 = vector.broadcast %add3A_269 : i32 to vector<16xi32>
    %add3A_271 = arith.addi %add3A_270, %iota3A : vector<16xi32>
    %swap3A_272 = arith.constant 32 : index
    %swap3A_273 = tpu.vector_load %arg8[%swap3A_272] {strides = array<i32>} : memref<128xi32, #tpu.memory_space<vmem>>, vector<16xi32>,
    %swap3A_274 = vector.shape_cast %swap3A_273 : vector<16xi32> to vector<16xi32>
    %swap3A_275 = vector.shape_cast %add3A_271 : vector<16xi32> to vector<16xi32>
    tpu.vector_store %arg8[%swap3A_272], %swap3A_275 {strides = array<i32>} : memref<128xi32, #tpu.memory_space<vmem>>, vector<16xi32>,
    %add3A_276 = arith.constant 48 : i32
    %add3A_277 = arith.addi %add3A_251, %add3A_276 : i32
    %add3A_278 = vector.broadcast %add3A_277 : i32 to vector<16xi32>
    %add3A_279 = arith.addi %add3A_278, %iota3A : vector<16xi32>
    %swap3A_280 = arith.constant 48 : index
    %swap3A_281 = tpu.vector_load %arg8[%swap3A_280] {strides = array<i32>} : memref<128xi32, #tpu.memory_space<vmem>>, vector<16xi32>,
    %swap3A_282 = vector.shape_cast %swap3A_281 : vector<16xi32> to vector<16xi32>
    %swap3A_283 = vector.shape_cast %add3A_279 : vector<16xi32> to vector<16xi32>
    tpu.vector_store %arg8[%swap3A_280], %swap3A_283 {strides = array<i32>} : memref<128xi32, #tpu.memory_space<vmem>>, vector<16xi32>,
    %add3A_284 = arith.constant 64 : i32
    %add3A_285 = arith.addi %add3A_251, %add3A_284 : i32
    %add3A_286 = vector.broadcast %add3A_285 : i32 to vector<16xi32>
    %add3A_287 = arith.addi %add3A_286, %iota3A : vector<16xi32>
    %swap3A_288 = arith.constant 64 : index
    %swap3A_289 = tpu.vector_load %arg8[%swap3A_288] {strides = array<i32>} : memref<128xi32, #tpu.memory_space<vmem>>, vector<16xi32>,
    %swap3A_290 = vector.shape_cast %swap3A_289 : vector<16xi32> to vector<16xi32>
    %swap3A_291 = vector.shape_cast %add3A_287 : vector<16xi32> to vector<16xi32>
    tpu.vector_store %arg8[%swap3A_288], %swap3A_291 {strides = array<i32>} : memref<128xi32, #tpu.memory_space<vmem>>, vector<16xi32>,
    %add3A_292 = arith.constant 80 : i32
    %add3A_293 = arith.addi %add3A_251, %add3A_292 : i32
    %add3A_294 = vector.broadcast %add3A_293 : i32 to vector<16xi32>
    %add3A_295 = arith.addi %add3A_294, %iota3A : vector<16xi32>
    %swap3A_296 = arith.constant 80 : index
    %swap3A_297 = tpu.vector_load %arg8[%swap3A_296] {strides = array<i32>} : memref<128xi32, #tpu.memory_space<vmem>>, vector<16xi32>,
    %swap3A_298 = vector.shape_cast %swap3A_297 : vector<16xi32> to vector<16xi32>
    %swap3A_299 = vector.shape_cast %add3A_295 : vector<16xi32> to vector<16xi32>
    tpu.vector_store %arg8[%swap3A_296], %swap3A_299 {strides = array<i32>} : memref<128xi32, #tpu.memory_space<vmem>>, vector<16xi32>,
    %add3A_300 = arith.constant 96 : i32
    %add3A_301 = arith.addi %add3A_251, %add3A_300 : i32
    %add3A_302 = vector.broadcast %add3A_301 : i32 to vector<16xi32>
    %add3A_303 = arith.addi %add3A_302, %iota3A : vector<16xi32>
    %swap3A_304 = arith.constant 96 : index
    %swap3A_305 = tpu.vector_load %arg8[%swap3A_304] {strides = array<i32>} : memref<128xi32, #tpu.memory_space<vmem>>, vector<16xi32>,
    %swap3A_306 = vector.shape_cast %swap3A_305 : vector<16xi32> to vector<16xi32>
    %swap3A_307 = vector.shape_cast %add3A_303 : vector<16xi32> to vector<16xi32>
    tpu.vector_store %arg8[%swap3A_304], %swap3A_307 {strides = array<i32>} : memref<128xi32, #tpu.memory_space<vmem>>, vector<16xi32>,
    %add3A_308 = arith.constant 112 : i32
    %add3A_309 = arith.addi %add3A_251, %add3A_308 : i32
    %add3A_310 = vector.broadcast %add3A_309 : i32 to vector<16xi32>
    %add3A_311 = arith.addi %add3A_310, %iota3A : vector<16xi32>
    %swap3A_312 = arith.constant 112 : index
    %swap3A_313 = tpu.vector_load %arg8[%swap3A_312] {strides = array<i32>} : memref<128xi32, #tpu.memory_space<vmem>>, vector<16xi32>,
    %swap3A_314 = vector.shape_cast %swap3A_313 : vector<16xi32> to vector<16xi32>
    %swap3A_315 = vector.shape_cast %add3A_311 : vector<16xi32> to vector<16xi32>
    tpu.vector_store %arg8[%swap3A_312], %swap3A_315 {strides = array<i32>} : memref<128xi32, #tpu.memory_space<vmem>>, vector<16xi32>,
    "tpu.region"() ({
      %run_scoped3A = tpu.sem_alloc : memref<!tpu.dma_semaphore, #tpu.memory_space<semaphore_mem>>
      %dma_start3A_316 = arith.constant 0 : i32
      %dma_start3A_317 = arith.constant 0 : i32
      %dma_start3A_318 = tpu.memref_slice %arg13[%dma_start3A_316, %dma_start3A_317] : memref<8448x128xf32, #tpu.memory_space<vmem_shared>> -> memref<8448x128xf32, #tpu.memory_space<vmem_shared>>
      tpu.enqueue_indirect_dma source(%dma_start3A_318 : memref<8448x128xf32, #tpu.memory_space<vmem_shared>>) target(%arg9 : memref<128x128xf32, #tpu.memory_space<vmem>>) offsets(%arg8 : memref<128xi32, #tpu.memory_space<vmem>>) semaphore(%run_scoped3A : memref<!tpu.dma_semaphore, #tpu.memory_space<semaphore_mem>>)
      %dma_wait3A = arith.constant 0 : i32
      %dma_wait3A_319 = arith.constant 0 : i32
      %dma_wait3A_320 = tpu.memref_slice %arg13[%dma_wait3A, %dma_wait3A_319] : memref<8448x128xf32, #tpu.memory_space<vmem_shared>> -> memref<8448x128xf32, #tpu.memory_space<vmem_shared>>
      tpu.wait_indirect_dma semaphore(%run_scoped3A : memref<!tpu.dma_semaphore, #tpu.memory_space<semaphore_mem>>) src(%dma_wait3A_320 : memref<8448x128xf32, #tpu.memory_space<vmem_shared>>) dst(%arg9 : memref<128x128xf32, #tpu.memory_space<vmem>>)
      tpu.yield
    }) : () -> ()
    "tpu.region"() ({
      %run_scoped3A = tpu.sem_alloc : memref<!tpu.dma_semaphore, #tpu.memory_space<semaphore_mem>>
      %dma_start3A_316 = arith.constant 0 : i32
      %dma_start3A_317 = tpu.memref_slice %arg5[%arg0, %add3A_251, %dma_start3A_316] : memref<2x8192x128xf32, #tpu.memory_space<hbm>> -> memref<1x128x128xf32, #tpu.memory_space<hbm>>
      %dma_start3A_318 = tpu.memref_squeeze %dma_start3A_317 : memref<1x128x128xf32, #tpu.memory_space<hbm>> -> memref<128x128xf32, #tpu.memory_space<hbm>>
      %dma_start3A_319 = arith.constant 0 : i32
      %dma_start3A_320 = tpu.memref_slice %arg5[%arg0, %add3A_251, %dma_start3A_319] : memref<2x8192x128xf32, #tpu.memory_space<hbm>> -> memref<1x128x128xf32, #tpu.memory_space<hbm>>
      %dma_start3A_321 = tpu.memref_squeeze %dma_start3A_320 : memref<1x128x128xf32, #tpu.memory_space<hbm>> -> memref<128x128xf32, #tpu.memory_space<hbm>>
      tpu.enqueue_dma source(%arg9 : memref<128x128xf32, #tpu.memory_space<vmem>>) target(%dma_start3A_321 : memref<128x128xf32, #tpu.memory_space<hbm>>) target_semaphore(%run_scoped3A : memref<!tpu.dma_semaphore, #tpu.memory_space<semaphore_mem>>)
      %dma_wait3A = arith.constant 0 : i32
      %dma_wait3A_322 = tpu.memref_slice %arg5[%arg0, %add3A_251, %dma_wait3A] : memref<2x8192x128xf32, #tpu.memory_space<hbm>> -> memref<1x128x128xf32, #tpu.memory_space<hbm>>
      %dma_wait3A_323 = tpu.memref_squeeze %dma_wait3A_322 : memref<1x128x128xf32, #tpu.memory_space<hbm>> -> memref<128x128xf32, #tpu.memory_space<hbm>>
      %dma_wait3A_324 = arith.constant 0 : i32
      %dma_wait3A_325 = tpu.memref_slice %arg5[%arg0, %add3A_251, %dma_wait3A_324] : memref<2x8192x128xf32, #tpu.memory_space<hbm>> -> memref<1x128x128xf32, #tpu.memory_space<hbm>>
      %dma_wait3A_326 = tpu.memref_squeeze %dma_wait3A_325 : memref<1x128x128xf32, #tpu.memory_space<hbm>> -> memref<128x128xf32, #tpu.memory_space<hbm>>
      tpu.wait_dma2 semaphore(%run_scoped3A : memref<!tpu.dma_semaphore, #tpu.memory_space<semaphore_mem>>) src(%arg9 : memref<128x128xf32, #tpu.memory_space<vmem>>) dst(%dma_wait3A_326 : memref<128x128xf32, #tpu.memory_space<hbm>>)
      tpu.yield
    }) : () -> ()
    return
  }
}

</mosaic_0001>

<sc_bundles>
// kernel: _sc_scatter.3.cloned.1.call-start
scs
__scs_entry_jumppad:
0x0: {  	(pc) =	sbr.rel $0x88, $3  }
0x1: {  	(tag) =	ssettag $0x0;
	lr =	simm.s32 $0x1  }
0x2: {  	[smem:$0x3F9E] =	sst lr;
	_ =	strace $0xD0000000  }
0x3: {  	_ = 	snop  }
0x4: {  	_ = 	snop  }
0x5: {  	_ = 	snop  }
0x6: {  	_ = 	snop  }
0x7: {  	_ = 	snop  }
__scs_overlays_trampoline_lowered:
0x8: {  	[smem:$0x3FAD] =	sst s0  }
0x9: {  	[smem:$0x3FAE] =	sst s1  }
0xa: {  	[smem:$0x3FAF] =	sst s2  }
0xb: {  	[smem:$0x3FB0] =	sst s3  }
0xc: {  	[smem:$0x3FB1] =	sst s4  }
0xd: {  	[smem:$0x3FB2] =	sst s5  }
0xe: {  	[smem:$0x3FB3] =	sst s6  }
0xf: {  	[smem:$0x3FB4] =	sst s7  }
0x10: {  	[smem:$0x3FB5] =	sst s8  }
0x11: {  	[smem:$0x3FB6] =	sst s9;
	s0 =	simm.s32 @!p0 $0x0  }
0x12: {  	s1 =	sld [smem:$0x3F9C];
	s0 =	simm.s32 @p0 $0x1  }
0x13: {  	[smem:$0x3FB7] =	sst s0;
	s0 =	simm.s32 @!p1 $0x0  }
0x14: {  	s2 =	sld [smem:$0x3F9B];
	s0 =	simm.s32 @p1 $0x1  }
0x15: {  	[smem:$0x3FB8] =	sst s0;
	s0 =	simm.s32 @!p2 $0x0  }
0x16: {  	s3 =	sld [smem:$0x3FDB];
	s0 =	simm.s32 @p2 $0x1  }
0x17: {  	s4 =	simm.s32 $0x1BF5;
	[smem:$0x3FBA] =	sst s0  }
0x18: {  	s0 =	sld [smem:$0x3F9D];
	_ =	swait.ge [sflag:s4], $0x0  }
0x19: {  	s7 =	sld [smem:$0x3F9E]  }
0x1a: {  	s8 =	sadd.s32 $0xFFFFE003, lr  }
0x1b: {  	s9 =	sadd.s32 $0xFFFFFEF7, lr;
	s5 =	simm.s32 $0xFFFFFFFF;
	p2 =	slt.u32 s8, $0xFFFFF086  }
0x1c: {  	p1 =	slt.u32 s9, $0xF7A;
	s5 =	simm.s32 @!p2 $0x0  }
0x1d: {  	s5 =	simm.s32 @p1 $0x1;
	p0 =	seq.s32 s7, s2  }
0x1e: {  	s7 =	smul.u32 @!p0 $0xF7A, s2;
	p2 =	seq.s32 @!p0 s5, $0x0  }
0x1f: {  	s9 =	smul.u32 $0xF7A, s1;
	s8 =	simm.s32 @!p0 $0x1BF5;
	p2 =	por !p2, p0  }
0x20: {  	[sflag:s8] =	ssyncset.s32 @!p0 $0xFFFFF086;
	s6 =	sadd.s32 @!p0 s3, s7;
	s7 =	simm.s32 @!p0 $0x108  }
0x21: {  	s3 =	sadd.s32 s3, s9;
	s6 =	sadd.s32 @!p0 $0x88, s6;
	s7 =	simm.s32 @p2 $0x1082  }
0x22: {  	[simem:s7], [sflag:s8] =	dma.local @!p0 [hbm:s6], $0xF7A  }
0x23: {  	s9 =	sor.u32 $0xD0000000, s2;
	s6 =	simm.s32 $0x108;
	_ =	swait.ge @!p0 [sflag:s8], $0x0  }
0x24: {  	s3 =	sadd.s32 $0x88, s3;
	s6 =	simm.s32 @!p1 $0x1082;
	[sflag:s4] =	ssyncset.s32 $0xFFFFF086  }
0x25: {  	[simem:s6], [sflag:s4] =	dma.local [hbm:s3], $0xF7A  }
0x26: {  	[smem:$0x3F9E] =	sst s1;
	(tag) =	ssettag s2;
	_ =	strace s9  }
0x27: {  	s1 =	sld [smem:$0x3FAE]  }
0x28: {  	s2 =	sld [smem:$0x3FAF]  }
0x29: {  	s4 =	sld [smem:$0x3FB1]  }
0x2a: {  	p0 =	seq.s32 s5, $0x0;
	s5 =	sld [smem:$0x3FB2]  }
0x2b: {  	s6 =	sld [smem:$0x3FB3]  }
0x2c: {  	s7 =	sld [smem:$0x3FB4]  }
0x2d: {  	s3 =	simm.s32 $0x108;
	s8 =	sld [smem:$0x3FB5]  }
0x2e: {  	s3 =	simm.s32 @!p0 $0x1082;
	s9 =	sld [smem:$0x3FB6]  }
0x2f: {  	lr =	sadd.s32 s0, s3;
	s0 =	sld [smem:$0x3FAD]  }
0x30: {  	s3 =	sld [smem:$0x3FB0]  }
0x31: {  	[smem:$0x3FB9] =	sst s10  }
0x32: {  	s10 =	sld [smem:$0x3FB7];
	_ =	sdelay $0x3  }
0x33: {  	p0 =	seq.s32 s10, $0x1;
	s10 =	sld [smem:$0x3FB9];
	_ =	sdelay $0x3  }
0x34: {  	[smem:$0x3FB9] =	sst s10  }
0x35: {  	s10 =	sld [smem:$0x3FB8];
	_ =	sdelay $0x3  }
0x36: {  	p1 =	seq.s32 s10, $0x1;
	s10 =	sld [smem:$0x3FB9];
	_ =	sdelay $0x3  }
0x37: {  	[smem:$0x3FB9] =	sst s10  }
0x38: {  	s10 =	sld [smem:$0x3FBA]  }
0x39: {  	_ = 	snop;
	(pc) =	sbr.ind lr, $3  }
0x3a: {  	_ = 	snop  }
0x3b: {  	_ = 	snop  }
0x3c: {  	p2 =	seq.s32 s10, $0x1;
	s10 =	sld [smem:$0x3FB9]  }
0x3d: {  	_ =	shalt  }
0x3e: {  	_ =	shalt  }
0x3f: {  	_ =	shalt  }
0x40: {  	_ =	shalt  }
0x41: {  	_ =	shalt  }
0x42: {  	_ =	shalt  }
0x43: {  	_ =	shalt  }
0x44: {  	_ =	shalt  }
0x45: {  	_ =	shalt  }
0x46: {  	_ =	shalt  }
0x47: {  	_ =	shalt  }
0x48: {  	_ =	shalt  }
0x49: {  	_ =	shalt  }
0x4a: {  	_ =	shalt  }
0x4b: {  	_ =	shalt  }
0x4c: {  	_ =	shalt  }
0x4d: {  	_ =	shalt  }
0x4e: {  	_ =	shalt  }
0x4f: {  	_ =	shalt  }
0x50: {  	_ =	shalt  }
0x51: {  	_ =	shalt  }
0x52: {  	_ =	shalt  }
0x53: {  	_ =	shalt  }
0x54: {  	_ =	shalt  }
0x55: {  	_ =	shalt  }
0x56: {  	_ =	shalt  }
0x57: {  	_ =	shalt  }
0x58: {  	_ =	shalt  }
0x59: {  	_ =	shalt  }
0x5a: {  	_ =	shalt  }
0x5b: {  	_ =	shalt  }
0x5c: {  	_ =	shalt  }
0x5d: {  	_ =	shalt  }
0x5e: {  	_ =	shalt  }
0x5f: {  	_ =	shalt  }
0x60: {  	_ =	shalt  }
0x61: {  	_ =	shalt  }
0x62: {  	_ =	shalt  }
0x63: {  	_ =	shalt  }
0x64: {  	_ =	shalt  }
0x65: {  	_ =	shalt  }
0x66: {  	_ =	shalt  }
0x67: {  	_ =	shalt  }
0x68: {  	_ =	shalt  }
0x69: {  	_ =	shalt  }
0x6a: {  	_ =	shalt  }
0x6b: {  	_ =	shalt  }
0x6c: {  	_ =	shalt  }
0x6d: {  	_ =	shalt  }
0x6e: {  	_ =	shalt  }
0x6f: {  	_ =	shalt  }
0x70: {  	_ =	shalt  }
0x71: {  	_ =	shalt  }
0x72: {  	_ =	shalt  }
0x73: {  	_ =	shalt  }
0x74: {  	_ =	shalt  }
0x75: {  	_ =	shalt  }
0x76: {  	_ =	shalt  }
0x77: {  	_ =	shalt  }
0x78: {  	_ =	shalt  }
0x79: {  	_ =	shalt  }
0x7a: {  	_ =	shalt  }
0x7b: {  	_ =	shalt  }
0x7c: {  	_ =	shalt  }
0x7d: {  	_ =	shalt  }
0x7e: {  	_ =	shalt  }
0x7f: {  	_ =	shalt  }
0x80: {  	_ =	shalt  }
0x81: {  	_ =	shalt  }
0x82: {  	_ =	shalt  }
0x83: {  	_ =	shalt  }
0x84: {  	_ =	shalt  }
0x85: {  	_ =	shalt  }
0x86: {  	_ =	shalt  }
0x87: {  	_ =	shalt  }
.Lfunc_end0:
.L_simem_size_0:
called_computation_lowered:
.L_overlay_start_0:
0x88: {  	s2 =	sld [smem:$0x3FD9]  }
0x89: {  	s3 =	sld [smem:$0x3FFE];
	_ =	sdelay $0x1  }
0x8a: {  	s1 =	srdreg.scid  }
0x8b: {  	s0 =	sand.u32 $0x1, s1  }
0x8c: {  	s18 =	sshll.u32 s0, $0xA;
	s2 =	sadd.s32 s3, s2  }
0x8d: {  	s2 =	sadd.s32 s2, s18  }
0x8e: {  	[smem:$0x3FC5] =	sst s2  }
0x8f: {  	_ = 	snop  }
0x90: {  	s2 =	sld [smem:$0x3FC9]  }
0x91: {  	s19 =	sld [smem:$0x3FC8]  }
0x92: {  	s4 =	sld [smem:$0x3FC7]  }
0x93: {  	s5 =	sld [smem:$0x3FD0];
	(tm) =	ssettm $0x1  }
0x94: {  	s6 =	sld [smem:$0x3FFB];
	_ =	sdelay $0x3  }
0x95: {  	_ =	strace s6  }
0x96: {  	s6 =	sld [smem:$0x3FFC];
	_ =	sdelay $0x3  }
0x97: {  	_ =	strace s6  }
0x98: {  	s6 =	sld [smem:$0x3FFD];
	_ =	sdelay $0x3  }
0x99: {  	_ =	strace s6  }
0x9a: {  	_ =	strace $0x8FFFFFFF  }
0x9b: {  	s20 =	sld [smem:$0x3FDB];
	_ =	sdelay $0x1  }
0x9c: {  	s7 =	simm.s32 $_scs_section_size  }
0x9d: {  	s8 =	simm.s32 $_size__tile_overlayer_lowered;
	s9 =	simm.s32 $_tile_overlayer_lowered  }
0x9e: {  	s23 =	simm.s32 $0x1BFF;
	s22 =	sshll.u32 s9, $0x1;
	s6 =	sadd.s32 s7, s20  }
0x9f: {  	s10 =	simm.s32 $0x0;
	s21 =	sshll.u32 s8, $0x1;
	s8 =	sadd.s32 s22, s6  }
0xa0: {  	[timem:s10], [sflag:s23] =	dma.local [hbm:s8], s21  }
0xa1: {  	_ =	swait.ge [sflag:s23], s21  }
0xa2: {  	s7 =	ssub.s32 $0x0, s21;
	[sflag:s23] =	ssyncset.done $0x0  }
0xa3: {  	[sflag:s23] =	ssyncadd.s32 s7;
	_ =	sdelay $0x1  }
0xa4: {  	s24 =	simm.s32 $0x1B8B  }
0xa5: {  	_ =	swait.ge [sflag:s24], $0x1  }
0xa6: {  	[sflag:s24] =	ssyncset.done $0x0  }
0xa7: {  	s25 =	simm.s32 $0x1B8E;
	[sflag:s24] =	ssyncadd.s32 $0xFFFFFFFF  }
0xa8: {  	s26 =	simm.s32 $execute0_lowered;
	[smem:$0x3FD2] =	sst s25  }
0xa9: {  	s7 =	sshll.u32 s26, $0x1;
	_ =	strace $0x80000046;
	[dreg:$0x1] =	wrdreg $0xFFFFFFFF  }
0xaa: {  	s28 =	simm.s32 $_size_execute0_lowered;
	s6 =	sadd.s32 s6, s7;
	[dreg:$0x0] =	wrdreg $0x0  }
0xab: {  	s7 =	sshll.u32 s28, $0x1;
	[dreg:$0x2] =	wrdreg s6  }
0xac: {  	[dreg:$0x3] =	wrdreg s7  }
0xad: {  	[dreg:$0x4] =	wrdreg $0xC0  }
0xae: {  	_ =	task [dreg:s10], $0x5FFFF  }
0xaf: {  	[dreg:$0x1] =	wrdreg $0xFFFFFFFF  }
0xb0: {  	[dreg:$0x0] =	wrdreg $0x60  }
0xb1: {  	[dreg:$0x2] =	wrdreg s2  }
0xb2: {  	[dreg:$0x3] =	wrdreg s19  }
0xb3: {  	[dreg:$0x4] =	wrdreg s4  }
0xb4: {  	[dreg:$0x5] =	wrdreg s5  }
0xb5: {  	[dreg:$0x6] =	wrdreg $0x83000  }
0xb6: {  	[dreg:$0x7] =	wrdreg $0x9  }
0xb7: {  	_ =	task.clear_ibuf [dreg:s10], $0x8FFFF;
	_ =	strace $0x90000046  }
0xb8: {  	s29 =	simm.s32 $0x9;
	_ =	strace $0x80000048  }
0xb9: {  	_ =	swait.ge [sflag:s29], $0x1  }
0xba: {  	[sflag:s29] =	ssyncadd.s32 $0xFFFFFFFF  }
0xbb: {  	_ =	strace $0x90000048  }
0xbc: {  	_ =	sfence  }
0xbd: {  	s30 =	sld [smem:$0x0];
	_ =	sdelay $0x2  }
0xbe: {  	s31 =	sshll.u32 s1, $0xD;
	s1 =	sshrl.u32 s1, $0x2  }
0xbf: {  	s3 =	sand.u32 $0x4000, s31;
	s1 =	sadd.s32 s1, s30  }
0xc0: {  	s0 =	sor.u32 s3, s0;
	s1 =	sshll.u32 s1, $0x11  }
0xc1: {  	s0 =	sor.u32 s1, s0  }
0xc2: {  	s0 =	sadd.s32 $0x8F2B, s0  }
0xc3: {  	[sflag:s0] =	ssyncadd.remote.s32 $0x1  }
0xc4: {  	_ =	sfence.sel $0xFFFF  }
0xc5: {  	[dreg:$0x0] =	wrdreg $0xFFFFFFFF;
	(pc) =	sbr.abs _section_cstart, $3  }
0xc6: {  	[dreg:$0x1] =	wrdreg $0xFFFFFFFF  }
0xc7: {  	_ =	task.clear_ibuf [dreg:s10], $0x2FFFF;
	_ =	strace $0x9FFFFFFF  }
0xc8: {  	(tm) =	ssettm $0x7FFFFFFF  }
0xc9: {  	_ =	shalt  }
tec
execute0_lowered:
.L_overlay_start_1:
0x0: {  	(tag) =	ssettag $0x1  }
0x1: {  	s5 =	rddreg [dreg:$0x0]  }
0x2: {  	s12 =	rddreg [dreg:$0x1]  }
0x3: {  	s1 =	rddreg [dreg:$0x2]  }
0x4: {  	s9 =	rddreg [dreg:$0x3]  }
0x5: {  	s2 =	rddreg [dreg:$0x4];
	s3 =	simm.s32 $0x0;
	s4 =	srdreg.scid  }
0x6: {  	[smem:$0x7FF] =	sst s3;
	s7 =	sand.u32 $0x1, s4;
	s4 =	stileid.u32  }
0x7: {  	_ =	strace $0x80000047;
	s8 =	ssub.s32 $0x2, s7;
	s11 =	sshll.u32 s7, $0xD  }
0x8: {  	s6 =	sshll.u32 s4, $0x7;
	s16 =	sshll.u32 s7, $0x14;
	s30 =	sshll.u32 s4, $0x10  }
0x9: {  	v8 =	vlaneseq.u32;
	s10 =	sshrl.u32 s8, $0x1;
	s23 =	ssub.s32 $0x0, s11;
	s18 =	sor.u32 $0x10, s6  }
0xa: {  	s19 =	sor.u32 $0x20, s6;
	s20 =	sor.u32 $0x30, s6;
	s21 =	sor.u32 $0x40, s6;
	v0 =	vor.u32 s18, v8  }
0xb: {  	s22 =	sor.u32 $0x50, s6;
	s24 =	sor.u32 $0x60, s6;
	s11 =	sshll.u32 s4, $0x9;
	[tilespmem:$0x1FE70] =	vst v0;
	v0 =	vor.u32 s19, v8  }
0xc: {  	s10 =	ssub.s32 s8, s10;
	s8 =	sor.u32 s30, s16;
	s15 =	sor.u32 $0x80, s11;
	[tilespmem:$0x1FE80] =	vst v0;
	v0 =	vor.u32 s20, v8  }
0xd: {  	s13 =	sor.u32 $0x100, s11;
	s14 =	sor.u32 $0x180, s11;
	s31 =	sshll.u32 s15, $0x7;
	[tilespmem:$0x1FE90] =	vst v0;
	v0 =	vor.u32 s21, v8  }
0xe: {  	s0 =	sshll.u32 s13, $0x7;
	s25 =	sshll.u32 s14, $0x7;
	s17 =	sor.u32 s16, s31;
	[tilespmem:$0x1FEA0] =	vst v0;
	v0 =	vor.u32 s22, v8  }
0xf: {  	s7 =	sor.u32 s16, s0;
	s16 =	sor.u32 s16, s25;
	s25 =	sor.u32 $0x70, s6;
	[tilespmem:$0x1FEB0] =	vst v0;
	v0 =	vor.u32 s24, v8  }
0x10: {  	s26 =	sor.u32 $0x800, s6;
	[tilespmem:$0x1FEC0] =	vst v0;
	v0 =	vor.u32 s25, v8  }
0x11: {  	s29 =	sshll.u32 s4, $0xB;
	s28 =	sor.u32 $0x810, s6;
	[tilespmem:$0x1FED0] =	vst v0;
	v0 =	vor.u32 s26, v8  }
0x12: {  	s5 =	sadd.s32 s5, s29;
	s29 =	sor.u32 $0x820, s6;
	[tilespmem:$0x1FEE0] =	vst v0;
	v0 =	vor.u32 s28, v8  }
0x13: {  	s30 =	sor.u32 $0x830, s6;
	[tilespmem:$0x1FEF0] =	vst v0;
	v0 =	vor.u32 s29, v8  }
0x14: {  	p0 =	sgt.u32 s4, $0x1;
	s18 =	sor.u32 $0x860, s6;
	s31 =	sor.u32 $0x840, s6;
	[tilespmem:$0x1FF00] =	vst v0;
	v0 =	vor.u32 s30, v8  }
0x15: {  	s19 =	sor.u32 $0x870, s6;
	s8 =	sshrl.u32 s8, $0x3;
	s0 =	sor.u32 $0x850, s6;
	[tilespmem:$0x1FF10] =	vst v0;
	v0 =	vor.u32 s31, v8  }
0x16: {  	v47 =	vor.u32 s15, v8;
	s15 =	sor.u32 $0x160, s11;
	v55 =	vor.u32 s13, v8;
	s10 =	smax.u32 s10, $0x1;
	s13 =	simm.s32 $0x300;
	[tilespmem:$0x1FF20] =	vst v0;
	v0 =	vor.u32 s0, v8  }
0x17: {  	s20 =	sor.u32 $0x1000, s6;
	v62 =	vor.u32 s15, v8;
	s15 =	simm.s32 $0x80;
	s21 =	sor.u32 $0x1010, s6;
	[tilespmem:$0x1FF30] =	vst v0;
	v0 =	vor.u32 s18, v8  }
0x18: {  	s16 =	sshrl.u32 s16, $0x3;
	s22 =	sor.u32 $0x1020, s6;
	s24 =	sor.u32 $0x1030, s6;
	[tilespmem:$0x1FF40] =	vst v0;
	v0 =	vor.u32 s19, v8  }
0x19: {  	s25 =	sor.u32 $0x1040, s6;
	s0 =	sor.u32 $0x1820, s6;
	s18 =	sor.u32 $0x1830, s6;
	[tilespmem:$0x1FF50] =	vst v0;
	v0 =	vor.u32 s20, v8  }
0x1a: {  	s26 =	sor.u32 $0x1050, s6;
	v25 =	vor.u32 s0, v8;
	s0 =	sor.u32 $0x2060, s6;
	s19 =	sor.u32 $0x1840, s6;
	v27 =	vor.u32 s18, v8;
	[tilespmem:$0x1FF60] =	vst v0;
	v0 =	vor.u32 s21, v8  }
0x1b: {  	s28 =	sor.u32 $0x1060, s6;
	s18 =	sor.u32 $0x20, s11;
	v38 =	vor.u32 s0, v8;
	s0 =	sor.u32 $0x90, s11;
	v28 =	vor.u32 s19, v8;
	[tilespmem:$0x1FF70] =	vst v0;
	v0 =	vor.u32 s22, v8  }
0x1c: {  	s29 =	sor.u32 $0x1070, s6;
	s20 =	sor.u32 $0x1850, s6;
	s19 =	sor.u32 $0x30, s11;
	v41 =	vor.u32 s18, v8;
	v48 =	vor.u32 s0, v8;
	[tilespmem:$0x1FF80] =	vst v0;
	v0 =	vor.u32 s24, v8  }
0x1d: {  	s30 =	sor.u32 $0x1800, s6;
	s21 =	sor.u32 $0x1860, s6;
	v29 =	vor.u32 s20, v8;
	s20 =	sor.u32 $0x40, s11;
	v42 =	vor.u32 s19, v8;
	[tilespmem:$0x1FF90] =	vst v0;
	v0 =	vor.u32 s25, v8  }
0x1e: {  	s31 =	sor.u32 $0x1810, s6;
	s19 =	sor.u32 $0xE0, s11;
	s22 =	sor.u32 $0x1870, s6;
	v30 =	vor.u32 s21, v8;
	v43 =	vor.u32 s20, v8;
	[tilespmem:$0x1FFA0] =	vst v0;
	v0 =	vor.u32 s26, v8  }
0x1f: {  	s18 =	sshrl.u32 s7, $0x3;
	s21 =	sor.u32 $0x50, s11;
	s20 =	sor.u32 $0xF0, s11;
	v53 =	vor.u32 s19, v8;
	v31 =	vor.u32 s22, v8;
	[tilespmem:$0x1FFB0] =	vst v0;
	v0 =	vor.u32 s28, v8  }
0x20: {  	s0 =	sor.u32 $0x150, s11;
	s24 =	sor.u32 $0x2000, s6;
	s22 =	sor.u32 $0x60, s11;
	v44 =	vor.u32 s21, v8;
	v54 =	vor.u32 s20, v8;
	[tilespmem:$0x1FFC0] =	vst v0;
	v0 =	vor.u32 s29, v8  }
0x21: {  	s19 =	simm.s32 $0x200;
	s21 =	sor.u32 $0x110, s11;
	s20 =	sor.u32 $0x1E0, s11;
	v32 =	vor.u32 s24, v8;
	v45 =	vor.u32 s22, v8;
	[tilespmem:$0x1FFD0] =	vst v0;
	v0 =	vor.u32 s30, v8  }
0x22: {  	s25 =	sor.u32 $0x2010, s6;
	s24 =	sor.u32 $0x70, s11;
	s22 =	sor.u32 $0x130, s11;
	v56 =	vor.u32 s21, v8;
	v7 =	vor.u32 s20, v8;
	[tilespmem:$0x1FFE0] =	vst v0;
	v0 =	vor.u32 s31, v8  }
0x23: {  	s21 =	sor.u32 $0x1F0, s11;
	s20 =	simm.s32 $0x2;
	s26 =	sor.u32 $0x2020, s6;
	v33 =	vor.u32 s25, v8;
	v46 =	vor.u32 s24, v8;
	[tilespmem:$0x1FFF0] =	vst v0;
	v0 =	vimm.f32 $8.000000110e-01  }
0x24: {  	s25 =	sor.u32 $0xA0, s11;
	s24 =	sor.u32 $0x140, s11;
	v59 =	vor.u32 s22, v8;
	s22 =	simm.s32 $0x0;
	(erf) = vrcp.f32 v0;
	v0 =	vimm.f32 $2.000000000e+01  }
0x25: {  	s28 =	sor.u32 $0x2030, s6;
	v34 =	vor.u32 s26, v8;
	s26 =	sor.u32 $0xB0, s11;
	v49 =	vor.u32 s25, v8;
	s25 =	sor.u32 $0x170, s11;
	(erf) = vrcp.f32 v0  }
0x26: {  	v60 =	vor.u32 s24, v8;
	s24 =	sshll.u32 s4, $0x6;
	s29 =	sor.u32 $0x2040, s6;
	v50 =	vor.u32 s26, v8;
	s26 =	sor.u32 $0x1A0, s11  }
0x27: {  	v35 =	vor.u32 s28, v8;
	s28 =	sor.u32 $0x1B0, s11;
	s12 =	sadd.s32 s24, s12;
	s30 =	sor.u32 $0x2050, s6  }
0x28: {  	v26 =	vor.u32 s6, v8;
	v36 =	vor.u32 s29, v8;
	s29 =	sor.u32 $0xC0, s11;
	s31 =	sor.u32 $0x2070, s6;
	s6 =	sadd.s32 s9, s8  }
0x29: {  	v57 =	vor.u32 s11, v8;
	v9 =	vmov s23;
	s8 =	sshrl.u32 s17, $0x3;
	s17 =	sor.u32 $0x10, s11;
	v37 =	vor.u32 s30, v8;
	s30 =	sor.u32 $0xD0, s11  }
.Ltmp0:
0x2a: {  	v61 =	vor.u32 s0, v8;
	v63 =	vor.u32 s25, v8;
	v51 =	vor.u32 s29, v8;
	s29 =	sor.u32 $0x1C0, s11;
	s7 =	sadd.s32 s9, s8;
	(pc) =	sbr.rel .LBB2_1-.Ltmp0, $4  }
0x2b: {  	v2 =	vor.u32 s26, v8;
	v3 =	vor.u32 s28, v8;
	v39 =	vor.u32 s31, v8;
	s8 =	sadd.s32 s9, s18;
	s31 =	sor.u32 $0x120, s11;
	s18 =	sor.u32 $0x190, s11  }
0x2c: {  	v40 =	vor.u32 s17, v8;
	v52 =	vor.u32 s30, v8;
	s9 =	sadd.s32 s9, s16;
	s30 =	sor.u32 $0x1D0, s11;
	s11 =	sor.u32 $0x20, s4;
	v4 =	vor.u32 s29, v8  }
0x2d: {  	s16 =	simm.s32 $0x280;
	s17 =	simm.s32 $0x4;
	v58 =	vor.u32 s31, v8;
	s31 =	sor.u32 $0x2000, s4;
	v1 =	vor.u32 s18, v8;
	v6 =	vor.u32 s30, v8;
	v5 =	vpop (erf)  }
0x2e: {  	s18 =	simm.s32 $0x1;
	v0 =	vor.u32 s14, v8;
	s14 =	simm.s32 $0x3;
	v8 =	vor.u32 s21, v8;
	s21 =	simm.s32 $0x4300;
	v10 =	vmov s31;
	v11 =	vpop (erf)  }
.LBB2_5:
0x2f: {  	[bflag:$0x0] =	sbarrier.arrive $0xFFFF  }
0x30: {  	[tilespmem:$0x280] =	vst v57  }
0x31: {  	[tilespmem:$0x290] =	vst v40  }
0x32: {  	[tilespmem:$0x2A0] =	vst v41  }
0x33: {  	[tilespmem:$0x2B0] =	vst v42  }
0x34: {  	[tilespmem:$0x2C0] =	vst v43  }
0x35: {  	[tilespmem:$0x2D0] =	vst v44  }
0x36: {  	[tilespmem:$0x2E0] =	vst v45  }
0x37: {  	[tilespmem:$0x2F0] =	vst v46  }
0x38: {  	[tilespmem:s13], [sflag:$0x3] =	stream.indirect.gather [spmem:s2], $0x80, s16, s15, $0xb8;
	[tilespmem:$0x18B00] =	vst v63  }
0x39: {  	_ =	swait.ge [sflag:s14], $0x4000  }
0x3a: {  	[sflag:s14] =	ssyncset.done $0x0  }
0x3b: {  	[sflag:s14] =	ssyncadd.s32 $0xFFFFC000  }
0x3c: {  	[hbm4b:s6+s3] =	stream.linear.scatter [tilespmem:s13], [sflag:$0x3], $0x4000, $0x38;
	[tilespmem:$0x18B00] =	vst v63  }
0x3d: {  	_ =	swait.ge [sflag:s14], $0x4000  }
0x3e: {  	[sflag:s14] =	ssyncset.done $0x0  }
0x3f: {  	[sflag:s14] =	ssyncadd.s32 $0xFFFFC000  }
0x40: {  	[tilespmem:$0x280] =	vst v47  }
0x41: {  	[tilespmem:$0x290] =	vst v48  }
0x42: {  	[tilespmem:$0x2A0] =	vst v49  }
0x43: {  	[tilespmem:$0x2B0] =	vst v50  }
0x44: {  	[tilespmem:$0x2C0] =	vst v51  }
0x45: {  	[tilespmem:$0x2D0] =	vst v52  }
0x46: {  	[tilespmem:$0x2E0] =	vst v53  }
0x47: {  	[tilespmem:$0x2F0] =	vst v54  }
0x48: {  	[tilespmem:s13], [sflag:$0x3] =	stream.indirect.gather [spmem:s2], $0x80, s16, s15, $0xb8;
	[tilespmem:$0x18B00] =	vst v63  }
0x49: {  	_ =	swait.ge [sflag:s14], $0x4000  }
0x4a: {  	[sflag:s14] =	ssyncset.done $0x0  }
0x4b: {  	[sflag:s14] =	ssyncadd.s32 $0xFFFFC000  }
0x4c: {  	[hbm4b:s7+s3] =	stream.linear.scatter [tilespmem:s13], [sflag:$0x3], $0x4000, $0x38;
	[tilespmem:$0x18B00] =	vst v63  }
0x4d: {  	_ =	swait.ge [sflag:s14], $0x4000  }
0x4e: {  	[sflag:s14] =	ssyncset.done $0x0  }
0x4f: {  	[sflag:s14] =	ssyncadd.s32 $0xFFFFC000  }
0x50: {  	[tilespmem:$0x280] =	vst v55  }
0x51: {  	[tilespmem:$0x290] =	vst v56  }
0x52: {  	[tilespmem:$0x2A0] =	vst v58  }
0x53: {  	[tilespmem:$0x2B0] =	vst v59  }
0x54: {  	[tilespmem:$0x2C0] =	vst v60  }
0x55: {  	[tilespmem:$0x2D0] =	vst v61  }
0x56: {  	[tilespmem:$0x2E0] =	vst v62  }
0x57: {  	[tilespmem:$0x2F0] =	vst v63  }
0x58: {  	[tilespmem:s13], [sflag:$0x3] =	stream.indirect.gather [spmem:s2], $0x80, s16, s15, $0xb8;
	[tilespmem:$0x18B00] =	vst v63  }
0x59: {  	_ =	swait.ge [sflag:s14], $0x4000  }
0x5a: {  	[sflag:s14] =	ssyncset.done $0x0  }
0x5b: {  	[sflag:s14] =	ssyncadd.s32 $0xFFFFC000  }
0x5c: {  	[hbm4b:s8+s3] =	stream.linear.scatter [tilespmem:s13], [sflag:$0x3], $0x4000, $0x38;
	[tilespmem:$0x18B00] =	vst v63  }
0x5d: {  	_ =	swait.ge [sflag:s14], $0x4000  }
0x5e: {  	[sflag:s14] =	ssyncset.done $0x0  }
0x5f: {  	[sflag:s14] =	ssyncadd.s32 $0xFFFFC000  }
0x60: {  	[tilespmem:$0x280] =	vst v0  }
0x61: {  	[tilespmem:$0x290] =	vst v1  }
0x62: {  	[tilespmem:$0x2A0] =	vst v2  }
0x63: {  	[tilespmem:$0x2B0] =	vst v3  }
0x64: {  	[tilespmem:$0x2C0] =	vst v4  }
0x65: {  	[tilespmem:$0x2D0] =	vst v6  }
0x66: {  	[tilespmem:$0x2E0] =	vst v7  }
0x67: {  	[tilespmem:$0x2F0] =	vst v8  }
0x68: {  	[tilespmem:s13], [sflag:$0x3] =	stream.indirect.gather [spmem:s2], $0x80, s16, s15, $0xb8;
	[tilespmem:$0x18B00] =	vst v63  }
0x69: {  	s22 =	sadd.s32 $0x1, s22;
	_ =	swait.ge [sflag:s14], $0x4000  }
0x6a: {  	p1 =	sne.s32 s22, s10;
	[sflag:s14] =	ssyncset.done $0x0  }
.Ltmp1:
0x6b: {  	[sflag:s14] =	ssyncadd.s32 $0xFFFFC000;
	(pc) =	sbr.rel @!p1 .LBB2_6-.Ltmp1, $4  }
0x6c: {  	[hbm4b:s9+s3] =	stream.linear.scatter [tilespmem:s13], [sflag:$0x3], $0x4000, $0x38;
	[tilespmem:$0x18B00] =	vst v63  }
0x6d: {  	_ =	swait.ge [sflag:s14], $0x4000  }
0x6e: {  	[sflag:s14] =	ssyncset.done $0x0  }
0x6f: {  	[sflag:s14] =	ssyncadd.s32 $0xFFFFC000  }
.LBB2_1:
0x70: {  	[tilespmem:s13], [sflag:$0x3] =	stream.linear.gather [hbm4b:s1+s3], $0x4000, $0x38;
	[tilespmem:$0x18B00] =	vst v63  }
0x71: {  	_ =	swait.ge [sflag:s14], $0x4000  }
0x72: {  	v12 =	vld [tilespmem:$0x1FE70]  }
0x73: {  	v16 =	vld [tilespmem:$0x1FE80]  }
0x74: {  	[sflag:s14] =	ssyncset.done $0x0;
	v17 =	vld [tilespmem:$0x1FE90]  }
0x75: {  	v18 =	vld [tilespmem:$0x1FEA0];
	[sflag:s14] =	ssyncadd.s32 $0xFFFFC000  }
0x76: {  	v19 =	vld [tilespmem:$0x1FEB0];
	[tilespmem:$0x280] =	vst v26  }
0x77: {  	v20 =	vld [tilespmem:$0x1FEC0];
	[tilespmem:$0x290] =	vst v12  }
0x78: {  	v21 =	vld [tilespmem:$0x1FED0];
	[tilespmem:$0x2A0] =	vst v16  }
0x79: {  	[tilespmem:$0x2B0] =	vst v17  }
0x7a: {  	[tilespmem:$0x2C0] =	vst v18  }
0x7b: {  	[tilespmem:$0x2D0] =	vst v19  }
0x7c: {  	[tilespmem:$0x2E0] =	vst v20  }
0x7d: {  	[tilespmem:$0x2F0] =	vst v21  }
0x7e: {  	[spmem:s2] =	stream.indirect.scatter [tilespmem:s13], [sflag:$0x3], $0x80, s16, s15, $0xb8;
	[tilespmem:$0x18B00] =	vst v63  }
0x7f: {  	_ =	swait.ge [sflag:s14], $0x4000  }
0x80: {  	v22 =	vld [tilespmem:$0x1FEE0]  }
0x81: {  	v23 =	vld [tilespmem:$0x1FEF0]  }
0x82: {  	v16 =	vld [tilespmem:$0x1FF00]  }
0x83: {  	[sflag:s14] =	ssyncset.done $0x0;
	v17 =	vld [tilespmem:$0x1FF10]  }
0x84: {  	v18 =	vld [tilespmem:$0x1FF20];
	[sflag:s14] =	ssyncadd.s32 $0xFFFFC000  }
0x85: {  	v19 =	vld [tilespmem:$0x1FF30];
	[tilespmem:$0x280] =	vst v22  }
0x86: {  	v20 =	vld [tilespmem:$0x1FF40];
	[tilespmem:$0x290] =	vst v23  }
0x87: {  	v21 =	vld [tilespmem:$0x1FF50];
	[tilespmem:$0x2A0] =	vst v16  }
0x88: {  	[tilespmem:$0x2B0] =	vst v17  }
0x89: {  	[tilespmem:$0x2C0] =	vst v18  }
0x8a: {  	[tilespmem:$0x2D0] =	vst v19  }
0x8b: {  	[tilespmem:$0x2E0] =	vst v20  }
0x8c: {  	[tilespmem:$0x2F0] =	vst v21  }
0x8d: {  	[spmem:s2] =	stream.indirect.scatter [tilespmem:s13], [sflag:$0x3], $0x80, s16, s15, $0xb8;
	[tilespmem:$0x18B00] =	vst v63  }
0x8e: {  	_ =	swait.ge [sflag:s14], $0x4000  }
0x8f: {  	v22 =	vld [tilespmem:$0x1FF60]  }
0x90: {  	v23 =	vld [tilespmem:$0x1FF70]  }
0x91: {  	v16 =	vld [tilespmem:$0x1FF80]  }
0x92: {  	[sflag:s14] =	ssyncset.done $0x0;
	v17 =	vld [tilespmem:$0x1FF90]  }
0x93: {  	v18 =	vld [tilespmem:$0x1FFA0];
	[sflag:s14] =	ssyncadd.s32 $0xFFFFC000  }
0x94: {  	v19 =	vld [tilespmem:$0x1FFB0];
	[tilespmem:$0x280] =	vst v22  }
0x95: {  	v20 =	vld [tilespmem:$0x1FFC0];
	[tilespmem:$0x290] =	vst v23  }
0x96: {  	v21 =	vld [tilespmem:$0x1FFD0];
	[tilespmem:$0x2A0] =	vst v16  }
0x97: {  	[tilespmem:$0x2B0] =	vst v17  }
0x98: {  	[tilespmem:$0x2C0] =	vst v18  }
0x99: {  	[tilespmem:$0x2D0] =	vst v19  }
0x9a: {  	[tilespmem:$0x2E0] =	vst v20  }
0x9b: {  	[tilespmem:$0x2F0] =	vst v21  }
0x9c: {  	[spmem:s2] =	stream.indirect.scatter [tilespmem:s13], [sflag:$0x3], $0x80, s16, s15, $0xb8;
	[tilespmem:$0x18B00] =	vst v63  }
0x9d: {  	_ =	swait.ge [sflag:s14], $0x4000  }
0x9e: {  	[sflag:s14] =	ssyncset.done $0x0  }
0x9f: {  	[sflag:s14] =	ssyncadd.s32 $0xFFFFC000  }
0xa0: {  	[tilespmem:$0x2A0] =	vst v25  }
0xa1: {  	v22 =	vld [tilespmem:$0x1FFE0];
	[tilespmem:$0x2B0] =	vst v27  }
0xa2: {  	v23 =	vld [tilespmem:$0x1FFF0];
	[tilespmem:$0x2C0] =	vst v28  }
0xa3: {  	[tilespmem:$0x2D0] =	vst v29  }
0xa4: {  	[tilespmem:$0x2E0] =	vst v30  }
0xa5: {  	[tilespmem:$0x2F0] =	vst v31  }
0xa6: {  	[tilespmem:$0x280] =	vst v22  }
0xa7: {  	[tilespmem:$0x290] =	vst v23  }
0xa8: {  	[spmem:s2] =	stream.indirect.scatter [tilespmem:s13], [sflag:$0x3], $0x80, s16, s15, $0xb8;
	[tilespmem:$0x18B00] =	vst v63  }
0xa9: {  	_ =	swait.ge [sflag:s14], $0x4000  }
0xaa: {  	[sflag:s14] =	ssyncset.done $0x0  }
0xab: {  	[sflag:s14] =	ssyncadd.s32 $0xFFFFC000  }
0xac: {  	[tilespmem:$0x280] =	vst @!p0 v32  }
0xad: {  	[tilespmem:$0x290] =	vst @!p0 v33  }
0xae: {  	[tilespmem:$0x2A0] =	vst @!p0 v34  }
0xaf: {  	[tilespmem:$0x2B0] =	vst @!p0 v35  }
0xb0: {  	[tilespmem:$0x2C0] =	vst @!p0 v36  }
0xb1: {  	[tilespmem:$0x2D0] =	vst @!p0 v37  }
0xb2: {  	[tilespmem:$0x2E0] =	vst @!p0 v38  }
0xb3: {  	s0 =	simm.s32 @!p0 $0x80;
	s23 =	simm.s32 @!p0 $0x280;
	s24 =	simm.s32 @!p0 $0x300;
	[tilespmem:$0x2F0] =	vst @!p0 v39  }
0xb4: {  	[spmem:s2] =	stream.indirect.scatter @!p0 [tilespmem:s24], [sflag:$0x3], $0x80, s23, s0, $0xb8;
	[tilespmem:$0x18B00] =	vst v63  }
0xb5: {  	s0 =	simm.s32 @!p0 $0x3  }
.Ltmp2:
0xb6: {  	_ =	swait.ge @!p0 [sflag:s0], $0x4000;
	(pc) =	sbr.rel .LBB2_2-.Ltmp2, $4  }
0xb7: {  	[sflag:s0] =	ssyncset.done @!p0 $0x0  }
0xb8: {  	s25 =	simm.s32 $0x0;
	[sflag:s0] =	ssyncadd.s32 @!p0 $0xFFFFC000  }
0xb9: {  	s23 =	smov.u32 s12;
	s24 =	smov.u32 s11;
	[bflag:$0x0] =	sbarrier.arrive $0xFFFF  }
0xba: {  	[tilespmem:s13], [sflag:$0x1] =	stream.linear.gather [hbm4b:s5+s3], $0x4000, $0x38;
	[tilespmem:$0x18B00] =	vst v63  }
.LBB2_4:
0xbb: {  	s25 =	sadd.s32 $0x10000, s25  }
0xbc: {  	p1 =	sne.s32 s25, $0x7A0000  }
.Ltmp3:
0xbd: {  	_ = 	snop;
	(pc) =	sbr.rel @!p1 .LBB2_5-.Ltmp3, $2  }
0xbe: {  	_ =	sdelay $0x2  }
0xbf: {  	s24 =	sadd.s32 $0x20, s24;
	s23 =	sadd.s32 $0x800, s23  }
.LBB2_2:
0xc0: {  	s0 =	sadd.s32 $0xFFFFFFF0, s24  }
0xc1: {  	p1 =	sgt.u32 s0, $0xF35  }
0xc2: {  	s0 =	sadd.s32 @!p1 s25, s5  }
0xc3: {  	s26 =	simm.s32 @!p1 $0x0;
	s28 =	simm.s32 @!p1 $0x4300;
	s0 =	sadd.s32 @!p1 $0x8000, s0  }
0xc4: {  	[tilespmem:s28], [sflag:$0x2] =	stream.linear.gather @!p1 [hbm4b:s0+s26], $0x4000, $0x38;
	[tilespmem:$0x18B00] =	vst v63  }
0xc5: {  	_ = 	snop  }
0xc6: {  	[tilespmem:s3], [sflag:$0x4] =	stream.linear.gather [hbm4b:s23+s3], $0x200, $0x38;
	[tilespmem:$0x18B00] =	vst v63  }
0xc7: {  	_ =	swait.ge [sflag:s17], $0x200  }
0xc8: {  	[sflag:s17] =	ssyncset.done $0x0  }
0xc9: {  	[sflag:s17] =	ssyncadd.s32 $0xFFFFFE00  }
0xca: {  	v12 =	vld [tilespmem:$0x0]  }
0xcb: {  	v13 =	vld [tilespmem:$0x80]  }
0xcc: {  	v14 =	vld [tilespmem:$0x100]  }
0xcd: {  	v15 =	vld [tilespmem:$0x10]  }
0xce: {  	v16 =	vld [tilespmem:$0x90];
	_ =	sdelay $0x2  }
0xcf: {  	v17 =	vld [tilespmem:$0x110];
	v12 =	vmul.f32 $1.024000020e+02, v12;
	v13 =	vmul.f32 $1.024000020e+02, v13  }
0xd0: {  	v14 =	vmul.f32 $2.000000000e+01, v14;
	v15 =	vmul.f32 $1.024000020e+02, v15  }
0xd1: {  	v16 =	vmul.f32 $1.024000020e+02, v16;
	v12 =	vmul.f32 $1.100000020e+00, v12  }
0xd2: {  	v18 =	vld [tilespmem:$0x180];
	v13 =	vmul.f32 $1.100000020e+00, v13;
	v14 =	vmul.f32 $1.100000020e+00, v14  }
0xd3: {  	v15 =	vmul.f32 $1.100000020e+00, v15;
	v16 =	vmul.f32 $1.100000020e+00, v16;
	v12 =	vadd.f32 $-5.631999970e+01, v12  }
0xd4: {  	v17 =	vmul.f32 $2.000000000e+01, v17;
	v13 =	vadd.f32 $-5.631999970e+01, v13;
	v14 =	vadd.f32 $-1.100000000e+01, v14  }
0xd5: {  	v15 =	vadd.f32 $-5.631999970e+01, v15;
	v16 =	vadd.f32 $-5.631999970e+01, v16  }
0xd6: {  	v20 =	vmul.f32 $1.100000020e+00, v17;
	v12 =	vadd.f32 $5.120000080e+01, v12;
	v13 =	vadd.f32 $5.120000080e+01, v13  }
0xd7: {  	vm14 =	vgt.f32 v18, $5.000000000e-01;
	v14 =	vadd.f32 $1.000000000e+01, v14;
	v23 =	vadd.f32 $5.120000080e+01, v16  }
0xd8: {  	v16 =	vadd.f32 $-1.100000000e+01, v20;
	v12 =	vmul.f32 v12, v5;
	v13 =	vmul.f32 v13, v5  }
0xd9: {  	v22 =	vadd.f32 $5.120000080e+01, v15;
	v14 =	vmul.f32 v14, v11;
	v15 =	vmul.f32 v23, v5  }
0xda: {  	v16 =	vadd.f32 $1.000000000e+01, v16;
	vm0 =	vge.f32 v12, $0.0e+00;
	vm1 =	vge.f32 v13, $0.0e+00  }
0xdb: {  	vm2 =	vlt.f32 v12, $1.280000000e+02;
	vm11 =	vlt.f32 v13, $1.280000000e+02;
	v12 =	vtrunc.f32 v12  }
0xdc: {  	v13 =	vtrunc.f32 v13;
	vm12 =	vge.f32 v14, $0.0e+00;
	vm13 =	vlt.f32 v14, $1.000000000e+00  }
0xdd: {  	v14 =	vmul.f32 v22, v5;
	vm3 =	vge.f32 v15, $0.0e+00;
	v16 =	vmul.f32 v16, v11  }
0xde: {  	v21 =	vld [tilespmem:$0x20];
	vm9 =	vlt.f32 v15, $1.280000000e+02;
	v15 =	vtrunc.f32 v15;
	v12 =	vcvt.f32.s32 v12  }
0xdf: {  	v19 =	vld [tilespmem:$0x190];
	vm0 =	vmand vm0, vm1;
	v13 =	vcvt.f32.s32 v13;
	v15 =	vcvt.f32.s32 v15  }
0xe0: {  	v23 =	vld [tilespmem:$0x120];
	vm0 =	vmand vm0, vm2;
	vm6 =	vge.f32 v14, $0.0e+00;
	vm7 =	vlt.f32 v14, $1.280000000e+02  }
0xe1: {  	v22 =	vld [tilespmem:$0xA0];
	vm10 =	vge.f32 v16, $0.0e+00;
	v14 =	vtrunc.f32 v14;
	vm0 =	vmand vm11, vm0  }
0xe2: {  	v12 =	vshll.u32 v12, $0x7;
	v13 =	vadd.s32 v13, v9;
	vm2 =	vmand vm6, vm3  }
0xe3: {  	vm11 =	vlt.f32 v16, $1.000000000e+00;
	v14 =	vcvt.f32.s32 v14;
	v15 =	vadd.s32 v15, v9  }
0xe4: {  	vm0 =	vmand vm12, vm0;
	v12 =	vadd.s32 v12, v13;
	vm8 =	vmand vm2, vm7  }
0xe5: {  	v13 =	vmul.f32 $1.024000020e+02, v21;
	v21 =	vmul.f32 $2.000000000e+01, v23;
	vm12 =	vgt.f32 v19, $5.000000000e-01  }
0xe6: {  	v23 =	vld [tilespmem:$0xB0];
	vm0 =	vmand vm13, vm0;
	vm15 =	vlt.u32 v12, $0x2000;
	v17 =	vmul.f32 $1.024000020e+02, v22  }
0xe7: {  	v14 =	vshll.u32 v14, $0x7;
	vm0 =	vmand vm14, vm0;
	v13 =	vmul.f32 $1.100000020e+00, v13  }
0xe8: {  	v22 =	vld [tilespmem:$0x30];
	v16 =	vmul.f32 $1.100000020e+00, v21;
	v14 =	vadd.s32 v14, v15;
	vm0 =	vmand vm15, vm0  }
0xe9: {  	v17 =	vmul.f32 $1.100000020e+00, v17;
	vm13 =	vlt.u32 v14, $0x2000;
	v12 =	vsel vm0, v12, v10  }
0xea: {  	vm0 =	vmand vm9, vm8;
	v13 =	vadd.f32 $-5.631999970e+01, v13;
	v16 =	vadd.f32 $-1.100000000e+01, v16  }
0xeb: {  	vm0 =	vmand vm10, vm0;
	v17 =	vadd.f32 $-5.631999970e+01, v17;
	v19 =	vmul.f32 $1.024000020e+02, v23  }
0xec: {  	vm0 =	vmand vm11, vm0;
	v13 =	vadd.f32 $5.120000080e+01, v13;
	v21 =	vadd.f32 $1.000000000e+01, v16  }
0xed: {  	v18 =	vmul.f32 $1.024000020e+02, v22;
	v17 =	vadd.f32 $5.120000080e+01, v17;
	v19 =	vmul.f32 $1.100000020e+00, v19  }
0xee: {  	v16 =	vld [tilespmem:$0x130];
	vm0 =	vmand vm12, vm0;
	v15 =	vmul.f32 v13, v5;
	v20 =	vmul.f32 v21, v11  }
0xef: {  	vm0 =	vmand vm13, vm0;
	v18 =	vmul.f32 $1.100000020e+00, v18;
	v17 =	vmul.f32 v17, v5  }
0xf0: {  	v13 =	vsel vm0, v14, v10;
	v19 =	vadd.f32 $-5.631999970e+01, v19;
	vm14 =	vge.f32 v15, $0.0e+00  }
0xf1: {  	vm15 =	vlt.f32 v15, $1.280000000e+02;
	vm8 =	vge.f32 v20, $0.0e+00;
	v18 =	vadd.f32 $-5.631999970e+01, v18  }
0xf2: {  	v14 =	vld [tilespmem:$0x1A0];
	vm9 =	vlt.f32 v20, $1.000000000e+00;
	v15 =	vtrunc.f32 v15;
	vm4 =	vge.f32 v17, $0.0e+00  }
0xf3: {  	vm6 =	vlt.f32 v17, $1.280000000e+02;
	v16 =	vmul.f32 $2.000000000e+01, v16;
	v19 =	vadd.f32 $5.120000080e+01, v19  }
0xf4: {  	v20 =	vld [tilespmem:$0x40];
	v15 =	vcvt.f32.s32 v15;
	v17 =	vtrunc.f32 v17;
	vm2 =	vmand vm14, vm4  }
0xf5: {  	v21 =	vld [tilespmem:$0xC0];
	v18 =	vadd.f32 $5.120000080e+01, v18;
	v22 =	vcvt.f32.s32 v17;
	vm5 =	vmand vm2, vm15  }
0xf6: {  	v16 =	vmul.f32 $1.100000020e+00, v16;
	v19 =	vmul.f32 v19, v5;
	v15 =	vshll.u32 v15, $0x7  }
0xf7: {  	vm7 =	vmand vm6, vm5;
	v18 =	vmul.f32 v18, v5;
	vm10 =	vgt.f32 v14, $5.000000000e-01  }
0xf8: {  	v14 =	vadd.s32 v22, v9;
	vm0 =	vmand vm8, vm7;
	v16 =	vadd.f32 $-1.100000000e+01, v16  }
0xf9: {  	vm12 =	vge.f32 v19, $0.0e+00;
	v14 =	vadd.s32 v15, v14;
	v17 =	vmul.f32 $1.024000020e+02, v20  }
0xfa: {  	vm14 =	vlt.f32 v19, $1.280000000e+02;
	v20 =	vmul.f32 $1.024000020e+02, v21;
	v19 =	vtrunc.f32 v19  }
0xfb: {  	vm0 =	vmand vm9, vm0;
	vm11 =	vge.f32 v18, $0.0e+00;
	vm13 =	vlt.f32 v18, $1.280000000e+02  }
0xfc: {  	vm15 =	vlt.u32 v14, $0x2000;
	v18 =	vtrunc.f32 v18;
	v19 =	vcvt.f32.s32 v19  }
0xfd: {  	v21 =	vld [tilespmem:$0x1B0];
	v16 =	vadd.f32 $1.000000000e+01, v16;
	vm2 =	vmand vm11, vm12;
	v17 =	vmul.f32 $1.100000020e+00, v17  }
0xfe: {  	vm0 =	vmand vm10, vm0;
	v20 =	vmul.f32 $1.100000020e+00, v20;
	v18 =	vcvt.f32.s32 v18  }
0xff: {  	vm2 =	vmand vm2, vm13;
	vm0 =	vmand vm15, vm0;
	v15 =	vmul.f32 v16, v11;
	v16 =	vld [tilespmem:$0x140]  }
0x100: {  	v19 =	vadd.s32 v19, v9;
	vm2 =	vmand vm14, vm2;
	v23 =	vadd.f32 $-5.631999970e+01, v17  }
0x101: {  	v22 =	vadd.f32 $-5.631999970e+01, v20;
	v14 =	vsel vm0, v14, v10;
	v20 =	vld [tilespmem:$0x50];
	v18 =	vshll.u32 v18, $0x7  }
0x102: {  	vm10 =	vgt.f32 v21, $5.000000000e-01;
	v18 =	vadd.s32 v18, v19;
	v19 =	vld [tilespmem:$0x150];
	vm6 =	vge.f32 v15, $0.0e+00  }
0x103: {  	v21 =	vld [tilespmem:$0xD0];
	vm8 =	vlt.f32 v15, $1.000000000e+00;
	v15 =	vadd.f32 $5.120000080e+01, v23;
	v17 =	vadd.f32 $5.120000080e+01, v22  }
0x104: {  	vm15 =	vlt.u32 v18, $0x2000;
	v22 =	vld [tilespmem:$0x1C0];
	vm7 =	vmand vm6, vm2;
	v16 =	vmul.f32 $2.000000000e+01, v16  }
0x105: {  	vm9 =	vmand vm8, vm7;
	v15 =	vmul.f32 v15, v5;
	v17 =	vmul.f32 v17, v5  }
0x106: {  	vm0 =	vmand vm10, vm9;
	v20 =	vmul.f32 $1.024000020e+02, v20;
	v16 =	vmul.f32 $1.100000020e+00, v16  }
0x107: {  	vm11 =	vge.f32 v15, $0.0e+00;
	vm12 =	vge.f32 v17, $0.0e+00;
	v19 =	vmul.f32 $2.000000000e+01, v19  }
0x108: {  	vm13 =	vlt.f32 v15, $1.280000000e+02;
	vm14 =	vlt.f32 v17, $1.280000000e+02;
	v16 =	vadd.f32 $-1.100000000e+01, v16  }
0x109: {  	v21 =	vmul.f32 $1.024000020e+02, v21;
	vm8 =	vgt.f32 v22, $5.000000000e-01;
	v22 =	vld [tilespmem:$0xE0];
	v19 =	vmul.f32 $1.100000020e+00, v19  }
0x10a: {  	v15 =	vtrunc.f32 v15;
	vm0 =	vmand vm15, vm0;
	v16 =	vadd.f32 $1.000000000e+01, v16  }
0x10b: {  	vm1 =	vmand vm11, vm12;
	v20 =	vmul.f32 $1.100000020e+00, v20;
	v19 =	vadd.f32 $-1.100000000e+01, v19  }
0x10c: {  	v15 =	vcvt.f32.s32 v15;
	v18 =	vsel vm0, v18, v10;
	v16 =	vmul.f32 v16, v11  }
0x10d: {  	vm1 =	vmand vm1, vm13;
	v21 =	vmul.f32 $1.100000020e+00, v21;
	v23 =	vadd.f32 $1.000000000e+01, v19;
	v19 =	vld [tilespmem:$0x160]  }
0x10e: {  	vm1 =	vmand vm14, vm1;
	v22 =	vmul.f32 $1.024000020e+02, v22;
	vm6 =	vge.f32 v16, $0.0e+00  }
0x10f: {  	vm7 =	vlt.f32 v16, $1.000000000e+00;
	v16 =	vtrunc.f32 v17;
	v17 =	vadd.f32 $-5.631999970e+01, v20  }
0x110: {  	v15 =	vshll.u32 v15, $0x7;
	v22 =	vmul.f32 $1.100000020e+00, v22;
	v20 =	vadd.f32 $-5.631999970e+01, v21;
	v21 =	vld [tilespmem:$0x60]  }
0x111: {  	vm1 =	vmand vm6, vm1;
	v16 =	vcvt.f32.s32 v16;
	v17 =	vadd.f32 $5.120000080e+01, v17  }
0x112: {  	vm1 =	vmand vm7, vm1;
	v20 =	vadd.f32 $5.120000080e+01, v20;
	v19 =	vmul.f32 $2.000000000e+01, v19  }
0x113: {  	v16 =	vadd.s32 v16, v9;
	vm1 =	vmand vm8, vm1;
	v17 =	vmul.f32 v17, v5  }
0x114: {  	v20 =	vmul.f32 v20, v5;
	v15 =	vadd.s32 v15, v16;
	v16 =	vmul.f32 v23, v11  }
0x115: {  	v19 =	vmul.f32 $1.100000020e+00, v19;
	vm11 =	vlt.u32 v15, $0x2000;
	v21 =	vmul.f32 $1.024000020e+02, v21  }
0x116: {  	vm9 =	vge.f32 v17, $0.0e+00;
	vm10 =	vge.f32 v20, $0.0e+00;
	vm12 =	vlt.f32 v17, $1.280000000e+02  }
0x117: {  	v23 =	vld [tilespmem:$0x1D0];
	vm1 =	vmand vm11, vm1;
	vm13 =	vlt.f32 v20, $1.280000000e+02;
	vm15 =	vge.f32 v16, $0.0e+00  }
0x118: {  	vm4 =	vlt.f32 v16, $1.000000000e+00;
	v16 =	vtrunc.f32 v17;
	v20 =	vtrunc.f32 v20  }
0x119: {  	v24 =	vld [tilespmem:$0x1E0];
	v19 =	vadd.f32 $-1.100000000e+01, v19;
	vm2 =	vmand vm9, vm10;
	v15 =	vsel vm1, v15, v10  }
0x11a: {  	v21 =	vmul.f32 $1.100000020e+00, v21;
	v16 =	vcvt.f32.s32 v16;
	vm2 =	vmand vm2, vm12  }
0x11b: {  	v20 =	vcvt.f32.s32 v20;
	v19 =	vadd.f32 $1.000000000e+01, v19;
	vm14 =	vmand vm13, vm2  }
0x11c: {  	v17 =	vadd.f32 $-5.631999970e+01, v21;
	v21 =	vadd.f32 $-5.631999970e+01, v22;
	v22 =	vld [tilespmem:$0x70];
	vm5 =	vgt.f32 v23, $5.000000000e-01  }
0x11d: {  	v16 =	vshll.u32 v16, $0x7;
	v23 =	vld [tilespmem:$0xF0];
	v20 =	vadd.s32 v20, v9;
	vm0 =	vmand vm15, vm14  }
0x11e: {  	v16 =	vadd.s32 v16, v20;
	v19 =	vmul.f32 v19, v11;
	vm15 =	vgt.f32 v24, $5.000000000e-01  }
0x11f: {  	v20 =	vld [tilespmem:$0x170];
	vm0 =	vmand vm4, vm0;
	v17 =	vadd.f32 $5.120000080e+01, v17;
	v21 =	vadd.f32 $5.120000080e+01, v21  }
0x120: {  	vm6 =	vlt.u32 v16, $0x2000;
	vm0 =	vmand vm5, vm0;
	vm13 =	vge.f32 v19, $0.0e+00  }
0x121: {  	vm14 =	vlt.f32 v19, $1.000000000e+00;
	v17 =	vmul.f32 v17, v5;
	v21 =	vmul.f32 v21, v5  }
0x122: {  	vm0 =	vmand vm6, vm0;
	v22 =	vmul.f32 $1.024000020e+02, v22;
	v23 =	vmul.f32 $1.024000020e+02, v23  }
0x123: {  	v16 =	vsel vm0, v16, v10;
	vm7 =	vge.f32 v17, $0.0e+00;
	vm8 =	vge.f32 v21, $0.0e+00  }
0x124: {  	vm10 =	vlt.f32 v17, $1.280000000e+02;
	v20 =	vmul.f32 $2.000000000e+01, v20;
	v17 =	vtrunc.f32 v17  }
0x125: {  	vm12 =	vlt.f32 v21, $1.280000000e+02;
	v21 =	vtrunc.f32 v21;
	v22 =	vmul.f32 $1.100000020e+00, v22  }
0x126: {  	vm9 =	vmand vm7, vm8;
	v23 =	vmul.f32 $1.100000020e+00, v23;
	v17 =	vcvt.f32.s32 v17  }
0x127: {  	vm11 =	vmand vm9, vm10;
	v20 =	vmul.f32 $1.100000020e+00, v20;
	v19 =	vadd.f32 $-5.631999970e+01, v22  }
0x128: {  	v21 =	vcvt.f32.s32 v21;
	vm1 =	vmand vm12, vm11;
	v22 =	vadd.f32 $-5.631999970e+01, v23  }
0x129: {  	v17 =	vshll.u32 v17, $0x7;
	v20 =	vadd.f32 $-1.100000000e+01, v20;
	v19 =	vadd.f32 $5.120000080e+01, v19  }
0x12a: {  	v21 =	vadd.s32 v21, v9;
	vm1 =	vmand vm13, vm1;
	v22 =	vadd.f32 $5.120000080e+01, v22  }
0x12b: {  	v17 =	vadd.s32 v17, v21;
	v20 =	vadd.f32 $1.000000000e+01, v20;
	v19 =	vmul.f32 v19, v5  }
0x12c: {  	vm1 =	vmand vm14, vm1;
	vm13 =	vlt.u32 v17, $0x2000;
	v22 =	vmul.f32 v22, v5  }
0x12d: {  	vm0 =	vmand vm15, vm1;
	v20 =	vmul.f32 v20, v11;
	vm6 =	vge.f32 v19, $0.0e+00  }
0x12e: {  	v21 =	vld [tilespmem:$0x1F0];
	vm7 =	vge.f32 v22, $0.0e+00;
	vm8 =	vlt.f32 v19, $1.280000000e+02;
	vm9 =	vlt.f32 v22, $1.280000000e+02  }
0x12f: {  	v19 =	vtrunc.f32 v19;
	v22 =	vtrunc.f32 v22;
	vm2 =	vmand vm6, vm7  }
0x130: {  	[tilespmem:$0x200] =	vst v12;
	v12 =	vcvt.f32.s32 v19;
	v23 =	vcvt.f32.s32 v22;
	vm2 =	vmand vm2, vm8  }
0x131: {  	[tilespmem:$0x210] =	vst v13;
	vm10 =	vge.f32 v20, $0.0e+00;
	vm11 =	vlt.f32 v20, $1.000000000e+00;
	vm2 =	vmand vm9, vm2  }
0x132: {  	[tilespmem:$0x220] =	vst v14;
	v12 =	vshll.u32 v12, $0x7;
	v22 =	vadd.s32 v23, v9;
	vm2 =	vmand vm10, vm2  }
0x133: {  	[tilespmem:$0x230] =	vst v18;
	vm12 =	vgt.f32 v21, $5.000000000e-01;
	v12 =	vadd.s32 v12, v22;
	vm1 =	vmand vm11, vm2  }
0x134: {  	[tilespmem:$0x240] =	vst v15;
	vm0 =	vmand vm13, vm0;
	vm14 =	vlt.u32 v12, $0x2000;
	vm1 =	vmand vm12, vm1  }
0x135: {  	[tilespmem:$0x250] =	vst v16;
	v23 =	vsel vm0, v17, v10;
	vm15 =	vmand vm14, vm1  }
0x136: {  	[tilespmem:$0x260] =	vst v23;
	v12 =	vsel vm15, v12, v10  }
0x137: {  	[tilespmem:$0x270] =	vst v12  }
0x138: {  	_ =	swait.ge [sflag:s18], $0x4000  }
0x139: {  	[sflag:s18] =	ssyncset.done $0x0  }
0x13a: {  	[sflag:s18] =	ssyncadd.s32 $0xFFFFC000  }
0x13b: {  	[spmem:s2] =	stream.indirect.scatter.add.f32 [tilespmem:s13], [sflag:$0x4], $0x80, s19, s15, $0xb8;
	[tilespmem:$0x18B00] =	vst v63  }
.Ltmp4:
0x13c: {  	_ = 	snop;
	(pc) =	sbr.rel @p1 .LBB2_4-.Ltmp4, $4  }
0x13d: {  	p2 =	sgt.u32 s24, $0xF35;
	_ =	swait.ge [sflag:s17], $0x4000  }
0x13e: {  	s0 =	sadd.s32 @!p2 s25, s5;
	s26 =	simm.s32 @!p2 $0x0;
	[sflag:s17] =	ssyncset.done $0x0  }
0x13f: {  	s28 =	simm.s32 @!p2 $0x300;
	s0 =	sadd.s32 @!p2 $0x10000, s0;
	[sflag:s17] =	ssyncadd.s32 $0xFFFFC000  }
0x140: {  	[tilespmem:s28], [sflag:$0x1] =	stream.linear.gather @!p2 [hbm4b:s0+s26], $0x4000, $0x38;
	[tilespmem:$0x18B00] =	vst v63  }
0x141: {  	s0 =	sadd.s32 $0x400, s23  }
0x142: {  	[tilespmem:s3], [sflag:$0x4] =	stream.linear.gather [hbm4b:s0+s3], $0x200, $0x38;
	[tilespmem:$0x18B00] =	vst v63  }
0x143: {  	_ =	swait.ge [sflag:s17], $0x200  }
0x144: {  	[sflag:s17] =	ssyncset.done $0x0  }
0x145: {  	[sflag:s17] =	ssyncadd.s32 $0xFFFFFE00  }
0x146: {  	v12 =	vld [tilespmem:$0x0]  }
0x147: {  	v13 =	vld [tilespmem:$0x80]  }
0x148: {  	v14 =	vld [tilespmem:$0x100]  }
0x149: {  	v15 =	vld [tilespmem:$0x10]  }
0x14a: {  	v16 =	vld [tilespmem:$0x90];
	_ =	sdelay $0x2  }
0x14b: {  	v17 =	vld [tilespmem:$0x110];
	v12 =	vmul.f32 $1.024000020e+02, v12;
	v13 =	vmul.f32 $1.024000020e+02, v13  }
0x14c: {  	v14 =	vmul.f32 $2.000000000e+01, v14;
	v15 =	vmul.f32 $1.024000020e+02, v15  }
0x14d: {  	v16 =	vmul.f32 $1.024000020e+02, v16;
	v12 =	vmul.f32 $1.100000020e+00, v12  }
0x14e: {  	v18 =	vld [tilespmem:$0x180];
	v13 =	vmul.f32 $1.100000020e+00, v13;
	v14 =	vmul.f32 $1.100000020e+00, v14  }
0x14f: {  	v15 =	vmul.f32 $1.100000020e+00, v15;
	v16 =	vmul.f32 $1.100000020e+00, v16;
	v12 =	vadd.f32 $-5.631999970e+01, v12  }
0x150: {  	v17 =	vmul.f32 $2.000000000e+01, v17;
	v13 =	vadd.f32 $-5.631999970e+01, v13;
	v14 =	vadd.f32 $-1.100000000e+01, v14  }
0x151: {  	v15 =	vadd.f32 $-5.631999970e+01, v15;
	v16 =	vadd.f32 $-5.631999970e+01, v16  }
0x152: {  	v20 =	vmul.f32 $1.100000020e+00, v17;
	v12 =	vadd.f32 $5.120000080e+01, v12;
	v13 =	vadd.f32 $5.120000080e+01, v13  }
0x153: {  	vm14 =	vgt.f32 v18, $5.000000000e-01;
	v14 =	vadd.f32 $1.000000000e+01, v14;
	v23 =	vadd.f32 $5.120000080e+01, v16  }
0x154: {  	v16 =	vadd.f32 $-1.100000000e+01, v20;
	v12 =	vmul.f32 v12, v5;
	v13 =	vmul.f32 v13, v5  }
0x155: {  	v22 =	vadd.f32 $5.120000080e+01, v15;
	v14 =	vmul.f32 v14, v11;
	v15 =	vmul.f32 v23, v5  }
0x156: {  	v16 =	vadd.f32 $1.000000000e+01, v16;
	vm0 =	vge.f32 v12, $0.0e+00;
	vm1 =	vge.f32 v13, $0.0e+00  }
0x157: {  	vm2 =	vlt.f32 v12, $1.280000000e+02;
	vm11 =	vlt.f32 v13, $1.280000000e+02;
	v12 =	vtrunc.f32 v12  }
0x158: {  	v13 =	vtrunc.f32 v13;
	vm12 =	vge.f32 v14, $0.0e+00;
	vm13 =	vlt.f32 v14, $1.000000000e+00  }
0x159: {  	v14 =	vmul.f32 v22, v5;
	vm3 =	vge.f32 v15, $0.0e+00;
	v16 =	vmul.f32 v16, v11  }
0x15a: {  	v21 =	vld [tilespmem:$0x20];
	vm9 =	vlt.f32 v15, $1.280000000e+02;
	v15 =	vtrunc.f32 v15;
	v12 =	vcvt.f32.s32 v12  }
0x15b: {  	v19 =	vld [tilespmem:$0x190];
	vm0 =	vmand vm0, vm1;
	v13 =	vcvt.f32.s32 v13;
	v15 =	vcvt.f32.s32 v15  }
0x15c: {  	v23 =	vld [tilespmem:$0x120];
	vm0 =	vmand vm0, vm2;
	vm6 =	vge.f32 v14, $0.0e+00;
	vm7 =	vlt.f32 v14, $1.280000000e+02  }
0x15d: {  	v22 =	vld [tilespmem:$0xA0];
	vm10 =	vge.f32 v16, $0.0e+00;
	v14 =	vtrunc.f32 v14;
	vm0 =	vmand vm11, vm0  }
0x15e: {  	v12 =	vshll.u32 v12, $0x7;
	v13 =	vadd.s32 v13, v9;
	vm2 =	vmand vm6, vm3  }
0x15f: {  	vm11 =	vlt.f32 v16, $1.000000000e+00;
	v14 =	vcvt.f32.s32 v14;
	v15 =	vadd.s32 v15, v9  }
0x160: {  	vm0 =	vmand vm12, vm0;
	v12 =	vadd.s32 v12, v13;
	vm8 =	vmand vm2, vm7  }
0x161: {  	v13 =	vmul.f32 $1.024000020e+02, v21;
	v21 =	vmul.f32 $2.000000000e+01, v23;
	vm12 =	vgt.f32 v19, $5.000000000e-01  }
0x162: {  	v23 =	vld [tilespmem:$0xB0];
	vm0 =	vmand vm13, vm0;
	vm15 =	vlt.u32 v12, $0x2000;
	v17 =	vmul.f32 $1.024000020e+02, v22  }
0x163: {  	v14 =	vshll.u32 v14, $0x7;
	vm0 =	vmand vm14, vm0;
	v13 =	vmul.f32 $1.100000020e+00, v13  }
0x164: {  	v22 =	vld [tilespmem:$0x30];
	v16 =	vmul.f32 $1.100000020e+00, v21;
	v14 =	vadd.s32 v14, v15;
	vm0 =	vmand vm15, vm0  }
0x165: {  	v17 =	vmul.f32 $1.100000020e+00, v17;
	vm13 =	vlt.u32 v14, $0x2000;
	v12 =	vsel vm0, v12, v10  }
0x166: {  	vm0 =	vmand vm9, vm8;
	v13 =	vadd.f32 $-5.631999970e+01, v13;
	v16 =	vadd.f32 $-1.100000000e+01, v16  }
0x167: {  	vm0 =	vmand vm10, vm0;
	v17 =	vadd.f32 $-5.631999970e+01, v17;
	v19 =	vmul.f32 $1.024000020e+02, v23  }
0x168: {  	vm0 =	vmand vm11, vm0;
	v13 =	vadd.f32 $5.120000080e+01, v13;
	v21 =	vadd.f32 $1.000000000e+01, v16  }
0x169: {  	v18 =	vmul.f32 $1.024000020e+02, v22;
	v17 =	vadd.f32 $5.120000080e+01, v17;
	v19 =	vmul.f32 $1.100000020e+00, v19  }
0x16a: {  	v16 =	vld [tilespmem:$0x130];
	vm0 =	vmand vm12, vm0;
	v15 =	vmul.f32 v13, v5;
	v20 =	vmul.f32 v21, v11  }
0x16b: {  	vm0 =	vmand vm13, vm0;
	v18 =	vmul.f32 $1.100000020e+00, v18;
	v17 =	vmul.f32 v17, v5  }
0x16c: {  	v13 =	vsel vm0, v14, v10;
	v19 =	vadd.f32 $-5.631999970e+01, v19;
	vm14 =	vge.f32 v15, $0.0e+00  }
0x16d: {  	vm15 =	vlt.f32 v15, $1.280000000e+02;
	vm8 =	vge.f32 v20, $0.0e+00;
	v18 =	vadd.f32 $-5.631999970e+01, v18  }
0x16e: {  	v14 =	vld [tilespmem:$0x1A0];
	vm9 =	vlt.f32 v20, $1.000000000e+00;
	v15 =	vtrunc.f32 v15;
	vm4 =	vge.f32 v17, $0.0e+00  }
0x16f: {  	vm6 =	vlt.f32 v17, $1.280000000e+02;
	v16 =	vmul.f32 $2.000000000e+01, v16;
	v19 =	vadd.f32 $5.120000080e+01, v19  }
0x170: {  	v20 =	vld [tilespmem:$0x40];
	v15 =	vcvt.f32.s32 v15;
	v17 =	vtrunc.f32 v17;
	vm2 =	vmand vm14, vm4  }
0x171: {  	v21 =	vld [tilespmem:$0xC0];
	v18 =	vadd.f32 $5.120000080e+01, v18;
	v22 =	vcvt.f32.s32 v17;
	vm5 =	vmand vm2, vm15  }
0x172: {  	v16 =	vmul.f32 $1.100000020e+00, v16;
	v19 =	vmul.f32 v19, v5;
	v15 =	vshll.u32 v15, $0x7  }
0x173: {  	vm7 =	vmand vm6, vm5;
	v18 =	vmul.f32 v18, v5;
	vm10 =	vgt.f32 v14, $5.000000000e-01  }
0x174: {  	v14 =	vadd.s32 v22, v9;
	vm0 =	vmand vm8, vm7;
	v16 =	vadd.f32 $-1.100000000e+01, v16  }
0x175: {  	vm12 =	vge.f32 v19, $0.0e+00;
	v14 =	vadd.s32 v15, v14;
	v17 =	vmul.f32 $1.024000020e+02, v20  }
0x176: {  	vm14 =	vlt.f32 v19, $1.280000000e+02;
	v20 =	vmul.f32 $1.024000020e+02, v21;
	v19 =	vtrunc.f32 v19  }
0x177: {  	vm0 =	vmand vm9, vm0;
	vm11 =	vge.f32 v18, $0.0e+00;
	vm13 =	vlt.f32 v18, $1.280000000e+02  }
0x178: {  	vm15 =	vlt.u32 v14, $0x2000;
	v18 =	vtrunc.f32 v18;
	v19 =	vcvt.f32.s32 v19  }
0x179: {  	v21 =	vld [tilespmem:$0x1B0];
	v16 =	vadd.f32 $1.000000000e+01, v16;
	vm2 =	vmand vm11, vm12;
	v17 =	vmul.f32 $1.100000020e+00, v17  }
0x17a: {  	vm0 =	vmand vm10, vm0;
	v20 =	vmul.f32 $1.100000020e+00, v20;
	v18 =	vcvt.f32.s32 v18  }
0x17b: {  	vm2 =	vmand vm2, vm13;
	vm0 =	vmand vm15, vm0;
	v15 =	vmul.f32 v16, v11;
	v16 =	vld [tilespmem:$0x140]  }
0x17c: {  	v19 =	vadd.s32 v19, v9;
	vm2 =	vmand vm14, vm2;
	v23 =	vadd.f32 $-5.631999970e+01, v17  }
0x17d: {  	v22 =	vadd.f32 $-5.631999970e+01, v20;
	v14 =	vsel vm0, v14, v10;
	v20 =	vld [tilespmem:$0x50];
	v18 =	vshll.u32 v18, $0x7  }
0x17e: {  	vm10 =	vgt.f32 v21, $5.000000000e-01;
	v18 =	vadd.s32 v18, v19;
	v19 =	vld [tilespmem:$0x150];
	vm6 =	vge.f32 v15, $0.0e+00  }
0x17f: {  	v21 =	vld [tilespmem:$0xD0];
	vm8 =	vlt.f32 v15, $1.000000000e+00;
	v15 =	vadd.f32 $5.120000080e+01, v23;
	v17 =	vadd.f32 $5.120000080e+01, v22  }
0x180: {  	vm15 =	vlt.u32 v18, $0x2000;
	v22 =	vld [tilespmem:$0x1C0];
	vm7 =	vmand vm6, vm2;
	v16 =	vmul.f32 $2.000000000e+01, v16  }
0x181: {  	vm9 =	vmand vm8, vm7;
	v15 =	vmul.f32 v15, v5;
	v17 =	vmul.f32 v17, v5  }
0x182: {  	vm0 =	vmand vm10, vm9;
	v20 =	vmul.f32 $1.024000020e+02, v20;
	v16 =	vmul.f32 $1.100000020e+00, v16  }
0x183: {  	vm11 =	vge.f32 v15, $0.0e+00;
	vm12 =	vge.f32 v17, $0.0e+00;
	v19 =	vmul.f32 $2.000000000e+01, v19  }
0x184: {  	vm13 =	vlt.f32 v15, $1.280000000e+02;
	vm14 =	vlt.f32 v17, $1.280000000e+02;
	v16 =	vadd.f32 $-1.100000000e+01, v16  }
0x185: {  	v21 =	vmul.f32 $1.024000020e+02, v21;
	vm8 =	vgt.f32 v22, $5.000000000e-01;
	v22 =	vld [tilespmem:$0xE0];
	v19 =	vmul.f32 $1.100000020e+00, v19  }
0x186: {  	v15 =	vtrunc.f32 v15;
	vm0 =	vmand vm15, vm0;
	v16 =	vadd.f32 $1.000000000e+01, v16  }
0x187: {  	vm1 =	vmand vm11, vm12;
	v20 =	vmul.f32 $1.100000020e+00, v20;
	v19 =	vadd.f32 $-1.100000000e+01, v19  }
0x188: {  	v15 =	vcvt.f32.s32 v15;
	v18 =	vsel vm0, v18, v10;
	v16 =	vmul.f32 v16, v11  }
0x189: {  	vm1 =	vmand vm1, vm13;
	v21 =	vmul.f32 $1.100000020e+00, v21;
	v23 =	vadd.f32 $1.000000000e+01, v19;
	v19 =	vld [tilespmem:$0x160]  }
0x18a: {  	vm1 =	vmand vm14, vm1;
	v22 =	vmul.f32 $1.024000020e+02, v22;
	vm6 =	vge.f32 v16, $0.0e+00  }
0x18b: {  	vm7 =	vlt.f32 v16, $1.000000000e+00;
	v16 =	vtrunc.f32 v17;
	v17 =	vadd.f32 $-5.631999970e+01, v20  }
0x18c: {  	v15 =	vshll.u32 v15, $0x7;
	v22 =	vmul.f32 $1.100000020e+00, v22;
	v20 =	vadd.f32 $-5.631999970e+01, v21;
	v21 =	vld [tilespmem:$0x60]  }
0x18d: {  	vm1 =	vmand vm6, vm1;
	v16 =	vcvt.f32.s32 v16;
	v17 =	vadd.f32 $5.120000080e+01, v17  }
0x18e: {  	vm1 =	vmand vm7, vm1;
	v20 =	vadd.f32 $5.120000080e+01, v20;
	v19 =	vmul.f32 $2.000000000e+01, v19  }
0x18f: {  	v16 =	vadd.s32 v16, v9;
	vm1 =	vmand vm8, vm1;
	v17 =	vmul.f32 v17, v5  }
0x190: {  	v20 =	vmul.f32 v20, v5;
	v15 =	vadd.s32 v15, v16;
	v16 =	vmul.f32 v23, v11  }
0x191: {  	v19 =	vmul.f32 $1.100000020e+00, v19;
	vm11 =	vlt.u32 v15, $0x2000;
	v21 =	vmul.f32 $1.024000020e+02, v21  }
0x192: {  	vm9 =	vge.f32 v17, $0.0e+00;
	vm10 =	vge.f32 v20, $0.0e+00;
	vm12 =	vlt.f32 v17, $1.280000000e+02  }
0x193: {  	v23 =	vld [tilespmem:$0x1D0];
	vm1 =	vmand vm11, vm1;
	vm13 =	vlt.f32 v20, $1.280000000e+02;
	vm15 =	vge.f32 v16, $0.0e+00  }
0x194: {  	vm4 =	vlt.f32 v16, $1.000000000e+00;
	v16 =	vtrunc.f32 v17;
	v20 =	vtrunc.f32 v20  }
0x195: {  	v24 =	vld [tilespmem:$0x1E0];
	v19 =	vadd.f32 $-1.100000000e+01, v19;
	vm2 =	vmand vm9, vm10;
	v15 =	vsel vm1, v15, v10  }
0x196: {  	v21 =	vmul.f32 $1.100000020e+00, v21;
	v16 =	vcvt.f32.s32 v16;
	vm2 =	vmand vm2, vm12  }
0x197: {  	v20 =	vcvt.f32.s32 v20;
	v19 =	vadd.f32 $1.000000000e+01, v19;
	vm14 =	vmand vm13, vm2  }
0x198: {  	v17 =	vadd.f32 $-5.631999970e+01, v21;
	v21 =	vadd.f32 $-5.631999970e+01, v22;
	v22 =	vld [tilespmem:$0x70];
	vm5 =	vgt.f32 v23, $5.000000000e-01  }
0x199: {  	v16 =	vshll.u32 v16, $0x7;
	v23 =	vld [tilespmem:$0xF0];
	v20 =	vadd.s32 v20, v9;
	vm0 =	vmand vm15, vm14  }
0x19a: {  	v16 =	vadd.s32 v16, v20;
	v19 =	vmul.f32 v19, v11;
	vm15 =	vgt.f32 v24, $5.000000000e-01  }
0x19b: {  	v20 =	vld [tilespmem:$0x170];
	vm0 =	vmand vm4, vm0;
	v17 =	vadd.f32 $5.120000080e+01, v17;
	v21 =	vadd.f32 $5.120000080e+01, v21  }
0x19c: {  	vm6 =	vlt.u32 v16, $0x2000;
	vm0 =	vmand vm5, vm0;
	vm13 =	vge.f32 v19, $0.0e+00  }
0x19d: {  	vm14 =	vlt.f32 v19, $1.000000000e+00;
	v17 =	vmul.f32 v17, v5;
	v21 =	vmul.f32 v21, v5  }
0x19e: {  	vm0 =	vmand vm6, vm0;
	v22 =	vmul.f32 $1.024000020e+02, v22;
	v23 =	vmul.f32 $1.024000020e+02, v23  }
0x19f: {  	v16 =	vsel vm0, v16, v10;
	vm7 =	vge.f32 v17, $0.0e+00;
	vm8 =	vge.f32 v21, $0.0e+00  }
0x1a0: {  	vm10 =	vlt.f32 v17, $1.280000000e+02;
	v20 =	vmul.f32 $2.000000000e+01, v20;
	v17 =	vtrunc.f32 v17  }
0x1a1: {  	vm12 =	vlt.f32 v21, $1.280000000e+02;
	v21 =	vtrunc.f32 v21;
	v22 =	vmul.f32 $1.100000020e+00, v22  }
0x1a2: {  	vm9 =	vmand vm7, vm8;
	v23 =	vmul.f32 $1.100000020e+00, v23;
	v17 =	vcvt.f32.s32 v17  }
0x1a3: {  	vm11 =	vmand vm9, vm10;
	v20 =	vmul.f32 $1.100000020e+00, v20;
	v19 =	vadd.f32 $-5.631999970e+01, v22  }
0x1a4: {  	v21 =	vcvt.f32.s32 v21;
	vm1 =	vmand vm12, vm11;
	v22 =	vadd.f32 $-5.631999970e+01, v23  }
0x1a5: {  	v17 =	vshll.u32 v17, $0x7;
	v20 =	vadd.f32 $-1.100000000e+01, v20;
	v19 =	vadd.f32 $5.120000080e+01, v19  }
0x1a6: {  	v21 =	vadd.s32 v21, v9;
	vm1 =	vmand vm13, vm1;
	v22 =	vadd.f32 $5.120000080e+01, v22  }
0x1a7: {  	v17 =	vadd.s32 v17, v21;
	v20 =	vadd.f32 $1.000000000e+01, v20;
	v19 =	vmul.f32 v19, v5  }
0x1a8: {  	vm1 =	vmand vm14, vm1;
	vm13 =	vlt.u32 v17, $0x2000;
	v22 =	vmul.f32 v22, v5  }
0x1a9: {  	vm0 =	vmand vm15, vm1;
	v20 =	vmul.f32 v20, v11;
	vm6 =	vge.f32 v19, $0.0e+00  }
0x1aa: {  	v21 =	vld [tilespmem:$0x1F0];
	vm7 =	vge.f32 v22, $0.0e+00;
	vm8 =	vlt.f32 v19, $1.280000000e+02;
	vm9 =	vlt.f32 v22, $1.280000000e+02  }
0x1ab: {  	v19 =	vtrunc.f32 v19;
	v22 =	vtrunc.f32 v22;
	vm2 =	vmand vm6, vm7  }
0x1ac: {  	[tilespmem:$0x200] =	vst v12;
	v12 =	vcvt.f32.s32 v19;
	v23 =	vcvt.f32.s32 v22;
	vm2 =	vmand vm2, vm8  }
0x1ad: {  	[tilespmem:$0x210] =	vst v13;
	vm10 =	vge.f32 v20, $0.0e+00;
	vm11 =	vlt.f32 v20, $1.000000000e+00;
	vm2 =	vmand vm9, vm2  }
0x1ae: {  	[tilespmem:$0x220] =	vst v14;
	v12 =	vshll.u32 v12, $0x7;
	v22 =	vadd.s32 v23, v9;
	vm2 =	vmand vm10, vm2  }
0x1af: {  	[tilespmem:$0x230] =	vst v18;
	vm12 =	vgt.f32 v21, $5.000000000e-01;
	v12 =	vadd.s32 v12, v22;
	vm1 =	vmand vm11, vm2  }
0x1b0: {  	[tilespmem:$0x240] =	vst v15;
	vm0 =	vmand vm13, vm0;
	vm14 =	vlt.u32 v12, $0x2000;
	vm1 =	vmand vm12, vm1  }
0x1b1: {  	[tilespmem:$0x250] =	vst v16;
	v23 =	vsel vm0, v17, v10;
	vm15 =	vmand vm14, vm1  }
0x1b2: {  	[tilespmem:$0x260] =	vst v23;
	v12 =	vsel vm15, v12, v10  }
0x1b3: {  	[tilespmem:$0x270] =	vst v12  }
0x1b4: {  	_ =	swait.ge [sflag:s20], $0x4000  }
0x1b5: {  	[sflag:s20] =	ssyncset.done $0x0  }
.Ltmp5:
0x1b6: {  	[sflag:s20] =	ssyncadd.s32 $0xFFFFC000;
	(pc) =	sbr.rel .LBB2_4-.Ltmp5, $4  }
0x1b7: {  	[spmem:s2] =	stream.indirect.scatter.add.f32 [tilespmem:s21], [sflag:$0x3], $0x80, s19, s15, $0xb8;
	[tilespmem:$0x18B00] =	vst v63  }
0x1b8: {  	_ =	swait.ge [sflag:s14], $0x4000  }
0x1b9: {  	[sflag:s14] =	ssyncset.done $0x0  }
0x1ba: {  	[sflag:s14] =	ssyncadd.s32 $0xFFFFC000  }
.LBB2_6:
0x1bb: {  	_ =	sfence.sel $0x180000  }
0x1bc: {  	[bflag:$0x0] =	sbarrier.arrive $0xFFFF  }
0x1bd: {  	_ =	strace $0x90000047  }
0x1be: {  	[bflag:$0x2] =	sbarrier.arrive $0xFFFF  }
0x1bf: {  	p0 =	sne.s32 s4, $0x0;
	s0 =	rddreg [dreg:$0x5]  }
0x1c0: {  	s0 =	sadd.s32 @!p0 $0x100000, s0  }
0x1c1: {  	[sflag:s0] =	ssyncadd.tile.s32 @!p0 $0x1;
	_ =	shalt  }
.Lfunc_end2:
_tile_overlayer_lowered:
.L_overlay_start_2:
0x1c2: {  	(tag) =	ssettag $0x2  }
0x1c3: {  	s0 =	rddreg [dreg:$0x0];
	s2 =	stileid.u32  }
0x1c4: {  	s1 =	rddreg [dreg:$0x1];
	p0 =	sne.s32 s2, $0x0  }
0x1c5: {  	s3 =	rddreg [dreg:$0x2];
	[bflag:$0x3] =	sbarrier.arrive $0xFFFF;
	s2 =	simm.s32 @!p0 $0x1C03  }
0x1c6: {  	[timem:s3], [sflag:s2] =	dma.local @!p0 [hbm:s0], s1  }
0x1c7: {  	s0 =	simm.s32 @!p0 $0x3  }
0x1c8: {  	_ =	swait.ge @!p0 [sflag:s0], s1  }
0x1c9: {  	s1 =	ssub.s32 @!p0 $0x0, s1;
	[sflag:s0] =	ssyncset.done @!p0 $0x0  }
0x1ca: {  	[sflag:s0] =	ssyncadd.s32 @!p0 s1  }
0x1cb: {  	[bflag:$0x3] =	sbarrier.arrive $0xFFFF  }
0x1cc: {  	_ =	shalt  }

</sc_bundles>
